<compile_context>
chip_gen: v7x
topology: tpu7x:2x2x1
jax: 0.10.2.dev20260603
libtpu: 0.0.44.dev20260713+nightly
codegen_flags: <defaults>
</compile_context>

<pallas_src>
import functools

import jax
import jax.numpy as jnp
from jax import lax
from jax.experimental import pallas as pl
from jax.experimental.pallas import tpu as pltpu
from jax.experimental.pallas import tpu_sc as plsc

BSZ = 32
BEAM = 4
VOCAB = 100000
PAD = 1
EOS = 2
UNK = 3
WORD_REWARD = 0.5
UNK_REWARD = -1.0
CAND_SIZE = 2 * BEAM
NEG_INF = -1e9

ROWS = BSZ * BEAM
NW = 32
RPW = ROWS // NW
CHUNK = 20000
NCHUNK = VOCAB // CHUNK
SEGV = 125
SEGW = SEGV * 16
SPC = CHUNK // SEGW
NSEG = VOCAB // SEGW
UNR = 25
CCAP = 1024
I32MAX = 2**31 - 1
F32NINF = float("-inf")



def _sc_topk_body(lg_hbm, ov_hbm, oi_hbm, buf, segmax, cav, cai, outv, outi,
                  sem):
    cid = lax.axis_index("c")
    sid = lax.axis_index("s")
    wid = sid * 2 + cid
    lanes = lax.broadcasted_iota(jnp.int32, (16,), 0)
    adj = jnp.where(lanes == PAD, NEG_INF,
                    jnp.where(lanes == EOS, -WORD_REWARD,
                              jnp.where(lanes == UNK, UNK_REWARD, 0.0)))
    ninf16 = jnp.full((16,), F32NINF, jnp.float32)
    zero16 = jnp.zeros((16,), jnp.int32)
    row0 = wid * RPW

    def src(r, c):
        start = pl.multiple_of((row0 + r) * VOCAB + c * CHUNK, 8)
        return lg_hbm.at[pl.ds(start, CHUNK)]

    def issue(r, c):
        return pltpu.async_copy(src(r, c), buf.at[pl.ds(c * CHUNK, CHUNK)],
                                sem)

    def issue_row(r):
        def ic(c, _):
            issue(r, c)
            return 0
        lax.fori_loop(0, NCHUNK, ic, 0)

    issue_row(0)

    def row_body(r, _):
        def clr(j, c):
            cav[pl.ds(j * 16, 16)] = ninf16
            return c
        lax.fori_loop(0, (CCAP + 16) // 16, clr, 0)

        def chunk_body(c, gmax):
            pltpu.make_async_copy(src(r, c), buf.at[pl.ds(c * CHUNK, CHUNK)],
                                  sem).wait()

            @pl.when(c == 0)
            def _():
                buf[pl.ds(0, 16)] = buf[pl.ds(0, 16)] + adj

            def seg_body(s, gm):
                sb = c * CHUNK + s * SEGW

                def inner(j, m):
                    b = sb + j * (UNR * 16)
                    for u in range(UNR):
                        m = jnp.maximum(m, buf[pl.ds(b + u * 16, 16)])
                    return m
                m = lax.fori_loop(0, SEGV // UNR, inner, ninf16)
                segmax[pl.ds((c * SPC + s) * 16, 16)] = m
                return jnp.maximum(gm, m)
            return lax.fori_loop(0, SPC, seg_body, gmax)
        gmax = lax.fori_loop(0, NCHUNK, chunk_body, ninf16)

        sk, _ = plsc.sort_key_val(gmax, gmax, descending=True)
        thr = jnp.max(jnp.where(lanes == CAND_SIZE - 1, sk, F32NINF))

        def seg_scan(s, off):
            smax = jnp.max(segmax[pl.ds(s * 16, 16)])

            def rescan(off):
                def inner(j, o):
                    b = s * SEGW + j * (UNR * 16)
                    for u in range(UNR):
                        v = buf[pl.ds(b + u * 16, 16)]
                        pc = plsc.all_reduce_population_count(v >= thr)
                        hit = pc > 0
                        okm = hit & (o < CCAP)
                        pos = o + lanes
                        iv = lanes + (b + u * 16)
                        plsc.store_scatter(cav, [pos], v, mask=okm)
                        plsc.store_scatter(cai, [pos], iv, mask=okm)
                        o = o + jnp.where(okm, 16, 0)
                    return o
                return lax.fori_loop(0, SEGV // UNR, inner, off)
            return lax.cond(smax >= thr, rescan, lambda o: o, off)
        off = lax.fori_loop(0, NSEG, seg_scan, zero16)

        @pl.when(r < RPW - 1)
        def _():
            issue_row(r + 1)

        cnt = jnp.minimum(jnp.max(off), CCAP)
        nv = (cnt + 15) // 16
        vals8 = ninf16
        idx8 = zero16
        for k in range(CAND_SIZE):
            def ea(j, g):
                return jnp.maximum(g, cav[pl.ds(j * 16, 16)])
            gm = jnp.max(lax.fori_loop(0, nv, ea, ninf16))

            def eb(j, w):
                v = cav[pl.ds(j * 16, 16)]
                iv = cai[pl.ds(j * 16, 16)]
                return jnp.minimum(w, jnp.where(v == gm, iv, I32MAX))
            wi = jnp.min(lax.fori_loop(
                0, nv, eb, jnp.full((16,), I32MAX, jnp.int32)))

            def ec(j, c):
                v = cav[pl.ds(j * 16, 16)]
                iv = cai[pl.ds(j * 16, 16)]
                cav[pl.ds(j * 16, 16)] = jnp.where(iv == wi, F32NINF, v)
                return c
            lax.fori_loop(0, nv, ec, 0)
            vals8 = jnp.where(lanes == k, gm, vals8)
            idx8 = jnp.where(lanes == k, wi, idx8)
        m8 = lanes < CAND_SIZE
        plsc.store_compressed(outv.at[pl.ds(r * CAND_SIZE, 16)], vals8,
                              mask=m8)
        plsc.store_compressed(outi.at[pl.ds(r * CAND_SIZE, 16)], idx8,
                              mask=m8)
        return 0
    lax.fori_loop(0, RPW, row_body, 0)

    nout = RPW * CAND_SIZE
    pltpu.sync_copy(outv.at[pl.ds(0, nout)],
                    ov_hbm.at[pl.ds(wid * nout, nout)])
    pltpu.sync_copy(outi.at[pl.ds(0, nout)],
                    oi_hbm.at[pl.ds(wid * nout, nout)])


def _sc_topk(lg2):
    call = pl.kernel(
        _sc_topk_body,
        out_type=[
            jax.ShapeDtypeStruct((ROWS * CAND_SIZE,), jnp.float32),
            jax.ShapeDtypeStruct((ROWS * CAND_SIZE,), jnp.int32),
        ],
        name="sc_topk",
        mesh=plsc.VectorSubcoreMesh(core_axis_name="c", subcore_axis_name="s",
                                    num_cores=2, num_subcores=16),
        compiler_params=pltpu.CompilerParams(needs_layout_passes=False),
        scratch_types=[
            pltpu.VMEM((VOCAB,), jnp.float32),
            pltpu.VMEM((NSEG * 16,), jnp.float32),
            pltpu.VMEM((CCAP + 16,), jnp.float32),
            pltpu.VMEM((CCAP + 16,), jnp.int32),
            pltpu.VMEM((RPW * CAND_SIZE + 16,), jnp.float32),
            pltpu.VMEM((RPW * CAND_SIZE + 16,), jnp.int32),
            pltpu.SemaphoreType.DMA,
        ],
    )
    return call(lg2)



_LSE_RB = 8


def _lse_body(x_ref, o_ref):
    x = x_ref[0]
    m = jnp.max(x, axis=1, keepdims=True)
    se = jnp.sum(jnp.exp(x - m), axis=1, keepdims=True)
    o_ref[...] = (m + jnp.log(se)).reshape(1, _LSE_RB, 1)


def _lse(lg3):
    nb = ROWS // _LSE_RB
    return pl.pallas_call(
        _lse_body,
        grid=(nb,),
        in_specs=[pl.BlockSpec((1, _LSE_RB, VOCAB), lambda i: (i, 0, 0))],
        out_specs=pl.BlockSpec((1, _LSE_RB, 1), lambda i: (i, 0, 0)),
        out_shape=jax.ShapeDtypeStruct((nb, _LSE_RB, 1), jnp.float32),
    )(lg3)


def _merge_body(v_ref, i_ref, s_ref, l_ref, vals_ref, idx_ref, beams_ref,
                toks_ref, eos_ref):
    y = v_ref[...]
    ii = i_ref[...]
    s = s_ref[...]
    l = l_ref[...]
    col = lax.broadcasted_iota(jnp.int32, (BSZ, BEAM * CAND_SIZE), 1)
    beam = col // CAND_SIZE
    b = y + WORD_REWARD + s - l
    flat = beam * VOCAB + ii
    lane8 = lax.broadcasted_iota(jnp.int32, (BSZ, CAND_SIZE), 1)
    ovals = jnp.zeros((BSZ, CAND_SIZE), jnp.float32)
    oidx = jnp.zeros((BSZ, CAND_SIZE), jnp.int32)
    for k in range(CAND_SIZE):
        gm = jnp.max(b, axis=1, keepdims=True)
        win = jnp.min(jnp.where(b == gm, flat, I32MAX), axis=1, keepdims=True)
        b = jnp.where(flat == win, F32NINF, b)
        ovals = jnp.where(lane8 == k, gm, ovals)
        oidx = jnp.where(lane8 == k, win, oidx)
    toks = oidx % VOCAB
    vals_ref[...] = ovals
    idx_ref[...] = oidx
    beams_ref[...] = oidx // VOCAB
    toks_ref[...] = toks
    eos_ref[...] = jnp.where(toks == EOS, jnp.int32(1), jnp.int32(0))


def _merge(yv, yi, s_rep, l_rep):
    shp8 = jax.ShapeDtypeStruct((BSZ, CAND_SIZE), jnp.float32)
    shp8i = jax.ShapeDtypeStruct((BSZ, CAND_SIZE), jnp.int32)
    return pl.pallas_call(
        _merge_body,
        out_shape=(shp8, shp8i, shp8i, shp8i, shp8i),
    )(yv, yi, s_rep, l_rep)


def kernel(logits, scores):
    lg3 = logits.reshape(ROWS // _LSE_RB, _LSE_RB, VOCAB)

    yv, yi = _sc_topk(logits.reshape(ROWS * VOCAB))
    lse = _lse(lg3)

    yv = yv.reshape(BSZ, BEAM * CAND_SIZE)
    yi = yi.reshape(BSZ, BEAM * CAND_SIZE)
    s_rep = jnp.broadcast_to(scores.reshape(BSZ, BEAM, 1),
                             (BSZ, BEAM, CAND_SIZE)).reshape(
                                 BSZ, BEAM * CAND_SIZE)
    l_rep = jnp.broadcast_to(lse.reshape(BSZ, BEAM, 1),
                             (BSZ, BEAM, CAND_SIZE)).reshape(
                                 BSZ, BEAM * CAND_SIZE)

    vals, idx, beams, toks, eos = _merge(yv, yi, s_rep, l_rep)
    return vals, idx, beams, toks, eos.astype(bool)

# --- scband reference (transcript-rebuilt; emitter-appended) ---
"""Pipeline reference for scband-sequence-generator-72387378807245 (READ-ONLY COPY).

The authoritative reference and input builder live on the scoring server;
editing this copy changes nothing except your own understanding.
"""

import jax, jax.numpy as jnp
import numpy as np

BSZ = 32
BEAM = 4
VOCAB = 100000
PAD = 1
EOS = 2
UNK = 3
WORD_REWARD = 0.5
UNK_REWARD = -1.0
CAND_SIZE = 2 * BEAM
NEG_INF = -1e9


def setup_inputs(seed: int = 0) -> dict:
    key = jax.random.key(seed)
    k1, k2 = jax.random.split(key)
    logits = jax.random.normal(k1, (BSZ * BEAM, VOCAB), dtype=jnp.float32)
    scores = jax.random.normal(k2, (BSZ * BEAM,), dtype=jnp.float32)
    return {"logits": logits, "scores": scores}


def reference(logits, scores):
    # Core beam-search candidate scoring + top-k masking step of
    # SequenceGenerator._generate (one decoding step).
    lprobs = jax.nn.log_softmax(logits, axis=-1)
    # word_reward added to every token except EOS; unk_reward added to UNK
    reward = jnp.full((VOCAB,), WORD_REWARD, dtype=lprobs.dtype)
    reward = reward.at[EOS].set(0.0)
    reward = reward.at[UNK].add(UNK_REWARD)
    lprobs = lprobs + reward[None, :]
    # never select pad
    mask = jnp.zeros((VOCAB,), dtype=bool).at[PAD].set(True)
    lprobs = jnp.where(mask[None, :], NEG_INF, lprobs)
    # accumulate with running hypothesis scores
    cand = lprobs + scores[:, None]
    # flatten beams per sentence and take top 2*beam candidates
    cand = cand.reshape(BSZ, BEAM * VOCAB)
    cand_scores, cand_indices = jax.lax.top_k(cand, CAND_SIZE)
    cand_beams = cand_indices // VOCAB
    cand_tokens = cand_indices % VOCAB
    # mark which candidates are EOS (finalization mask)
    eos_mask = cand_tokens == EOS
    return cand_scores, cand_indices, cand_beams, cand_tokens, eos_mask

if __name__ == "__main__":
    import jax
    _d = setup_inputs()
    print(jax.jit(kernel)(*tuple(_d.values())))

</pallas_src>

<mosaic_0001>
#map = affine_map<(d0, d1) -> (0)>
module attributes {stable_mosaic.version = 14 : i64} {
  func.func @sc_topk(%arg0: i32, %arg1: i32, %arg2: memref<12800000xf32, #tpu.memory_space<hbm>>, %arg3: memref<1024xf32, #tpu.memory_space<hbm>>, %arg4: memref<1024xi32, #tpu.memory_space<hbm>>, %arg5: memref<100000xf32, #tpu.memory_space<vmem>>, %arg6: memref<800xf32, #tpu.memory_space<vmem>>, %arg7: memref<1040xf32, #tpu.memory_space<vmem>>, %arg8: memref<1040xi32, #tpu.memory_space<vmem>>, %arg9: memref<48xf32, #tpu.memory_space<vmem>>, %arg10: memref<48xi32, #tpu.memory_space<vmem>>, %arg11: memref<!tpu.dma_semaphore, #tpu.memory_space<semaphore_mem>>) attributes {dimension_semantics = [#tpu.dimension_semantics<core_parallel>, #tpu.dimension_semantics<subcore_parallel>], iteration_bounds = array<i64: 2, 16>, scalar_prefetch = 0 : i64, scratch_operands = 7 : i64, tpu.core_type = #tpu.core_type<sc_vector_subcore>, window_params = [{transform_indices = #map}, {transform_indices = #map}, {transform_indices = #map}]} {
    %mul3A = arith.constant 2 : i32
    %mul3A_0 = arith.muli %arg1, %mul3A : i32
    %add3A = arith.addi %mul3A_0, %arg0 : i32
    %iota3A = tpu.iota {dimensions = array<i32: 0>} : vector<16xi32>
    %eq3A = arith.constant 1 : i32
    %eq3A_1 = vector.broadcast %eq3A : i32 to vector<16xi32>
    %eq3A_2 = arith.cmpi eq, %iota3A, %eq3A_1 : vector<16xi32>
    %eq3A_3 = arith.constant 2 : i32
    %eq3A_4 = vector.broadcast %eq3A_3 : i32 to vector<16xi32>
    %eq3A_5 = arith.cmpi eq, %iota3A, %eq3A_4 : vector<16xi32>
    %eq3A_6 = arith.constant 3 : i32
    %eq3A_7 = vector.broadcast %eq3A_6 : i32 to vector<16xi32>
    %eq3A_8 = arith.cmpi eq, %iota3A, %eq3A_7 : vector<16xi32>
    %jit3A = arith.constant -1.000000e+00 : f32
    %jit3A_9 = arith.constant 0.000000e+00 : f32
    %broadcast_in_dim3A = vector.broadcast %jit3A : f32 to vector<16xf32>
    %broadcast_in_dim3A_10 = vector.broadcast %jit3A_9 : f32 to vector<16xf32>
    %select_n3A = arith.select %eq3A_8, %broadcast_in_dim3A, %broadcast_in_dim3A_10 : vector<16xi1>, vector<16xf32>
    %jit3A_11 = arith.constant -5.000000e-01 : f32
    %broadcast_in_dim3A_12 = vector.broadcast %jit3A_11 : f32 to vector<16xf32>
    %select_n3A_13 = arith.select %eq3A_5, %broadcast_in_dim3A_12, %select_n3A : vector<16xi1>, vector<16xf32>
    %jit3A_14 = arith.constant -1.000000e+09 : f32
    %broadcast_in_dim3A_15 = vector.broadcast %jit3A_14 : f32 to vector<16xf32>
    %select_n3A_16 = arith.select %eq3A_2, %broadcast_in_dim3A_15, %select_n3A_13 : vector<16xi1>, vector<16xf32>
    %broadcast_in_dim3A_17 = arith.constant 0xFF800000 : f32
    %broadcast_in_dim3A_18 = vector.broadcast %broadcast_in_dim3A_17 : f32 to vector<16xf32>
    %broadcast_in_dim3A_19 = arith.constant 0 : i32
    %broadcast_in_dim3A_20 = vector.broadcast %broadcast_in_dim3A_19 : i32 to vector<16xi32>
    %mul3A_21 = arith.constant 4 : i32
    %mul3A_22 = arith.muli %add3A, %mul3A_21 : i32
    %scan3A = arith.constant 0 : i32
    %scan3A_23 = arith.constant 0 : i32
    %scan3A_24 = arith.constant 5 : i32
    %scan3A_25 = arith.addi %scan3A_23, %scan3A_24 : i32
    %scan3A_26 = arith.constant 1 : i32
    %scan3A_27 = scf.for %scan3A_40 = %scan3A_23 to %scan3A_25 step %scan3A_26 iter_args(%scan3A_41 = %scan3A) -> (i32)  : i32 {
      %add3A_42 = arith.constant 0 : i32
      %add3A_43 = arith.addi %mul3A_22, %add3A_42 : i32
      %mul3A_44 = arith.constant 100000 : i32
      %mul3A_45 = arith.muli %add3A_43, %mul3A_44 : i32
      %mul3A_46 = arith.constant 20000 : i32
      %mul3A_47 = arith.muli %scan3A_40, %mul3A_46 : i32
      %add3A_48 = arith.addi %mul3A_45, %mul3A_47 : i32
      %multiple_of3A = tpu.assume_multiple %add3A_48, 8 : i32
      %mul3A_49 = arith.constant 20000 : i32
      %mul3A_50 = arith.muli %scan3A_40, %mul3A_49 : i32
      %dma_start3A = tpu.memref_slice %arg5[%mul3A_50] : memref<100000xf32, #tpu.memory_space<vmem>> -> memref<20000xf32, #tpu.memory_space<vmem>>
      %dma_start3A_51 = tpu.memref_slice %arg2[%multiple_of3A] : memref<12800000xf32, #tpu.memory_space<hbm>> -> memref<20000xf32, #tpu.memory_space<hbm>>
      %dma_start3A_52 = tpu.memref_slice %arg5[%mul3A_50] : memref<100000xf32, #tpu.memory_space<vmem>> -> memref<20000xf32, #tpu.memory_space<vmem>>
      %dma_start3A_53 = tpu.memref_slice %arg2[%multiple_of3A] : memref<12800000xf32, #tpu.memory_space<hbm>> -> memref<20000xf32, #tpu.memory_space<hbm>>
      tpu.enqueue_dma source(%dma_start3A_53 : memref<20000xf32, #tpu.memory_space<hbm>>) target(%dma_start3A_52 : memref<20000xf32, #tpu.memory_space<vmem>>) target_semaphore(%arg11 : memref<!tpu.dma_semaphore, #tpu.memory_space<semaphore_mem>>)
      %scan3A_54 = arith.constant 0 : i32
      scf.yield %scan3A_54 : i32
    }
    %scan3A_28 = arith.constant 5 : i32
    %scan3A_29 = arith.constant 0 : i32
    %scan3A_30 = arith.constant 0 : i32
    %scan3A_31 = arith.constant 4 : i32
    %scan3A_32 = arith.addi %scan3A_30, %scan3A_31 : i32
    %scan3A_33 = arith.constant 1 : i32
    %scan3A_34 = scf.for %scan3A_40 = %scan3A_30 to %scan3A_32 step %scan3A_33 iter_args(%scan3A_41 = %scan3A_29) -> (i32)  : i32 {
      %scan3A_42 = arith.constant 0 : i32
      %scan3A_43 = arith.constant 0 : i32
      %scan3A_44 = arith.constant 65 : i32
      %scan3A_45 = arith.addi %scan3A_43, %scan3A_44 : i32
      %scan3A_46 = arith.constant 1 : i32
      scf.for %scan3A_560 = %scan3A_43 to %scan3A_45 step %scan3A_46  : i32 {
        %mul3A_561 = arith.constant 16 : i32
        %mul3A_562 = arith.muli %scan3A_560, %mul3A_561 : i32
        %swap3A_563 = arith.index_cast %mul3A_562 : i32 to index
        %swap3A_564 = tpu.vector_load %arg7[%swap3A_563] {strides = array<i32>} : memref<1040xf32, #tpu.memory_space<vmem>>, vector<16xf32>,
        tpu.vector_store %arg7[%swap3A_563], %broadcast_in_dim3A_18 {strides = array<i32>} : memref<1040xf32, #tpu.memory_space<vmem>>, vector<16xf32>,
      }
      %scan3A_47 = arith.constant 65 : i32
      %scan3A_48 = arith.constant 0 : i32
      %scan3A_49 = arith.constant 5 : i32
      %scan3A_50 = arith.addi %scan3A_48, %scan3A_49 : i32
      %scan3A_51 = arith.constant 1 : i32
      %scan3A_52 = scf.for %scan3A_560 = %scan3A_48 to %scan3A_50 step %scan3A_51 iter_args(%scan3A_561 = %broadcast_in_dim3A_18) -> (vector<16xf32>)  : i32 {
        %add3A_562 = arith.addi %mul3A_22, %scan3A_40 : i32
        %mul3A_563 = arith.constant 100000 : i32
        %mul3A_564 = arith.muli %add3A_562, %mul3A_563 : i32
        %mul3A_565 = arith.constant 20000 : i32
        %mul3A_566 = arith.muli %scan3A_560, %mul3A_565 : i32
        %add3A_567 = arith.addi %mul3A_564, %mul3A_566 : i32
        %multiple_of3A = tpu.assume_multiple %add3A_567, 8 : i32
        %mul3A_568 = arith.constant 20000 : i32
        %mul3A_569 = arith.muli %scan3A_560, %mul3A_568 : i32
        %dma_wait3A = tpu.memref_slice %arg5[%mul3A_569] : memref<100000xf32, #tpu.memory_space<vmem>> -> memref<20000xf32, #tpu.memory_space<vmem>>
        %dma_wait3A_570 = tpu.memref_slice %arg2[%multiple_of3A] : memref<12800000xf32, #tpu.memory_space<hbm>> -> memref<20000xf32, #tpu.memory_space<hbm>>
        %dma_wait3A_571 = tpu.memref_slice %arg5[%mul3A_569] : memref<100000xf32, #tpu.memory_space<vmem>> -> memref<20000xf32, #tpu.memory_space<vmem>>
        %dma_wait3A_572 = tpu.memref_slice %arg2[%multiple_of3A] : memref<12800000xf32, #tpu.memory_space<hbm>> -> memref<20000xf32, #tpu.memory_space<hbm>>
        tpu.wait_dma2 semaphore(%arg11 : memref<!tpu.dma_semaphore, #tpu.memory_space<semaphore_mem>>) src(%dma_wait3A_572 : memref<20000xf32, #tpu.memory_space<hbm>>) dst(%dma_wait3A_571 : memref<20000xf32, #tpu.memory_space<vmem>>)
        %eq3A_573 = arith.constant 0 : i32
        %eq3A_574 = arith.cmpi eq, %scan3A_560, %eq3A_573 : i32
        %convert_element_type3A_575 = arith.extui %eq3A_574 : i1 to i32
        %cond3A_576 = arith.constant 0 : i32
        %cond3A_577 = arith.cmpi ne, %convert_element_type3A_575, %cond3A_576 : i32
        scf.if %cond3A_577 {
          %get3A = arith.constant 0 : index
          %get3A_584 = tpu.vector_load %arg5[%get3A] {strides = array<i32>} : memref<100000xf32, #tpu.memory_space<vmem>>, vector<16xf32>,
          %add3A_585 = arith.addf %get3A_584, %select_n3A_16 : vector<16xf32>
          %swap3A_586 = arith.constant 0 : index
          %swap3A_587 = tpu.vector_load %arg5[%swap3A_586] {strides = array<i32>} : memref<100000xf32, #tpu.memory_space<vmem>>, vector<16xf32>,
          tpu.vector_store %arg5[%swap3A_586], %add3A_585 {strides = array<i32>} : memref<100000xf32, #tpu.memory_space<vmem>>, vector<16xf32>,
        } else {
        }
        %scan3A_578 = arith.constant 0 : i32
        %scan3A_579 = arith.constant 10 : i32
        %scan3A_580 = arith.addi %scan3A_578, %scan3A_579 : i32
        %scan3A_581 = arith.constant 1 : i32
        %scan3A_582 = scf.for %scan3A_584 = %scan3A_578 to %scan3A_580 step %scan3A_581 iter_args(%scan3A_585 = %scan3A_561) -> (vector<16xf32>)  : i32 {
          %mul3A_586 = arith.constant 20000 : i32
          %mul3A_587 = arith.muli %scan3A_560, %mul3A_586 : i32
          %mul3A_588 = arith.constant 2000 : i32
          %mul3A_589 = arith.muli %scan3A_584, %mul3A_588 : i32
          %add3A_590 = arith.addi %mul3A_587, %mul3A_589 : i32
          %scan3A_591 = arith.constant 0 : i32
          %scan3A_592 = arith.constant 5 : i32
          %scan3A_593 = arith.addi %scan3A_591, %scan3A_592 : i32
          %scan3A_594 = arith.constant 1 : i32
          %scan3A_595 = scf.for %scan3A_604 = %scan3A_591 to %scan3A_593 step %scan3A_594 iter_args(%scan3A_605 = %broadcast_in_dim3A_18) -> (vector<16xf32>)  : i32 {
            %mul3A_606 = arith.constant 400 : i32
            %mul3A_607 = arith.muli %scan3A_604, %mul3A_606 : i32
            %add3A_608 = arith.addi %add3A_590, %mul3A_607 : i32
            %add3A_609 = arith.constant 0 : i32
            %add3A_610 = arith.addi %add3A_608, %add3A_609 : i32
            %get3A = arith.index_cast %add3A_610 : i32 to index
            %get3A_611 = tpu.vector_load %arg5[%get3A] {strides = array<i32>} : memref<100000xf32, #tpu.memory_space<vmem>>, vector<16xf32>,
            %max3A_612 = arith.maximumf %scan3A_605, %get3A_611 : vector<16xf32>
            %add3A_613 = arith.constant 16 : i32
            %add3A_614 = arith.addi %add3A_608, %add3A_613 : i32
            %get3A_615 = arith.index_cast %add3A_614 : i32 to index
            %get3A_616 = tpu.vector_load %arg5[%get3A_615] {strides = array<i32>} : memref<100000xf32, #tpu.memory_space<vmem>>, vector<16xf32>,
            %max3A_617 = arith.maximumf %max3A_612, %get3A_616 : vector<16xf32>
            %add3A_618 = arith.constant 32 : i32
            %add3A_619 = arith.addi %add3A_608, %add3A_618 : i32
            %get3A_620 = arith.index_cast %add3A_619 : i32 to index
            %get3A_621 = tpu.vector_load %arg5[%get3A_620] {strides = array<i32>} : memref<100000xf32, #tpu.memory_space<vmem>>, vector<16xf32>,
            %max3A_622 = arith.maximumf %max3A_617, %get3A_621 : vector<16xf32>
            %add3A_623 = arith.constant 48 : i32
            %add3A_624 = arith.addi %add3A_608, %add3A_623 : i32
            %get3A_625 = arith.index_cast %add3A_624 : i32 to index
            %get3A_626 = tpu.vector_load %arg5[%get3A_625] {strides = array<i32>} : memref<100000xf32, #tpu.memory_space<vmem>>, vector<16xf32>,
            %max3A_627 = arith.maximumf %max3A_622, %get3A_626 : vector<16xf32>
            %add3A_628 = arith.constant 64 : i32
            %add3A_629 = arith.addi %add3A_608, %add3A_628 : i32
            %get3A_630 = arith.index_cast %add3A_629 : i32 to index
            %get3A_631 = tpu.vector_load %arg5[%get3A_630] {strides = array<i32>} : memref<100000xf32, #tpu.memory_space<vmem>>, vector<16xf32>,
            %max3A_632 = arith.maximumf %max3A_627, %get3A_631 : vector<16xf32>
            %add3A_633 = arith.constant 80 : i32
            %add3A_634 = arith.addi %add3A_608, %add3A_633 : i32
            %get3A_635 = arith.index_cast %add3A_634 : i32 to index
            %get3A_636 = tpu.vector_load %arg5[%get3A_635] {strides = array<i32>} : memref<100000xf32, #tpu.memory_space<vmem>>, vector<16xf32>,
            %max3A_637 = arith.maximumf %max3A_632, %get3A_636 : vector<16xf32>
            %add3A_638 = arith.constant 96 : i32
            %add3A_639 = arith.addi %add3A_608, %add3A_638 : i32
            %get3A_640 = arith.index_cast %add3A_639 : i32 to index
            %get3A_641 = tpu.vector_load %arg5[%get3A_640] {strides = array<i32>} : memref<100000xf32, #tpu.memory_space<vmem>>, vector<16xf32>,
            %max3A_642 = arith.maximumf %max3A_637, %get3A_641 : vector<16xf32>
            %add3A_643 = arith.constant 112 : i32
            %add3A_644 = arith.addi %add3A_608, %add3A_643 : i32
            %get3A_645 = arith.index_cast %add3A_644 : i32 to index
            %get3A_646 = tpu.vector_load %arg5[%get3A_645] {strides = array<i32>} : memref<100000xf32, #tpu.memory_space<vmem>>, vector<16xf32>,
            %max3A_647 = arith.maximumf %max3A_642, %get3A_646 : vector<16xf32>
            %add3A_648 = arith.constant 128 : i32
            %add3A_649 = arith.addi %add3A_608, %add3A_648 : i32
            %get3A_650 = arith.index_cast %add3A_649 : i32 to index
            %get3A_651 = tpu.vector_load %arg5[%get3A_650] {strides = array<i32>} : memref<100000xf32, #tpu.memory_space<vmem>>, vector<16xf32>,
            %max3A_652 = arith.maximumf %max3A_647, %get3A_651 : vector<16xf32>
            %add3A_653 = arith.constant 144 : i32
            %add3A_654 = arith.addi %add3A_608, %add3A_653 : i32
            %get3A_655 = arith.index_cast %add3A_654 : i32 to index
            %get3A_656 = tpu.vector_load %arg5[%get3A_655] {strides = array<i32>} : memref<100000xf32, #tpu.memory_space<vmem>>, vector<16xf32>,
            %max3A_657 = arith.maximumf %max3A_652, %get3A_656 : vector<16xf32>
            %add3A_658 = arith.constant 160 : i32
            %add3A_659 = arith.addi %add3A_608, %add3A_658 : i32
            %get3A_660 = arith.index_cast %add3A_659 : i32 to index
            %get3A_661 = tpu.vector_load %arg5[%get3A_660] {strides = array<i32>} : memref<100000xf32, #tpu.memory_space<vmem>>, vector<16xf32>,
            %max3A_662 = arith.maximumf %max3A_657, %get3A_661 : vector<16xf32>
            %add3A_663 = arith.constant 176 : i32
            %add3A_664 = arith.addi %add3A_608, %add3A_663 : i32
            %get3A_665 = arith.index_cast %add3A_664 : i32 to index
            %get3A_666 = tpu.vector_load %arg5[%get3A_665] {strides = array<i32>} : memref<100000xf32, #tpu.memory_space<vmem>>, vector<16xf32>,
            %max3A_667 = arith.maximumf %max3A_662, %get3A_666 : vector<16xf32>
            %add3A_668 = arith.constant 192 : i32
            %add3A_669 = arith.addi %add3A_608, %add3A_668 : i32
            %get3A_670 = arith.index_cast %add3A_669 : i32 to index
            %get3A_671 = tpu.vector_load %arg5[%get3A_670] {strides = array<i32>} : memref<100000xf32, #tpu.memory_space<vmem>>, vector<16xf32>,
            %max3A_672 = arith.maximumf %max3A_667, %get3A_671 : vector<16xf32>
            %add3A_673 = arith.constant 208 : i32
            %add3A_674 = arith.addi %add3A_608, %add3A_673 : i32
            %get3A_675 = arith.index_cast %add3A_674 : i32 to index
            %get3A_676 = tpu.vector_load %arg5[%get3A_675] {strides = array<i32>} : memref<100000xf32, #tpu.memory_space<vmem>>, vector<16xf32>,
            %max3A_677 = arith.maximumf %max3A_672, %get3A_676 : vector<16xf32>
            %add3A_678 = arith.constant 224 : i32
            %add3A_679 = arith.addi %add3A_608, %add3A_678 : i32
            %get3A_680 = arith.index_cast %add3A_679 : i32 to index
            %get3A_681 = tpu.vector_load %arg5[%get3A_680] {strides = array<i32>} : memref<100000xf32, #tpu.memory_space<vmem>>, vector<16xf32>,
            %max3A_682 = arith.maximumf %max3A_677, %get3A_681 : vector<16xf32>
            %add3A_683 = arith.constant 240 : i32
            %add3A_684 = arith.addi %add3A_608, %add3A_683 : i32
            %get3A_685 = arith.index_cast %add3A_684 : i32 to index
            %get3A_686 = tpu.vector_load %arg5[%get3A_685] {strides = array<i32>} : memref<100000xf32, #tpu.memory_space<vmem>>, vector<16xf32>,
            %max3A_687 = arith.maximumf %max3A_682, %get3A_686 : vector<16xf32>
            %add3A_688 = arith.constant 256 : i32
            %add3A_689 = arith.addi %add3A_608, %add3A_688 : i32
            %get3A_690 = arith.index_cast %add3A_689 : i32 to index
            %get3A_691 = tpu.vector_load %arg5[%get3A_690] {strides = array<i32>} : memref<100000xf32, #tpu.memory_space<vmem>>, vector<16xf32>,
            %max3A_692 = arith.maximumf %max3A_687, %get3A_691 : vector<16xf32>
            %add3A_693 = arith.constant 272 : i32
            %add3A_694 = arith.addi %add3A_608, %add3A_693 : i32
            %get3A_695 = arith.index_cast %add3A_694 : i32 to index
            %get3A_696 = tpu.vector_load %arg5[%get3A_695] {strides = array<i32>} : memref<100000xf32, #tpu.memory_space<vmem>>, vector<16xf32>,
            %max3A_697 = arith.maximumf %max3A_692, %get3A_696 : vector<16xf32>
            %add3A_698 = arith.constant 288 : i32
            %add3A_699 = arith.addi %add3A_608, %add3A_698 : i32
            %get3A_700 = arith.index_cast %add3A_699 : i32 to index
            %get3A_701 = tpu.vector_load %arg5[%get3A_700] {strides = array<i32>} : memref<100000xf32, #tpu.memory_space<vmem>>, vector<16xf32>,
            %max3A_702 = arith.maximumf %max3A_697, %get3A_701 : vector<16xf32>
            %add3A_703 = arith.constant 304 : i32
            %add3A_704 = arith.addi %add3A_608, %add3A_703 : i32
            %get3A_705 = arith.index_cast %add3A_704 : i32 to index
            %get3A_706 = tpu.vector_load %arg5[%get3A_705] {strides = array<i32>} : memref<100000xf32, #tpu.memory_space<vmem>>, vector<16xf32>,
            %max3A_707 = arith.maximumf %max3A_702, %get3A_706 : vector<16xf32>
            %add3A_708 = arith.constant 320 : i32
            %add3A_709 = arith.addi %add3A_608, %add3A_708 : i32
            %get3A_710 = arith.index_cast %add3A_709 : i32 to index
            %get3A_711 = tpu.vector_load %arg5[%get3A_710] {strides = array<i32>} : memref<100000xf32, #tpu.memory_space<vmem>>, vector<16xf32>,
            %max3A_712 = arith.maximumf %max3A_707, %get3A_711 : vector<16xf32>
            %add3A_713 = arith.constant 336 : i32
            %add3A_714 = arith.addi %add3A_608, %add3A_713 : i32
            %get3A_715 = arith.index_cast %add3A_714 : i32 to index
            %get3A_716 = tpu.vector_load %arg5[%get3A_715] {strides = array<i32>} : memref<100000xf32, #tpu.memory_space<vmem>>, vector<16xf32>,
            %max3A_717 = arith.maximumf %max3A_712, %get3A_716 : vector<16xf32>
            %add3A_718 = arith.constant 352 : i32
            %add3A_719 = arith.addi %add3A_608, %add3A_718 : i32
            %get3A_720 = arith.index_cast %add3A_719 : i32 to index
            %get3A_721 = tpu.vector_load %arg5[%get3A_720] {strides = array<i32>} : memref<100000xf32, #tpu.memory_space<vmem>>, vector<16xf32>,
            %max3A_722 = arith.maximumf %max3A_717, %get3A_721 : vector<16xf32>
            %add3A_723 = arith.constant 368 : i32
            %add3A_724 = arith.addi %add3A_608, %add3A_723 : i32
            %get3A_725 = arith.index_cast %add3A_724 : i32 to index
            %get3A_726 = tpu.vector_load %arg5[%get3A_725] {strides = array<i32>} : memref<100000xf32, #tpu.memory_space<vmem>>, vector<16xf32>,
            %max3A_727 = arith.maximumf %max3A_722, %get3A_726 : vector<16xf32>
            %add3A_728 = arith.constant 384 : i32
            %add3A_729 = arith.addi %add3A_608, %add3A_728 : i32
            %get3A_730 = arith.index_cast %add3A_729 : i32 to index
            %get3A_731 = tpu.vector_load %arg5[%get3A_730] {strides = array<i32>} : memref<100000xf32, #tpu.memory_space<vmem>>, vector<16xf32>,
            %max3A_732 = arith.maximumf %max3A_727, %get3A_731 : vector<16xf32>
            scf.yield %max3A_732 : vector<16xf32>
          }
          %scan3A_596 = arith.constant 5 : i32
          %mul3A_597 = arith.constant 10 : i32
          %mul3A_598 = arith.muli %scan3A_560, %mul3A_597 : i32
          %add3A_599 = arith.addi %mul3A_598, %scan3A_584 : i32
          %mul3A_600 = arith.constant 16 : i32
          %mul3A_601 = arith.muli %add3A_599, %mul3A_600 : i32
          %swap3A_602 = arith.index_cast %mul3A_601 : i32 to index
          %swap3A_603 = tpu.vector_load %arg6[%swap3A_602] {strides = array<i32>} : memref<800xf32, #tpu.memory_space<vmem>>, vector<16xf32>,
          tpu.vector_store %arg6[%swap3A_602], %scan3A_595 {strides = array<i32>} : memref<800xf32, #tpu.memory_space<vmem>>, vector<16xf32>,
          %max3A = arith.maximumf %scan3A_585, %scan3A_595 : vector<16xf32>
          scf.yield %max3A : vector<16xf32>
        }
        %scan3A_583 = arith.constant 10 : i32
        scf.yield %scan3A_582 : vector<16xf32>
      }
      %scan3A_53 = arith.constant 5 : i32
      %masked_sort3A = arith.constant dense<true> : vector<16xi1>
      %masked_sort3A_54, %masked_sort3A_55, %masked_sort3A_56 = tpu.sort %scan3A_52, %scan3A_52 masked %masked_sort3A {descending = true} : (vector<16xf32>, vector<16xf32>, vector<16xi1>) -> (vector<16xi1>, vector<16xf32>, vector<16xf32>)
      %eq3A_57 = arith.constant 7 : i32
      %eq3A_58 = vector.broadcast %eq3A_57 : i32 to vector<16xi32>
      %eq3A_59 = arith.cmpi eq, %iota3A, %eq3A_58 : vector<16xi32>
      %jit3A_60 = arith.constant 0xFF800000 : f32
      %broadcast_in_dim3A_61 = vector.broadcast %jit3A_60 : f32 to vector<16xf32>
      %select_n3A_62 = arith.select %eq3A_59, %masked_sort3A_55, %broadcast_in_dim3A_61 : vector<16xi1>, vector<16xf32>
      %reduce_max3A = arith.constant true
      %reduce_max3A_63 = vector.broadcast %reduce_max3A : i1 to vector<16xi1>
      %reduce_max3A_64 = tpu.scan <max>, %select_n3A_62 masked %reduce_max3A_63 : vector<16xf32>, vector<16xi1> -> vector<16xf32>
      %reduce_max3A_65 = vector.extract %reduce_max3A_64[15] : f32 from vector<16xf32>
      %scan3A_66 = arith.constant 0 : i32
      %scan3A_67 = arith.constant 50 : i32
      %scan3A_68 = arith.addi %scan3A_66, %scan3A_67 : i32
      %scan3A_69 = arith.constant 1 : i32
      %scan3A_70 = scf.for %scan3A_560 = %scan3A_66 to %scan3A_68 step %scan3A_69 iter_args(%scan3A_561 = %broadcast_in_dim3A_20) -> (vector<16xi32>)  : i32 {
        %mul3A_562 = arith.constant 16 : i32
        %mul3A_563 = arith.muli %scan3A_560, %mul3A_562 : i32
        %get3A = arith.index_cast %mul3A_563 : i32 to index
        %get3A_564 = tpu.vector_load %arg6[%get3A] {strides = array<i32>} : memref<800xf32, #tpu.memory_space<vmem>>, vector<16xf32>,
        %reduce_max3A_565 = arith.constant true
        %reduce_max3A_566 = vector.broadcast %reduce_max3A_565 : i1 to vector<16xi1>
        %reduce_max3A_567 = tpu.scan <max>, %get3A_564 masked %reduce_max3A_566 : vector<16xf32>, vector<16xi1> -> vector<16xf32>
        %reduce_max3A_568 = vector.extract %reduce_max3A_567[15] : f32 from vector<16xf32>
        %ge3A = arith.cmpf oge, %reduce_max3A_568, %reduce_max3A_65 : f32
        %convert_element_type3A_569 = arith.extui %ge3A : i1 to i32
        %cond3A_570 = arith.constant 0 : i32
        %cond3A_571 = arith.cmpi ne, %convert_element_type3A_569, %cond3A_570 : i32
        %cond3A_572 = scf.if %cond3A_571 -> (vector<16xi32>) {
          %scan3A_573 = arith.constant 0 : i32
          %scan3A_574 = arith.constant 5 : i32
          %scan3A_575 = arith.addi %scan3A_573, %scan3A_574 : i32
          %scan3A_576 = arith.constant 1 : i32
          %scan3A_577 = scf.for %scan3A_579 = %scan3A_573 to %scan3A_575 step %scan3A_576 iter_args(%scan3A_580 = %scan3A_561) -> (vector<16xi32>)  : i32 {
            %mul3A_581 = arith.constant 2000 : i32
            %mul3A_582 = arith.muli %scan3A_560, %mul3A_581 : i32
            %mul3A_583 = arith.constant 400 : i32
            %mul3A_584 = arith.muli %scan3A_579, %mul3A_583 : i32
            %add3A_585 = arith.addi %mul3A_582, %mul3A_584 : i32
            %add3A_586 = arith.constant 0 : i32
            %add3A_587 = arith.addi %add3A_585, %add3A_586 : i32
            %get3A_588 = arith.index_cast %add3A_587 : i32 to index
            %get3A_589 = tpu.vector_load %arg5[%get3A_588] {strides = array<i32>} : memref<100000xf32, #tpu.memory_space<vmem>>, vector<16xf32>,
            %ge3A_590 = vector.broadcast %reduce_max3A_65 : f32 to vector<16xf32>
            %ge3A_591 = arith.cmpf oge, %get3A_589, %ge3A_590 : vector<16xf32>
            %all_reduce_population_count3A = tpu.all_reduce %ge3A_591 {dim = 0 : i64, kind = #tpu.reduction_kind<sum>} : vector<16xi1> -> vector<16xi32>
            %gt3A = arith.constant 0 : i32
            %gt3A_592 = vector.broadcast %gt3A : i32 to vector<16xi32>
            %gt3A_593 = arith.cmpi sgt, %all_reduce_population_count3A, %gt3A_592 : vector<16xi32>
            %lt3A_594 = arith.constant 1024 : i32
            %lt3A_595 = vector.broadcast %lt3A_594 : i32 to vector<16xi32>
            %lt3A_596 = arith.cmpi slt, %scan3A_580, %lt3A_595 : vector<16xi32>
            %and3A_597 = arith.andi %gt3A_593, %lt3A_596 : vector<16xi1>
            %add3A_598 = arith.addi %scan3A_580, %iota3A : vector<16xi32>
            %add3A_599 = arith.constant 0 : i32
            %add3A_600 = arith.addi %add3A_585, %add3A_599 : i32
            %add3A_601 = vector.broadcast %add3A_600 : i32 to vector<16xi32>
            %add3A_602 = arith.addi %iota3A, %add3A_601 : vector<16xi32>
            tpu.vector_store_idx %arg7[%add3A_598], %get3A_589 masked %and3A_597 : memref<1040xf32, #tpu.memory_space<vmem>>[vector<16xi32>], vector<16xf32>, vector<16xi1>
            tpu.vector_store_idx %arg8[%add3A_598], %add3A_602 masked %and3A_597 : memref<1040xi32, #tpu.memory_space<vmem>>[vector<16xi32>], vector<16xi32>, vector<16xi1>
            %jit3A_603 = arith.constant 16 : i32
            %jit3A_604 = arith.constant 0 : i32
            %broadcast_in_dim3A_605 = vector.broadcast %jit3A_603 : i32 to vector<16xi32>
            %broadcast_in_dim3A_606 = vector.broadcast %jit3A_604 : i32 to vector<16xi32>
            %select_n3A_607 = arith.select %and3A_597, %broadcast_in_dim3A_605, %broadcast_in_dim3A_606 : vector<16xi1>, vector<16xi32>
            %add3A_608 = arith.addi %scan3A_580, %select_n3A_607 : vector<16xi32>
            %add3A_609 = arith.constant 16 : i32
            %add3A_610 = arith.addi %add3A_585, %add3A_609 : i32
            %get3A_611 = arith.index_cast %add3A_610 : i32 to index
            %get3A_612 = tpu.vector_load %arg5[%get3A_611] {strides = array<i32>} : memref<100000xf32, #tpu.memory_space<vmem>>, vector<16xf32>,
            %ge3A_613 = vector.broadcast %reduce_max3A_65 : f32 to vector<16xf32>
            %ge3A_614 = arith.cmpf oge, %get3A_612, %ge3A_613 : vector<16xf32>
            %all_reduce_population_count3A_615 = tpu.all_reduce %ge3A_614 {dim = 0 : i64, kind = #tpu.reduction_kind<sum>} : vector<16xi1> -> vector<16xi32>
            %gt3A_616 = arith.constant 0 : i32
            %gt3A_617 = vector.broadcast %gt3A_616 : i32 to vector<16xi32>
            %gt3A_618 = arith.cmpi sgt, %all_reduce_population_count3A_615, %gt3A_617 : vector<16xi32>
            %lt3A_619 = arith.constant 1024 : i32
            %lt3A_620 = vector.broadcast %lt3A_619 : i32 to vector<16xi32>
            %lt3A_621 = arith.cmpi slt, %add3A_608, %lt3A_620 : vector<16xi32>
            %and3A_622 = arith.andi %gt3A_618, %lt3A_621 : vector<16xi1>
            %add3A_623 = arith.addi %add3A_608, %iota3A : vector<16xi32>
            %add3A_624 = arith.constant 16 : i32
            %add3A_625 = arith.addi %add3A_585, %add3A_624 : i32
            %add3A_626 = vector.broadcast %add3A_625 : i32 to vector<16xi32>
            %add3A_627 = arith.addi %iota3A, %add3A_626 : vector<16xi32>
            tpu.vector_store_idx %arg7[%add3A_623], %get3A_612 masked %and3A_622 : memref<1040xf32, #tpu.memory_space<vmem>>[vector<16xi32>], vector<16xf32>, vector<16xi1>
            tpu.vector_store_idx %arg8[%add3A_623], %add3A_627 masked %and3A_622 : memref<1040xi32, #tpu.memory_space<vmem>>[vector<16xi32>], vector<16xi32>, vector<16xi1>
            %jit3A_628 = arith.constant 16 : i32
            %jit3A_629 = arith.constant 0 : i32
            %broadcast_in_dim3A_630 = vector.broadcast %jit3A_628 : i32 to vector<16xi32>
            %broadcast_in_dim3A_631 = vector.broadcast %jit3A_629 : i32 to vector<16xi32>
            %select_n3A_632 = arith.select %and3A_622, %broadcast_in_dim3A_630, %broadcast_in_dim3A_631 : vector<16xi1>, vector<16xi32>
            %add3A_633 = arith.addi %add3A_608, %select_n3A_632 : vector<16xi32>
            %add3A_634 = arith.constant 32 : i32
            %add3A_635 = arith.addi %add3A_585, %add3A_634 : i32
            %get3A_636 = arith.index_cast %add3A_635 : i32 to index
            %get3A_637 = tpu.vector_load %arg5[%get3A_636] {strides = array<i32>} : memref<100000xf32, #tpu.memory_space<vmem>>, vector<16xf32>,
            %ge3A_638 = vector.broadcast %reduce_max3A_65 : f32 to vector<16xf32>
            %ge3A_639 = arith.cmpf oge, %get3A_637, %ge3A_638 : vector<16xf32>
            %all_reduce_population_count3A_640 = tpu.all_reduce %ge3A_639 {dim = 0 : i64, kind = #tpu.reduction_kind<sum>} : vector<16xi1> -> vector<16xi32>
            %gt3A_641 = arith.constant 0 : i32
            %gt3A_642 = vector.broadcast %gt3A_641 : i32 to vector<16xi32>
            %gt3A_643 = arith.cmpi sgt, %all_reduce_population_count3A_640, %gt3A_642 : vector<16xi32>
            %lt3A_644 = arith.constant 1024 : i32
            %lt3A_645 = vector.broadcast %lt3A_644 : i32 to vector<16xi32>
            %lt3A_646 = arith.cmpi slt, %add3A_633, %lt3A_645 : vector<16xi32>
            %and3A_647 = arith.andi %gt3A_643, %lt3A_646 : vector<16xi1>
            %add3A_648 = arith.addi %add3A_633, %iota3A : vector<16xi32>
            %add3A_649 = arith.constant 32 : i32
            %add3A_650 = arith.addi %add3A_585, %add3A_649 : i32
            %add3A_651 = vector.broadcast %add3A_650 : i32 to vector<16xi32>
            %add3A_652 = arith.addi %iota3A, %add3A_651 : vector<16xi32>
            tpu.vector_store_idx %arg7[%add3A_648], %get3A_637 masked %and3A_647 : memref<1040xf32, #tpu.memory_space<vmem>>[vector<16xi32>], vector<16xf32>, vector<16xi1>
            tpu.vector_store_idx %arg8[%add3A_648], %add3A_652 masked %and3A_647 : memref<1040xi32, #tpu.memory_space<vmem>>[vector<16xi32>], vector<16xi32>, vector<16xi1>
            %jit3A_653 = arith.constant 16 : i32
            %jit3A_654 = arith.constant 0 : i32
            %broadcast_in_dim3A_655 = vector.broadcast %jit3A_653 : i32 to vector<16xi32>
            %broadcast_in_dim3A_656 = vector.broadcast %jit3A_654 : i32 to vector<16xi32>
            %select_n3A_657 = arith.select %and3A_647, %broadcast_in_dim3A_655, %broadcast_in_dim3A_656 : vector<16xi1>, vector<16xi32>
            %add3A_658 = arith.addi %add3A_633, %select_n3A_657 : vector<16xi32>
            %add3A_659 = arith.constant 48 : i32
            %add3A_660 = arith.addi %add3A_585, %add3A_659 : i32
            %get3A_661 = arith.index_cast %add3A_660 : i32 to index
            %get3A_662 = tpu.vector_load %arg5[%get3A_661] {strides = array<i32>} : memref<100000xf32, #tpu.memory_space<vmem>>, vector<16xf32>,
            %ge3A_663 = vector.broadcast %reduce_max3A_65 : f32 to vector<16xf32>
            %ge3A_664 = arith.cmpf oge, %get3A_662, %ge3A_663 : vector<16xf32>
            %all_reduce_population_count3A_665 = tpu.all_reduce %ge3A_664 {dim = 0 : i64, kind = #tpu.reduction_kind<sum>} : vector<16xi1> -> vector<16xi32>
            %gt3A_666 = arith.constant 0 : i32
            %gt3A_667 = vector.broadcast %gt3A_666 : i32 to vector<16xi32>
            %gt3A_668 = arith.cmpi sgt, %all_reduce_population_count3A_665, %gt3A_667 : vector<16xi32>
            %lt3A_669 = arith.constant 1024 : i32
            %lt3A_670 = vector.broadcast %lt3A_669 : i32 to vector<16xi32>
            %lt3A_671 = arith.cmpi slt, %add3A_658, %lt3A_670 : vector<16xi32>
            %and3A_672 = arith.andi %gt3A_668, %lt3A_671 : vector<16xi1>
            %add3A_673 = arith.addi %add3A_658, %iota3A : vector<16xi32>
            %add3A_674 = arith.constant 48 : i32
            %add3A_675 = arith.addi %add3A_585, %add3A_674 : i32
            %add3A_676 = vector.broadcast %add3A_675 : i32 to vector<16xi32>
            %add3A_677 = arith.addi %iota3A, %add3A_676 : vector<16xi32>
            tpu.vector_store_idx %arg7[%add3A_673], %get3A_662 masked %and3A_672 : memref<1040xf32, #tpu.memory_space<vmem>>[vector<16xi32>], vector<16xf32>, vector<16xi1>
            tpu.vector_store_idx %arg8[%add3A_673], %add3A_677 masked %and3A_672 : memref<1040xi32, #tpu.memory_space<vmem>>[vector<16xi32>], vector<16xi32>, vector<16xi1>
            %jit3A_678 = arith.constant 16 : i32
            %jit3A_679 = arith.constant 0 : i32
            %broadcast_in_dim3A_680 = vector.broadcast %jit3A_678 : i32 to vector<16xi32>
            %broadcast_in_dim3A_681 = vector.broadcast %jit3A_679 : i32 to vector<16xi32>
            %select_n3A_682 = arith.select %and3A_672, %broadcast_in_dim3A_680, %broadcast_in_dim3A_681 : vector<16xi1>, vector<16xi32>
            %add3A_683 = arith.addi %add3A_658, %select_n3A_682 : vector<16xi32>
            %add3A_684 = arith.constant 64 : i32
            %add3A_685 = arith.addi %add3A_585, %add3A_684 : i32
            %get3A_686 = arith.index_cast %add3A_685 : i32 to index
            %get3A_687 = tpu.vector_load %arg5[%get3A_686] {strides = array<i32>} : memref<100000xf32, #tpu.memory_space<vmem>>, vector<16xf32>,
            %ge3A_688 = vector.broadcast %reduce_max3A_65 : f32 to vector<16xf32>
            %ge3A_689 = arith.cmpf oge, %get3A_687, %ge3A_688 : vector<16xf32>
            %all_reduce_population_count3A_690 = tpu.all_reduce %ge3A_689 {dim = 0 : i64, kind = #tpu.reduction_kind<sum>} : vector<16xi1> -> vector<16xi32>
            %gt3A_691 = arith.constant 0 : i32
            %gt3A_692 = vector.broadcast %gt3A_691 : i32 to vector<16xi32>
            %gt3A_693 = arith.cmpi sgt, %all_reduce_population_count3A_690, %gt3A_692 : vector<16xi32>
            %lt3A_694 = arith.constant 1024 : i32
            %lt3A_695 = vector.broadcast %lt3A_694 : i32 to vector<16xi32>
            %lt3A_696 = arith.cmpi slt, %add3A_683, %lt3A_695 : vector<16xi32>
            %and3A_697 = arith.andi %gt3A_693, %lt3A_696 : vector<16xi1>
            %add3A_698 = arith.addi %add3A_683, %iota3A : vector<16xi32>
            %add3A_699 = arith.constant 64 : i32
            %add3A_700 = arith.addi %add3A_585, %add3A_699 : i32
            %add3A_701 = vector.broadcast %add3A_700 : i32 to vector<16xi32>
            %add3A_702 = arith.addi %iota3A, %add3A_701 : vector<16xi32>
            tpu.vector_store_idx %arg7[%add3A_698], %get3A_687 masked %and3A_697 : memref<1040xf32, #tpu.memory_space<vmem>>[vector<16xi32>], vector<16xf32>, vector<16xi1>
            tpu.vector_store_idx %arg8[%add3A_698], %add3A_702 masked %and3A_697 : memref<1040xi32, #tpu.memory_space<vmem>>[vector<16xi32>], vector<16xi32>, vector<16xi1>
            %jit3A_703 = arith.constant 16 : i32
            %jit3A_704 = arith.constant 0 : i32
            %broadcast_in_dim3A_705 = vector.broadcast %jit3A_703 : i32 to vector<16xi32>
            %broadcast_in_dim3A_706 = vector.broadcast %jit3A_704 : i32 to vector<16xi32>
            %select_n3A_707 = arith.select %and3A_697, %broadcast_in_dim3A_705, %broadcast_in_dim3A_706 : vector<16xi1>, vector<16xi32>
            %add3A_708 = arith.addi %add3A_683, %select_n3A_707 : vector<16xi32>
            %add3A_709 = arith.constant 80 : i32
            %add3A_710 = arith.addi %add3A_585, %add3A_709 : i32
            %get3A_711 = arith.index_cast %add3A_710 : i32 to index
            %get3A_712 = tpu.vector_load %arg5[%get3A_711] {strides = array<i32>} : memref<100000xf32, #tpu.memory_space<vmem>>, vector<16xf32>,
            %ge3A_713 = vector.broadcast %reduce_max3A_65 : f32 to vector<16xf32>
            %ge3A_714 = arith.cmpf oge, %get3A_712, %ge3A_713 : vector<16xf32>
            %all_reduce_population_count3A_715 = tpu.all_reduce %ge3A_714 {dim = 0 : i64, kind = #tpu.reduction_kind<sum>} : vector<16xi1> -> vector<16xi32>
            %gt3A_716 = arith.constant 0 : i32
            %gt3A_717 = vector.broadcast %gt3A_716 : i32 to vector<16xi32>
            %gt3A_718 = arith.cmpi sgt, %all_reduce_population_count3A_715, %gt3A_717 : vector<16xi32>
            %lt3A_719 = arith.constant 1024 : i32
            %lt3A_720 = vector.broadcast %lt3A_719 : i32 to vector<16xi32>
            %lt3A_721 = arith.cmpi slt, %add3A_708, %lt3A_720 : vector<16xi32>
            %and3A_722 = arith.andi %gt3A_718, %lt3A_721 : vector<16xi1>
            %add3A_723 = arith.addi %add3A_708, %iota3A : vector<16xi32>
            %add3A_724 = arith.constant 80 : i32
            %add3A_725 = arith.addi %add3A_585, %add3A_724 : i32
            %add3A_726 = vector.broadcast %add3A_725 : i32 to vector<16xi32>
            %add3A_727 = arith.addi %iota3A, %add3A_726 : vector<16xi32>
            tpu.vector_store_idx %arg7[%add3A_723], %get3A_712 masked %and3A_722 : memref<1040xf32, #tpu.memory_space<vmem>>[vector<16xi32>], vector<16xf32>, vector<16xi1>
            tpu.vector_store_idx %arg8[%add3A_723], %add3A_727 masked %and3A_722 : memref<1040xi32, #tpu.memory_space<vmem>>[vector<16xi32>], vector<16xi32>, vector<16xi1>
            %jit3A_728 = arith.constant 16 : i32
            %jit3A_729 = arith.constant 0 : i32
            %broadcast_in_dim3A_730 = vector.broadcast %jit3A_728 : i32 to vector<16xi32>
            %broadcast_in_dim3A_731 = vector.broadcast %jit3A_729 : i32 to vector<16xi32>
            %select_n3A_732 = arith.select %and3A_722, %broadcast_in_dim3A_730, %broadcast_in_dim3A_731 : vector<16xi1>, vector<16xi32>
            %add3A_733 = arith.addi %add3A_708, %select_n3A_732 : vector<16xi32>
            %add3A_734 = arith.constant 96 : i32
            %add3A_735 = arith.addi %add3A_585, %add3A_734 : i32
            %get3A_736 = arith.index_cast %add3A_735 : i32 to index
            %get3A_737 = tpu.vector_load %arg5[%get3A_736] {strides = array<i32>} : memref<100000xf32, #tpu.memory_space<vmem>>, vector<16xf32>,
            %ge3A_738 = vector.broadcast %reduce_max3A_65 : f32 to vector<16xf32>
            %ge3A_739 = arith.cmpf oge, %get3A_737, %ge3A_738 : vector<16xf32>
            %all_reduce_population_count3A_740 = tpu.all_reduce %ge3A_739 {dim = 0 : i64, kind = #tpu.reduction_kind<sum>} : vector<16xi1> -> vector<16xi32>
            %gt3A_741 = arith.constant 0 : i32
            %gt3A_742 = vector.broadcast %gt3A_741 : i32 to vector<16xi32>
            %gt3A_743 = arith.cmpi sgt, %all_reduce_population_count3A_740, %gt3A_742 : vector<16xi32>
            %lt3A_744 = arith.constant 1024 : i32
            %lt3A_745 = vector.broadcast %lt3A_744 : i32 to vector<16xi32>
            %lt3A_746 = arith.cmpi slt, %add3A_733, %lt3A_745 : vector<16xi32>
            %and3A_747 = arith.andi %gt3A_743, %lt3A_746 : vector<16xi1>
            %add3A_748 = arith.addi %add3A_733, %iota3A : vector<16xi32>
            %add3A_749 = arith.constant 96 : i32
            %add3A_750 = arith.addi %add3A_585, %add3A_749 : i32
            %add3A_751 = vector.broadcast %add3A_750 : i32 to vector<16xi32>
            %add3A_752 = arith.addi %iota3A, %add3A_751 : vector<16xi32>
            tpu.vector_store_idx %arg7[%add3A_748], %get3A_737 masked %and3A_747 : memref<1040xf32, #tpu.memory_space<vmem>>[vector<16xi32>], vector<16xf32>, vector<16xi1>
            tpu.vector_store_idx %arg8[%add3A_748], %add3A_752 masked %and3A_747 : memref<1040xi32, #tpu.memory_space<vmem>>[vector<16xi32>], vector<16xi32>, vector<16xi1>
            %jit3A_753 = arith.constant 16 : i32
            %jit3A_754 = arith.constant 0 : i32
            %broadcast_in_dim3A_755 = vector.broadcast %jit3A_753 : i32 to vector<16xi32>
            %broadcast_in_dim3A_756 = vector.broadcast %jit3A_754 : i32 to vector<16xi32>
            %select_n3A_757 = arith.select %and3A_747, %broadcast_in_dim3A_755, %broadcast_in_dim3A_756 : vector<16xi1>, vector<16xi32>
            %add3A_758 = arith.addi %add3A_733, %select_n3A_757 : vector<16xi32>
            %add3A_759 = arith.constant 112 : i32
            %add3A_760 = arith.addi %add3A_585, %add3A_759 : i32
            %get3A_761 = arith.index_cast %add3A_760 : i32 to index
            %get3A_762 = tpu.vector_load %arg5[%get3A_761] {strides = array<i32>} : memref<100000xf32, #tpu.memory_space<vmem>>, vector<16xf32>,
            %ge3A_763 = vector.broadcast %reduce_max3A_65 : f32 to vector<16xf32>
            %ge3A_764 = arith.cmpf oge, %get3A_762, %ge3A_763 : vector<16xf32>
            %all_reduce_population_count3A_765 = tpu.all_reduce %ge3A_764 {dim = 0 : i64, kind = #tpu.reduction_kind<sum>} : vector<16xi1> -> vector<16xi32>
            %gt3A_766 = arith.constant 0 : i32
            %gt3A_767 = vector.broadcast %gt3A_766 : i32 to vector<16xi32>
            %gt3A_768 = arith.cmpi sgt, %all_reduce_population_count3A_765, %gt3A_767 : vector<16xi32>
            %lt3A_769 = arith.constant 1024 : i32
            %lt3A_770 = vector.broadcast %lt3A_769 : i32 to vector<16xi32>
            %lt3A_771 = arith.cmpi slt, %add3A_758, %lt3A_770 : vector<16xi32>
            %and3A_772 = arith.andi %gt3A_768, %lt3A_771 : vector<16xi1>
            %add3A_773 = arith.addi %add3A_758, %iota3A : vector<16xi32>
            %add3A_774 = arith.constant 112 : i32
            %add3A_775 = arith.addi %add3A_585, %add3A_774 : i32
            %add3A_776 = vector.broadcast %add3A_775 : i32 to vector<16xi32>
            %add3A_777 = arith.addi %iota3A, %add3A_776 : vector<16xi32>
            tpu.vector_store_idx %arg7[%add3A_773], %get3A_762 masked %and3A_772 : memref<1040xf32, #tpu.memory_space<vmem>>[vector<16xi32>], vector<16xf32>, vector<16xi1>
            tpu.vector_store_idx %arg8[%add3A_773], %add3A_777 masked %and3A_772 : memref<1040xi32, #tpu.memory_space<vmem>>[vector<16xi32>], vector<16xi32>, vector<16xi1>
            %jit3A_778 = arith.constant 16 : i32
            %jit3A_779 = arith.constant 0 : i32
            %broadcast_in_dim3A_780 = vector.broadcast %jit3A_778 : i32 to vector<16xi32>
            %broadcast_in_dim3A_781 = vector.broadcast %jit3A_779 : i32 to vector<16xi32>
            %select_n3A_782 = arith.select %and3A_772, %broadcast_in_dim3A_780, %broadcast_in_dim3A_781 : vector<16xi1>, vector<16xi32>
            %add3A_783 = arith.addi %add3A_758, %select_n3A_782 : vector<16xi32>
            %add3A_784 = arith.constant 128 : i32
            %add3A_785 = arith.addi %add3A_585, %add3A_784 : i32
            %get3A_786 = arith.index_cast %add3A_785 : i32 to index
            %get3A_787 = tpu.vector_load %arg5[%get3A_786] {strides = array<i32>} : memref<100000xf32, #tpu.memory_space<vmem>>, vector<16xf32>,
            %ge3A_788 = vector.broadcast %reduce_max3A_65 : f32 to vector<16xf32>
            %ge3A_789 = arith.cmpf oge, %get3A_787, %ge3A_788 : vector<16xf32>
            %all_reduce_population_count3A_790 = tpu.all_reduce %ge3A_789 {dim = 0 : i64, kind = #tpu.reduction_kind<sum>} : vector<16xi1> -> vector<16xi32>
            %gt3A_791 = arith.constant 0 : i32
            %gt3A_792 = vector.broadcast %gt3A_791 : i32 to vector<16xi32>
            %gt3A_793 = arith.cmpi sgt, %all_reduce_population_count3A_790, %gt3A_792 : vector<16xi32>
            %lt3A_794 = arith.constant 1024 : i32
            %lt3A_795 = vector.broadcast %lt3A_794 : i32 to vector<16xi32>
            %lt3A_796 = arith.cmpi slt, %add3A_783, %lt3A_795 : vector<16xi32>
            %and3A_797 = arith.andi %gt3A_793, %lt3A_796 : vector<16xi1>
            %add3A_798 = arith.addi %add3A_783, %iota3A : vector<16xi32>
            %add3A_799 = arith.constant 128 : i32
            %add3A_800 = arith.addi %add3A_585, %add3A_799 : i32
            %add3A_801 = vector.broadcast %add3A_800 : i32 to vector<16xi32>
            %add3A_802 = arith.addi %iota3A, %add3A_801 : vector<16xi32>
            tpu.vector_store_idx %arg7[%add3A_798], %get3A_787 masked %and3A_797 : memref<1040xf32, #tpu.memory_space<vmem>>[vector<16xi32>], vector<16xf32>, vector<16xi1>
            tpu.vector_store_idx %arg8[%add3A_798], %add3A_802 masked %and3A_797 : memref<1040xi32, #tpu.memory_space<vmem>>[vector<16xi32>], vector<16xi32>, vector<16xi1>
            %jit3A_803 = arith.constant 16 : i32
            %jit3A_804 = arith.constant 0 : i32
            %broadcast_in_dim3A_805 = vector.broadcast %jit3A_803 : i32 to vector<16xi32>
            %broadcast_in_dim3A_806 = vector.broadcast %jit3A_804 : i32 to vector<16xi32>
            %select_n3A_807 = arith.select %and3A_797, %broadcast_in_dim3A_805, %broadcast_in_dim3A_806 : vector<16xi1>, vector<16xi32>
            %add3A_808 = arith.addi %add3A_783, %select_n3A_807 : vector<16xi32>
            %add3A_809 = arith.constant 144 : i32
            %add3A_810 = arith.addi %add3A_585, %add3A_809 : i32
            %get3A_811 = arith.index_cast %add3A_810 : i32 to index
            %get3A_812 = tpu.vector_load %arg5[%get3A_811] {strides = array<i32>} : memref<100000xf32, #tpu.memory_space<vmem>>, vector<16xf32>,
            %ge3A_813 = vector.broadcast %reduce_max3A_65 : f32 to vector<16xf32>
            %ge3A_814 = arith.cmpf oge, %get3A_812, %ge3A_813 : vector<16xf32>
            %all_reduce_population_count3A_815 = tpu.all_reduce %ge3A_814 {dim = 0 : i64, kind = #tpu.reduction_kind<sum>} : vector<16xi1> -> vector<16xi32>
            %gt3A_816 = arith.constant 0 : i32
            %gt3A_817 = vector.broadcast %gt3A_816 : i32 to vector<16xi32>
            %gt3A_818 = arith.cmpi sgt, %all_reduce_population_count3A_815, %gt3A_817 : vector<16xi32>
            %lt3A_819 = arith.constant 1024 : i32
            %lt3A_820 = vector.broadcast %lt3A_819 : i32 to vector<16xi32>
            %lt3A_821 = arith.cmpi slt, %add3A_808, %lt3A_820 : vector<16xi32>
            %and3A_822 = arith.andi %gt3A_818, %lt3A_821 : vector<16xi1>
            %add3A_823 = arith.addi %add3A_808, %iota3A : vector<16xi32>
            %add3A_824 = arith.constant 144 : i32
            %add3A_825 = arith.addi %add3A_585, %add3A_824 : i32
            %add3A_826 = vector.broadcast %add3A_825 : i32 to vector<16xi32>
            %add3A_827 = arith.addi %iota3A, %add3A_826 : vector<16xi32>
            tpu.vector_store_idx %arg7[%add3A_823], %get3A_812 masked %and3A_822 : memref<1040xf32, #tpu.memory_space<vmem>>[vector<16xi32>], vector<16xf32>, vector<16xi1>
            tpu.vector_store_idx %arg8[%add3A_823], %add3A_827 masked %and3A_822 : memref<1040xi32, #tpu.memory_space<vmem>>[vector<16xi32>], vector<16xi32>, vector<16xi1>
            %jit3A_828 = arith.constant 16 : i32
            %jit3A_829 = arith.constant 0 : i32
            %broadcast_in_dim3A_830 = vector.broadcast %jit3A_828 : i32 to vector<16xi32>
            %broadcast_in_dim3A_831 = vector.broadcast %jit3A_829 : i32 to vector<16xi32>
            %select_n3A_832 = arith.select %and3A_822, %broadcast_in_dim3A_830, %broadcast_in_dim3A_831 : vector<16xi1>, vector<16xi32>
            %add3A_833 = arith.addi %add3A_808, %select_n3A_832 : vector<16xi32>
            %add3A_834 = arith.constant 160 : i32
            %add3A_835 = arith.addi %add3A_585, %add3A_834 : i32
            %get3A_836 = arith.index_cast %add3A_835 : i32 to index
            %get3A_837 = tpu.vector_load %arg5[%get3A_836] {strides = array<i32>} : memref<100000xf32, #tpu.memory_space<vmem>>, vector<16xf32>,
            %ge3A_838 = vector.broadcast %reduce_max3A_65 : f32 to vector<16xf32>
            %ge3A_839 = arith.cmpf oge, %get3A_837, %ge3A_838 : vector<16xf32>
            %all_reduce_population_count3A_840 = tpu.all_reduce %ge3A_839 {dim = 0 : i64, kind = #tpu.reduction_kind<sum>} : vector<16xi1> -> vector<16xi32>
            %gt3A_841 = arith.constant 0 : i32
            %gt3A_842 = vector.broadcast %gt3A_841 : i32 to vector<16xi32>
            %gt3A_843 = arith.cmpi sgt, %all_reduce_population_count3A_840, %gt3A_842 : vector<16xi32>
            %lt3A_844 = arith.constant 1024 : i32
            %lt3A_845 = vector.broadcast %lt3A_844 : i32 to vector<16xi32>
            %lt3A_846 = arith.cmpi slt, %add3A_833, %lt3A_845 : vector<16xi32>
            %and3A_847 = arith.andi %gt3A_843, %lt3A_846 : vector<16xi1>
            %add3A_848 = arith.addi %add3A_833, %iota3A : vector<16xi32>
            %add3A_849 = arith.constant 160 : i32
            %add3A_850 = arith.addi %add3A_585, %add3A_849 : i32
            %add3A_851 = vector.broadcast %add3A_850 : i32 to vector<16xi32>
            %add3A_852 = arith.addi %iota3A, %add3A_851 : vector<16xi32>
            tpu.vector_store_idx %arg7[%add3A_848], %get3A_837 masked %and3A_847 : memref<1040xf32, #tpu.memory_space<vmem>>[vector<16xi32>], vector<16xf32>, vector<16xi1>
            tpu.vector_store_idx %arg8[%add3A_848], %add3A_852 masked %and3A_847 : memref<1040xi32, #tpu.memory_space<vmem>>[vector<16xi32>], vector<16xi32>, vector<16xi1>
            %jit3A_853 = arith.constant 16 : i32
            %jit3A_854 = arith.constant 0 : i32
            %broadcast_in_dim3A_855 = vector.broadcast %jit3A_853 : i32 to vector<16xi32>
            %broadcast_in_dim3A_856 = vector.broadcast %jit3A_854 : i32 to vector<16xi32>
            %select_n3A_857 = arith.select %and3A_847, %broadcast_in_dim3A_855, %broadcast_in_dim3A_856 : vector<16xi1>, vector<16xi32>
            %add3A_858 = arith.addi %add3A_833, %select_n3A_857 : vector<16xi32>
            %add3A_859 = arith.constant 176 : i32
            %add3A_860 = arith.addi %add3A_585, %add3A_859 : i32
            %get3A_861 = arith.index_cast %add3A_860 : i32 to index
            %get3A_862 = tpu.vector_load %arg5[%get3A_861] {strides = array<i32>} : memref<100000xf32, #tpu.memory_space<vmem>>, vector<16xf32>,
            %ge3A_863 = vector.broadcast %reduce_max3A_65 : f32 to vector<16xf32>
            %ge3A_864 = arith.cmpf oge, %get3A_862, %ge3A_863 : vector<16xf32>
            %all_reduce_population_count3A_865 = tpu.all_reduce %ge3A_864 {dim = 0 : i64, kind = #tpu.reduction_kind<sum>} : vector<16xi1> -> vector<16xi32>
            %gt3A_866 = arith.constant 0 : i32
            %gt3A_867 = vector.broadcast %gt3A_866 : i32 to vector<16xi32>
            %gt3A_868 = arith.cmpi sgt, %all_reduce_population_count3A_865, %gt3A_867 : vector<16xi32>
            %lt3A_869 = arith.constant 1024 : i32
            %lt3A_870 = vector.broadcast %lt3A_869 : i32 to vector<16xi32>
            %lt3A_871 = arith.cmpi slt, %add3A_858, %lt3A_870 : vector<16xi32>
            %and3A_872 = arith.andi %gt3A_868, %lt3A_871 : vector<16xi1>
            %add3A_873 = arith.addi %add3A_858, %iota3A : vector<16xi32>
            %add3A_874 = arith.constant 176 : i32
            %add3A_875 = arith.addi %add3A_585, %add3A_874 : i32
            %add3A_876 = vector.broadcast %add3A_875 : i32 to vector<16xi32>
            %add3A_877 = arith.addi %iota3A, %add3A_876 : vector<16xi32>
            tpu.vector_store_idx %arg7[%add3A_873], %get3A_862 masked %and3A_872 : memref<1040xf32, #tpu.memory_space<vmem>>[vector<16xi32>], vector<16xf32>, vector<16xi1>
            tpu.vector_store_idx %arg8[%add3A_873], %add3A_877 masked %and3A_872 : memref<1040xi32, #tpu.memory_space<vmem>>[vector<16xi32>], vector<16xi32>, vector<16xi1>
            %jit3A_878 = arith.constant 16 : i32
            %jit3A_879 = arith.constant 0 : i32
            %broadcast_in_dim3A_880 = vector.broadcast %jit3A_878 : i32 to vector<16xi32>
            %broadcast_in_dim3A_881 = vector.broadcast %jit3A_879 : i32 to vector<16xi32>
            %select_n3A_882 = arith.select %and3A_872, %broadcast_in_dim3A_880, %broadcast_in_dim3A_881 : vector<16xi1>, vector<16xi32>
            %add3A_883 = arith.addi %add3A_858, %select_n3A_882 : vector<16xi32>
            %add3A_884 = arith.constant 192 : i32
            %add3A_885 = arith.addi %add3A_585, %add3A_884 : i32
            %get3A_886 = arith.index_cast %add3A_885 : i32 to index
            %get3A_887 = tpu.vector_load %arg5[%get3A_886] {strides = array<i32>} : memref<100000xf32, #tpu.memory_space<vmem>>, vector<16xf32>,
            %ge3A_888 = vector.broadcast %reduce_max3A_65 : f32 to vector<16xf32>
            %ge3A_889 = arith.cmpf oge, %get3A_887, %ge3A_888 : vector<16xf32>
            %all_reduce_population_count3A_890 = tpu.all_reduce %ge3A_889 {dim = 0 : i64, kind = #tpu.reduction_kind<sum>} : vector<16xi1> -> vector<16xi32>
            %gt3A_891 = arith.constant 0 : i32
            %gt3A_892 = vector.broadcast %gt3A_891 : i32 to vector<16xi32>
            %gt3A_893 = arith.cmpi sgt, %all_reduce_population_count3A_890, %gt3A_892 : vector<16xi32>
            %lt3A_894 = arith.constant 1024 : i32
            %lt3A_895 = vector.broadcast %lt3A_894 : i32 to vector<16xi32>
            %lt3A_896 = arith.cmpi slt, %add3A_883, %lt3A_895 : vector<16xi32>
            %and3A_897 = arith.andi %gt3A_893, %lt3A_896 : vector<16xi1>
            %add3A_898 = arith.addi %add3A_883, %iota3A : vector<16xi32>
            %add3A_899 = arith.constant 192 : i32
            %add3A_900 = arith.addi %add3A_585, %add3A_899 : i32
            %add3A_901 = vector.broadcast %add3A_900 : i32 to vector<16xi32>
            %add3A_902 = arith.addi %iota3A, %add3A_901 : vector<16xi32>
            tpu.vector_store_idx %arg7[%add3A_898], %get3A_887 masked %and3A_897 : memref<1040xf32, #tpu.memory_space<vmem>>[vector<16xi32>], vector<16xf32>, vector<16xi1>
            tpu.vector_store_idx %arg8[%add3A_898], %add3A_902 masked %and3A_897 : memref<1040xi32, #tpu.memory_space<vmem>>[vector<16xi32>], vector<16xi32>, vector<16xi1>
            %jit3A_903 = arith.constant 16 : i32
            %jit3A_904 = arith.constant 0 : i32
            %broadcast_in_dim3A_905 = vector.broadcast %jit3A_903 : i32 to vector<16xi32>
            %broadcast_in_dim3A_906 = vector.broadcast %jit3A_904 : i32 to vector<16xi32>
            %select_n3A_907 = arith.select %and3A_897, %broadcast_in_dim3A_905, %broadcast_in_dim3A_906 : vector<16xi1>, vector<16xi32>
            %add3A_908 = arith.addi %add3A_883, %select_n3A_907 : vector<16xi32>
            %add3A_909 = arith.constant 208 : i32
            %add3A_910 = arith.addi %add3A_585, %add3A_909 : i32
            %get3A_911 = arith.index_cast %add3A_910 : i32 to index
            %get3A_912 = tpu.vector_load %arg5[%get3A_911] {strides = array<i32>} : memref<100000xf32, #tpu.memory_space<vmem>>, vector<16xf32>,
            %ge3A_913 = vector.broadcast %reduce_max3A_65 : f32 to vector<16xf32>
            %ge3A_914 = arith.cmpf oge, %get3A_912, %ge3A_913 : vector<16xf32>
            %all_reduce_population_count3A_915 = tpu.all_reduce %ge3A_914 {dim = 0 : i64, kind = #tpu.reduction_kind<sum>} : vector<16xi1> -> vector<16xi32>
            %gt3A_916 = arith.constant 0 : i32
            %gt3A_917 = vector.broadcast %gt3A_916 : i32 to vector<16xi32>
            %gt3A_918 = arith.cmpi sgt, %all_reduce_population_count3A_915, %gt3A_917 : vector<16xi32>
            %lt3A_919 = arith.constant 1024 : i32
            %lt3A_920 = vector.broadcast %lt3A_919 : i32 to vector<16xi32>
            %lt3A_921 = arith.cmpi slt, %add3A_908, %lt3A_920 : vector<16xi32>
            %and3A_922 = arith.andi %gt3A_918, %lt3A_921 : vector<16xi1>
            %add3A_923 = arith.addi %add3A_908, %iota3A : vector<16xi32>
            %add3A_924 = arith.constant 208 : i32
            %add3A_925 = arith.addi %add3A_585, %add3A_924 : i32
            %add3A_926 = vector.broadcast %add3A_925 : i32 to vector<16xi32>
            %add3A_927 = arith.addi %iota3A, %add3A_926 : vector<16xi32>
            tpu.vector_store_idx %arg7[%add3A_923], %get3A_912 masked %and3A_922 : memref<1040xf32, #tpu.memory_space<vmem>>[vector<16xi32>], vector<16xf32>, vector<16xi1>
            tpu.vector_store_idx %arg8[%add3A_923], %add3A_927 masked %and3A_922 : memref<1040xi32, #tpu.memory_space<vmem>>[vector<16xi32>], vector<16xi32>, vector<16xi1>
            %jit3A_928 = arith.constant 16 : i32
            %jit3A_929 = arith.constant 0 : i32
            %broadcast_in_dim3A_930 = vector.broadcast %jit3A_928 : i32 to vector<16xi32>
            %broadcast_in_dim3A_931 = vector.broadcast %jit3A_929 : i32 to vector<16xi32>
            %select_n3A_932 = arith.select %and3A_922, %broadcast_in_dim3A_930, %broadcast_in_dim3A_931 : vector<16xi1>, vector<16xi32>
            %add3A_933 = arith.addi %add3A_908, %select_n3A_932 : vector<16xi32>
            %add3A_934 = arith.constant 224 : i32
            %add3A_935 = arith.addi %add3A_585, %add3A_934 : i32
            %get3A_936 = arith.index_cast %add3A_935 : i32 to index
            %get3A_937 = tpu.vector_load %arg5[%get3A_936] {strides = array<i32>} : memref<100000xf32, #tpu.memory_space<vmem>>, vector<16xf32>,
            %ge3A_938 = vector.broadcast %reduce_max3A_65 : f32 to vector<16xf32>
            %ge3A_939 = arith.cmpf oge, %get3A_937, %ge3A_938 : vector<16xf32>
            %all_reduce_population_count3A_940 = tpu.all_reduce %ge3A_939 {dim = 0 : i64, kind = #tpu.reduction_kind<sum>} : vector<16xi1> -> vector<16xi32>
            %gt3A_941 = arith.constant 0 : i32
            %gt3A_942 = vector.broadcast %gt3A_941 : i32 to vector<16xi32>
            %gt3A_943 = arith.cmpi sgt, %all_reduce_population_count3A_940, %gt3A_942 : vector<16xi32>
            %lt3A_944 = arith.constant 1024 : i32
            %lt3A_945 = vector.broadcast %lt3A_944 : i32 to vector<16xi32>
            %lt3A_946 = arith.cmpi slt, %add3A_933, %lt3A_945 : vector<16xi32>
            %and3A_947 = arith.andi %gt3A_943, %lt3A_946 : vector<16xi1>
            %add3A_948 = arith.addi %add3A_933, %iota3A : vector<16xi32>
            %add3A_949 = arith.constant 224 : i32
            %add3A_950 = arith.addi %add3A_585, %add3A_949 : i32
            %add3A_951 = vector.broadcast %add3A_950 : i32 to vector<16xi32>
            %add3A_952 = arith.addi %iota3A, %add3A_951 : vector<16xi32>
            tpu.vector_store_idx %arg7[%add3A_948], %get3A_937 masked %and3A_947 : memref<1040xf32, #tpu.memory_space<vmem>>[vector<16xi32>], vector<16xf32>, vector<16xi1>
            tpu.vector_store_idx %arg8[%add3A_948], %add3A_952 masked %and3A_947 : memref<1040xi32, #tpu.memory_space<vmem>>[vector<16xi32>], vector<16xi32>, vector<16xi1>
            %jit3A_953 = arith.constant 16 : i32
            %jit3A_954 = arith.constant 0 : i32
            %broadcast_in_dim3A_955 = vector.broadcast %jit3A_953 : i32 to vector<16xi32>
            %broadcast_in_dim3A_956 = vector.broadcast %jit3A_954 : i32 to vector<16xi32>
            %select_n3A_957 = arith.select %and3A_947, %broadcast_in_dim3A_955, %broadcast_in_dim3A_956 : vector<16xi1>, vector<16xi32>
            %add3A_958 = arith.addi %add3A_933, %select_n3A_957 : vector<16xi32>
            %add3A_959 = arith.constant 240 : i32
            %add3A_960 = arith.addi %add3A_585, %add3A_959 : i32
            %get3A_961 = arith.index_cast %add3A_960 : i32 to index
            %get3A_962 = tpu.vector_load %arg5[%get3A_961] {strides = array<i32>} : memref<100000xf32, #tpu.memory_space<vmem>>, vector<16xf32>,
            %ge3A_963 = vector.broadcast %reduce_max3A_65 : f32 to vector<16xf32>
            %ge3A_964 = arith.cmpf oge, %get3A_962, %ge3A_963 : vector<16xf32>
            %all_reduce_population_count3A_965 = tpu.all_reduce %ge3A_964 {dim = 0 : i64, kind = #tpu.reduction_kind<sum>} : vector<16xi1> -> vector<16xi32>
            %gt3A_966 = arith.constant 0 : i32
            %gt3A_967 = vector.broadcast %gt3A_966 : i32 to vector<16xi32>
            %gt3A_968 = arith.cmpi sgt, %all_reduce_population_count3A_965, %gt3A_967 : vector<16xi32>
            %lt3A_969 = arith.constant 1024 : i32
            %lt3A_970 = vector.broadcast %lt3A_969 : i32 to vector<16xi32>
            %lt3A_971 = arith.cmpi slt, %add3A_958, %lt3A_970 : vector<16xi32>
            %and3A_972 = arith.andi %gt3A_968, %lt3A_971 : vector<16xi1>
            %add3A_973 = arith.addi %add3A_958, %iota3A : vector<16xi32>
            %add3A_974 = arith.constant 240 : i32
            %add3A_975 = arith.addi %add3A_585, %add3A_974 : i32
            %add3A_976 = vector.broadcast %add3A_975 : i32 to vector<16xi32>
            %add3A_977 = arith.addi %iota3A, %add3A_976 : vector<16xi32>
            tpu.vector_store_idx %arg7[%add3A_973], %get3A_962 masked %and3A_972 : memref<1040xf32, #tpu.memory_space<vmem>>[vector<16xi32>], vector<16xf32>, vector<16xi1>
            tpu.vector_store_idx %arg8[%add3A_973], %add3A_977 masked %and3A_972 : memref<1040xi32, #tpu.memory_space<vmem>>[vector<16xi32>], vector<16xi32>, vector<16xi1>
            %jit3A_978 = arith.constant 16 : i32
            %jit3A_979 = arith.constant 0 : i32
            %broadcast_in_dim3A_980 = vector.broadcast %jit3A_978 : i32 to vector<16xi32>
            %broadcast_in_dim3A_981 = vector.broadcast %jit3A_979 : i32 to vector<16xi32>
            %select_n3A_982 = arith.select %and3A_972, %broadcast_in_dim3A_980, %broadcast_in_dim3A_981 : vector<16xi1>, vector<16xi32>
            %add3A_983 = arith.addi %add3A_958, %select_n3A_982 : vector<16xi32>
            %add3A_984 = arith.constant 256 : i32
            %add3A_985 = arith.addi %add3A_585, %add3A_984 : i32
            %get3A_986 = arith.index_cast %add3A_985 : i32 to index
            %get3A_987 = tpu.vector_load %arg5[%get3A_986] {strides = array<i32>} : memref<100000xf32, #tpu.memory_space<vmem>>, vector<16xf32>,
            %ge3A_988 = vector.broadcast %reduce_max3A_65 : f32 to vector<16xf32>
            %ge3A_989 = arith.cmpf oge, %get3A_987, %ge3A_988 : vector<16xf32>
            %all_reduce_population_count3A_990 = tpu.all_reduce %ge3A_989 {dim = 0 : i64, kind = #tpu.reduction_kind<sum>} : vector<16xi1> -> vector<16xi32>
            %gt3A_991 = arith.constant 0 : i32
            %gt3A_992 = vector.broadcast %gt3A_991 : i32 to vector<16xi32>
            %gt3A_993 = arith.cmpi sgt, %all_reduce_population_count3A_990, %gt3A_992 : vector<16xi32>
            %lt3A_994 = arith.constant 1024 : i32
            %lt3A_995 = vector.broadcast %lt3A_994 : i32 to vector<16xi32>
            %lt3A_996 = arith.cmpi slt, %add3A_983, %lt3A_995 : vector<16xi32>
            %and3A_997 = arith.andi %gt3A_993, %lt3A_996 : vector<16xi1>
            %add3A_998 = arith.addi %add3A_983, %iota3A : vector<16xi32>
            %add3A_999 = arith.constant 256 : i32
            %add3A_1000 = arith.addi %add3A_585, %add3A_999 : i32
            %add3A_1001 = vector.broadcast %add3A_1000 : i32 to vector<16xi32>
            %add3A_1002 = arith.addi %iota3A, %add3A_1001 : vector<16xi32>
            tpu.vector_store_idx %arg7[%add3A_998], %get3A_987 masked %and3A_997 : memref<1040xf32, #tpu.memory_space<vmem>>[vector<16xi32>], vector<16xf32>, vector<16xi1>
            tpu.vector_store_idx %arg8[%add3A_998], %add3A_1002 masked %and3A_997 : memref<1040xi32, #tpu.memory_space<vmem>>[vector<16xi32>], vector<16xi32>, vector<16xi1>
            %jit3A_1003 = arith.constant 16 : i32
            %jit3A_1004 = arith.constant 0 : i32
            %broadcast_in_dim3A_1005 = vector.broadcast %jit3A_1003 : i32 to vector<16xi32>
            %broadcast_in_dim3A_1006 = vector.broadcast %jit3A_1004 : i32 to vector<16xi32>
            %select_n3A_1007 = arith.select %and3A_997, %broadcast_in_dim3A_1005, %broadcast_in_dim3A_1006 : vector<16xi1>, vector<16xi32>
            %add3A_1008 = arith.addi %add3A_983, %select_n3A_1007 : vector<16xi32>
            %add3A_1009 = arith.constant 272 : i32
            %add3A_1010 = arith.addi %add3A_585, %add3A_1009 : i32
            %get3A_1011 = arith.index_cast %add3A_1010 : i32 to index
            %get3A_1012 = tpu.vector_load %arg5[%get3A_1011] {strides = array<i32>} : memref<100000xf32, #tpu.memory_space<vmem>>, vector<16xf32>,
            %ge3A_1013 = vector.broadcast %reduce_max3A_65 : f32 to vector<16xf32>
            %ge3A_1014 = arith.cmpf oge, %get3A_1012, %ge3A_1013 : vector<16xf32>
            %all_reduce_population_count3A_1015 = tpu.all_reduce %ge3A_1014 {dim = 0 : i64, kind = #tpu.reduction_kind<sum>} : vector<16xi1> -> vector<16xi32>
            %gt3A_1016 = arith.constant 0 : i32
            %gt3A_1017 = vector.broadcast %gt3A_1016 : i32 to vector<16xi32>
            %gt3A_1018 = arith.cmpi sgt, %all_reduce_population_count3A_1015, %gt3A_1017 : vector<16xi32>
            %lt3A_1019 = arith.constant 1024 : i32
            %lt3A_1020 = vector.broadcast %lt3A_1019 : i32 to vector<16xi32>
            %lt3A_1021 = arith.cmpi slt, %add3A_1008, %lt3A_1020 : vector<16xi32>
            %and3A_1022 = arith.andi %gt3A_1018, %lt3A_1021 : vector<16xi1>
            %add3A_1023 = arith.addi %add3A_1008, %iota3A : vector<16xi32>
            %add3A_1024 = arith.constant 272 : i32
            %add3A_1025 = arith.addi %add3A_585, %add3A_1024 : i32
            %add3A_1026 = vector.broadcast %add3A_1025 : i32 to vector<16xi32>
            %add3A_1027 = arith.addi %iota3A, %add3A_1026 : vector<16xi32>
            tpu.vector_store_idx %arg7[%add3A_1023], %get3A_1012 masked %and3A_1022 : memref<1040xf32, #tpu.memory_space<vmem>>[vector<16xi32>], vector<16xf32>, vector<16xi1>
            tpu.vector_store_idx %arg8[%add3A_1023], %add3A_1027 masked %and3A_1022 : memref<1040xi32, #tpu.memory_space<vmem>>[vector<16xi32>], vector<16xi32>, vector<16xi1>
            %jit3A_1028 = arith.constant 16 : i32
            %jit3A_1029 = arith.constant 0 : i32
            %broadcast_in_dim3A_1030 = vector.broadcast %jit3A_1028 : i32 to vector<16xi32>
            %broadcast_in_dim3A_1031 = vector.broadcast %jit3A_1029 : i32 to vector<16xi32>
            %select_n3A_1032 = arith.select %and3A_1022, %broadcast_in_dim3A_1030, %broadcast_in_dim3A_1031 : vector<16xi1>, vector<16xi32>
            %add3A_1033 = arith.addi %add3A_1008, %select_n3A_1032 : vector<16xi32>
            %add3A_1034 = arith.constant 288 : i32
            %add3A_1035 = arith.addi %add3A_585, %add3A_1034 : i32
            %get3A_1036 = arith.index_cast %add3A_1035 : i32 to index
            %get3A_1037 = tpu.vector_load %arg5[%get3A_1036] {strides = array<i32>} : memref<100000xf32, #tpu.memory_space<vmem>>, vector<16xf32>,
            %ge3A_1038 = vector.broadcast %reduce_max3A_65 : f32 to vector<16xf32>
            %ge3A_1039 = arith.cmpf oge, %get3A_1037, %ge3A_1038 : vector<16xf32>
            %all_reduce_population_count3A_1040 = tpu.all_reduce %ge3A_1039 {dim = 0 : i64, kind = #tpu.reduction_kind<sum>} : vector<16xi1> -> vector<16xi32>
            %gt3A_1041 = arith.constant 0 : i32
            %gt3A_1042 = vector.broadcast %gt3A_1041 : i32 to vector<16xi32>
            %gt3A_1043 = arith.cmpi sgt, %all_reduce_population_count3A_1040, %gt3A_1042 : vector<16xi32>
            %lt3A_1044 = arith.constant 1024 : i32
            %lt3A_1045 = vector.broadcast %lt3A_1044 : i32 to vector<16xi32>
            %lt3A_1046 = arith.cmpi slt, %add3A_1033, %lt3A_1045 : vector<16xi32>
            %and3A_1047 = arith.andi %gt3A_1043, %lt3A_1046 : vector<16xi1>
            %add3A_1048 = arith.addi %add3A_1033, %iota3A : vector<16xi32>
            %add3A_1049 = arith.constant 288 : i32
            %add3A_1050 = arith.addi %add3A_585, %add3A_1049 : i32
            %add3A_1051 = vector.broadcast %add3A_1050 : i32 to vector<16xi32>
            %add3A_1052 = arith.addi %iota3A, %add3A_1051 : vector<16xi32>
            tpu.vector_store_idx %arg7[%add3A_1048], %get3A_1037 masked %and3A_1047 : memref<1040xf32, #tpu.memory_space<vmem>>[vector<16xi32>], vector<16xf32>, vector<16xi1>
            tpu.vector_store_idx %arg8[%add3A_1048], %add3A_1052 masked %and3A_1047 : memref<1040xi32, #tpu.memory_space<vmem>>[vector<16xi32>], vector<16xi32>, vector<16xi1>
            %jit3A_1053 = arith.constant 16 : i32
            %jit3A_1054 = arith.constant 0 : i32
            %broadcast_in_dim3A_1055 = vector.broadcast %jit3A_1053 : i32 to vector<16xi32>
            %broadcast_in_dim3A_1056 = vector.broadcast %jit3A_1054 : i32 to vector<16xi32>
            %select_n3A_1057 = arith.select %and3A_1047, %broadcast_in_dim3A_1055, %broadcast_in_dim3A_1056 : vector<16xi1>, vector<16xi32>
            %add3A_1058 = arith.addi %add3A_1033, %select_n3A_1057 : vector<16xi32>
            %add3A_1059 = arith.constant 304 : i32
            %add3A_1060 = arith.addi %add3A_585, %add3A_1059 : i32
            %get3A_1061 = arith.index_cast %add3A_1060 : i32 to index
            %get3A_1062 = tpu.vector_load %arg5[%get3A_1061] {strides = array<i32>} : memref<100000xf32, #tpu.memory_space<vmem>>, vector<16xf32>,
            %ge3A_1063 = vector.broadcast %reduce_max3A_65 : f32 to vector<16xf32>
            %ge3A_1064 = arith.cmpf oge, %get3A_1062, %ge3A_1063 : vector<16xf32>
            %all_reduce_population_count3A_1065 = tpu.all_reduce %ge3A_1064 {dim = 0 : i64, kind = #tpu.reduction_kind<sum>} : vector<16xi1> -> vector<16xi32>
            %gt3A_1066 = arith.constant 0 : i32
            %gt3A_1067 = vector.broadcast %gt3A_1066 : i32 to vector<16xi32>
            %gt3A_1068 = arith.cmpi sgt, %all_reduce_population_count3A_1065, %gt3A_1067 : vector<16xi32>
            %lt3A_1069 = arith.constant 1024 : i32
            %lt3A_1070 = vector.broadcast %lt3A_1069 : i32 to vector<16xi32>
            %lt3A_1071 = arith.cmpi slt, %add3A_1058, %lt3A_1070 : vector<16xi32>
            %and3A_1072 = arith.andi %gt3A_1068, %lt3A_1071 : vector<16xi1>
            %add3A_1073 = arith.addi %add3A_1058, %iota3A : vector<16xi32>
            %add3A_1074 = arith.constant 304 : i32
            %add3A_1075 = arith.addi %add3A_585, %add3A_1074 : i32
            %add3A_1076 = vector.broadcast %add3A_1075 : i32 to vector<16xi32>
            %add3A_1077 = arith.addi %iota3A, %add3A_1076 : vector<16xi32>
            tpu.vector_store_idx %arg7[%add3A_1073], %get3A_1062 masked %and3A_1072 : memref<1040xf32, #tpu.memory_space<vmem>>[vector<16xi32>], vector<16xf32>, vector<16xi1>
            tpu.vector_store_idx %arg8[%add3A_1073], %add3A_1077 masked %and3A_1072 : memref<1040xi32, #tpu.memory_space<vmem>>[vector<16xi32>], vector<16xi32>, vector<16xi1>
            %jit3A_1078 = arith.constant 16 : i32
            %jit3A_1079 = arith.constant 0 : i32
            %broadcast_in_dim3A_1080 = vector.broadcast %jit3A_1078 : i32 to vector<16xi32>
            %broadcast_in_dim3A_1081 = vector.broadcast %jit3A_1079 : i32 to vector<16xi32>
            %select_n3A_1082 = arith.select %and3A_1072, %broadcast_in_dim3A_1080, %broadcast_in_dim3A_1081 : vector<16xi1>, vector<16xi32>
            %add3A_1083 = arith.addi %add3A_1058, %select_n3A_1082 : vector<16xi32>
            %add3A_1084 = arith.constant 320 : i32
            %add3A_1085 = arith.addi %add3A_585, %add3A_1084 : i32
            %get3A_1086 = arith.index_cast %add3A_1085 : i32 to index
            %get3A_1087 = tpu.vector_load %arg5[%get3A_1086] {strides = array<i32>} : memref<100000xf32, #tpu.memory_space<vmem>>, vector<16xf32>,
            %ge3A_1088 = vector.broadcast %reduce_max3A_65 : f32 to vector<16xf32>
            %ge3A_1089 = arith.cmpf oge, %get3A_1087, %ge3A_1088 : vector<16xf32>
            %all_reduce_population_count3A_1090 = tpu.all_reduce %ge3A_1089 {dim = 0 : i64, kind = #tpu.reduction_kind<sum>} : vector<16xi1> -> vector<16xi32>
            %gt3A_1091 = arith.constant 0 : i32
            %gt3A_1092 = vector.broadcast %gt3A_1091 : i32 to vector<16xi32>
            %gt3A_1093 = arith.cmpi sgt, %all_reduce_population_count3A_1090, %gt3A_1092 : vector<16xi32>
            %lt3A_1094 = arith.constant 1024 : i32
            %lt3A_1095 = vector.broadcast %lt3A_1094 : i32 to vector<16xi32>
            %lt3A_1096 = arith.cmpi slt, %add3A_1083, %lt3A_1095 : vector<16xi32>
            %and3A_1097 = arith.andi %gt3A_1093, %lt3A_1096 : vector<16xi1>
            %add3A_1098 = arith.addi %add3A_1083, %iota3A : vector<16xi32>
            %add3A_1099 = arith.constant 320 : i32
            %add3A_1100 = arith.addi %add3A_585, %add3A_1099 : i32
            %add3A_1101 = vector.broadcast %add3A_1100 : i32 to vector<16xi32>
            %add3A_1102 = arith.addi %iota3A, %add3A_1101 : vector<16xi32>
            tpu.vector_store_idx %arg7[%add3A_1098], %get3A_1087 masked %and3A_1097 : memref<1040xf32, #tpu.memory_space<vmem>>[vector<16xi32>], vector<16xf32>, vector<16xi1>
            tpu.vector_store_idx %arg8[%add3A_1098], %add3A_1102 masked %and3A_1097 : memref<1040xi32, #tpu.memory_space<vmem>>[vector<16xi32>], vector<16xi32>, vector<16xi1>
            %jit3A_1103 = arith.constant 16 : i32
            %jit3A_1104 = arith.constant 0 : i32
            %broadcast_in_dim3A_1105 = vector.broadcast %jit3A_1103 : i32 to vector<16xi32>
            %broadcast_in_dim3A_1106 = vector.broadcast %jit3A_1104 : i32 to vector<16xi32>
            %select_n3A_1107 = arith.select %and3A_1097, %broadcast_in_dim3A_1105, %broadcast_in_dim3A_1106 : vector<16xi1>, vector<16xi32>
            %add3A_1108 = arith.addi %add3A_1083, %select_n3A_1107 : vector<16xi32>
            %add3A_1109 = arith.constant 336 : i32
            %add3A_1110 = arith.addi %add3A_585, %add3A_1109 : i32
            %get3A_1111 = arith.index_cast %add3A_1110 : i32 to index
            %get3A_1112 = tpu.vector_load %arg5[%get3A_1111] {strides = array<i32>} : memref<100000xf32, #tpu.memory_space<vmem>>, vector<16xf32>,
            %ge3A_1113 = vector.broadcast %reduce_max3A_65 : f32 to vector<16xf32>
            %ge3A_1114 = arith.cmpf oge, %get3A_1112, %ge3A_1113 : vector<16xf32>
            %all_reduce_population_count3A_1115 = tpu.all_reduce %ge3A_1114 {dim = 0 : i64, kind = #tpu.reduction_kind<sum>} : vector<16xi1> -> vector<16xi32>
            %gt3A_1116 = arith.constant 0 : i32
            %gt3A_1117 = vector.broadcast %gt3A_1116 : i32 to vector<16xi32>
            %gt3A_1118 = arith.cmpi sgt, %all_reduce_population_count3A_1115, %gt3A_1117 : vector<16xi32>
            %lt3A_1119 = arith.constant 1024 : i32
            %lt3A_1120 = vector.broadcast %lt3A_1119 : i32 to vector<16xi32>
            %lt3A_1121 = arith.cmpi slt, %add3A_1108, %lt3A_1120 : vector<16xi32>
            %and3A_1122 = arith.andi %gt3A_1118, %lt3A_1121 : vector<16xi1>
            %add3A_1123 = arith.addi %add3A_1108, %iota3A : vector<16xi32>
            %add3A_1124 = arith.constant 336 : i32
            %add3A_1125 = arith.addi %add3A_585, %add3A_1124 : i32
            %add3A_1126 = vector.broadcast %add3A_1125 : i32 to vector<16xi32>
            %add3A_1127 = arith.addi %iota3A, %add3A_1126 : vector<16xi32>
            tpu.vector_store_idx %arg7[%add3A_1123], %get3A_1112 masked %and3A_1122 : memref<1040xf32, #tpu.memory_space<vmem>>[vector<16xi32>], vector<16xf32>, vector<16xi1>
            tpu.vector_store_idx %arg8[%add3A_1123], %add3A_1127 masked %and3A_1122 : memref<1040xi32, #tpu.memory_space<vmem>>[vector<16xi32>], vector<16xi32>, vector<16xi1>
            %jit3A_1128 = arith.constant 16 : i32
            %jit3A_1129 = arith.constant 0 : i32
            %broadcast_in_dim3A_1130 = vector.broadcast %jit3A_1128 : i32 to vector<16xi32>
            %broadcast_in_dim3A_1131 = vector.broadcast %jit3A_1129 : i32 to vector<16xi32>
            %select_n3A_1132 = arith.select %and3A_1122, %broadcast_in_dim3A_1130, %broadcast_in_dim3A_1131 : vector<16xi1>, vector<16xi32>
            %add3A_1133 = arith.addi %add3A_1108, %select_n3A_1132 : vector<16xi32>
            %add3A_1134 = arith.constant 352 : i32
            %add3A_1135 = arith.addi %add3A_585, %add3A_1134 : i32
            %get3A_1136 = arith.index_cast %add3A_1135 : i32 to index
            %get3A_1137 = tpu.vector_load %arg5[%get3A_1136] {strides = array<i32>} : memref<100000xf32, #tpu.memory_space<vmem>>, vector<16xf32>,
            %ge3A_1138 = vector.broadcast %reduce_max3A_65 : f32 to vector<16xf32>
            %ge3A_1139 = arith.cmpf oge, %get3A_1137, %ge3A_1138 : vector<16xf32>
            %all_reduce_population_count3A_1140 = tpu.all_reduce %ge3A_1139 {dim = 0 : i64, kind = #tpu.reduction_kind<sum>} : vector<16xi1> -> vector<16xi32>
            %gt3A_1141 = arith.constant 0 : i32
            %gt3A_1142 = vector.broadcast %gt3A_1141 : i32 to vector<16xi32>
            %gt3A_1143 = arith.cmpi sgt, %all_reduce_population_count3A_1140, %gt3A_1142 : vector<16xi32>
            %lt3A_1144 = arith.constant 1024 : i32
            %lt3A_1145 = vector.broadcast %lt3A_1144 : i32 to vector<16xi32>
            %lt3A_1146 = arith.cmpi slt, %add3A_1133, %lt3A_1145 : vector<16xi32>
            %and3A_1147 = arith.andi %gt3A_1143, %lt3A_1146 : vector<16xi1>
            %add3A_1148 = arith.addi %add3A_1133, %iota3A : vector<16xi32>
            %add3A_1149 = arith.constant 352 : i32
            %add3A_1150 = arith.addi %add3A_585, %add3A_1149 : i32
            %add3A_1151 = vector.broadcast %add3A_1150 : i32 to vector<16xi32>
            %add3A_1152 = arith.addi %iota3A, %add3A_1151 : vector<16xi32>
            tpu.vector_store_idx %arg7[%add3A_1148], %get3A_1137 masked %and3A_1147 : memref<1040xf32, #tpu.memory_space<vmem>>[vector<16xi32>], vector<16xf32>, vector<16xi1>
            tpu.vector_store_idx %arg8[%add3A_1148], %add3A_1152 masked %and3A_1147 : memref<1040xi32, #tpu.memory_space<vmem>>[vector<16xi32>], vector<16xi32>, vector<16xi1>
            %jit3A_1153 = arith.constant 16 : i32
            %jit3A_1154 = arith.constant 0 : i32
            %broadcast_in_dim3A_1155 = vector.broadcast %jit3A_1153 : i32 to vector<16xi32>
            %broadcast_in_dim3A_1156 = vector.broadcast %jit3A_1154 : i32 to vector<16xi32>
            %select_n3A_1157 = arith.select %and3A_1147, %broadcast_in_dim3A_1155, %broadcast_in_dim3A_1156 : vector<16xi1>, vector<16xi32>
            %add3A_1158 = arith.addi %add3A_1133, %select_n3A_1157 : vector<16xi32>
            %add3A_1159 = arith.constant 368 : i32
            %add3A_1160 = arith.addi %add3A_585, %add3A_1159 : i32
            %get3A_1161 = arith.index_cast %add3A_1160 : i32 to index
            %get3A_1162 = tpu.vector_load %arg5[%get3A_1161] {strides = array<i32>} : memref<100000xf32, #tpu.memory_space<vmem>>, vector<16xf32>,
            %ge3A_1163 = vector.broadcast %reduce_max3A_65 : f32 to vector<16xf32>
            %ge3A_1164 = arith.cmpf oge, %get3A_1162, %ge3A_1163 : vector<16xf32>
            %all_reduce_population_count3A_1165 = tpu.all_reduce %ge3A_1164 {dim = 0 : i64, kind = #tpu.reduction_kind<sum>} : vector<16xi1> -> vector<16xi32>
            %gt3A_1166 = arith.constant 0 : i32
            %gt3A_1167 = vector.broadcast %gt3A_1166 : i32 to vector<16xi32>
            %gt3A_1168 = arith.cmpi sgt, %all_reduce_population_count3A_1165, %gt3A_1167 : vector<16xi32>
            %lt3A_1169 = arith.constant 1024 : i32
            %lt3A_1170 = vector.broadcast %lt3A_1169 : i32 to vector<16xi32>
            %lt3A_1171 = arith.cmpi slt, %add3A_1158, %lt3A_1170 : vector<16xi32>
            %and3A_1172 = arith.andi %gt3A_1168, %lt3A_1171 : vector<16xi1>
            %add3A_1173 = arith.addi %add3A_1158, %iota3A : vector<16xi32>
            %add3A_1174 = arith.constant 368 : i32
            %add3A_1175 = arith.addi %add3A_585, %add3A_1174 : i32
            %add3A_1176 = vector.broadcast %add3A_1175 : i32 to vector<16xi32>
            %add3A_1177 = arith.addi %iota3A, %add3A_1176 : vector<16xi32>
            tpu.vector_store_idx %arg7[%add3A_1173], %get3A_1162 masked %and3A_1172 : memref<1040xf32, #tpu.memory_space<vmem>>[vector<16xi32>], vector<16xf32>, vector<16xi1>
            tpu.vector_store_idx %arg8[%add3A_1173], %add3A_1177 masked %and3A_1172 : memref<1040xi32, #tpu.memory_space<vmem>>[vector<16xi32>], vector<16xi32>, vector<16xi1>
            %jit3A_1178 = arith.constant 16 : i32
            %jit3A_1179 = arith.constant 0 : i32
            %broadcast_in_dim3A_1180 = vector.broadcast %jit3A_1178 : i32 to vector<16xi32>
            %broadcast_in_dim3A_1181 = vector.broadcast %jit3A_1179 : i32 to vector<16xi32>
            %select_n3A_1182 = arith.select %and3A_1172, %broadcast_in_dim3A_1180, %broadcast_in_dim3A_1181 : vector<16xi1>, vector<16xi32>
            %add3A_1183 = arith.addi %add3A_1158, %select_n3A_1182 : vector<16xi32>
            %add3A_1184 = arith.constant 384 : i32
            %add3A_1185 = arith.addi %add3A_585, %add3A_1184 : i32
            %get3A_1186 = arith.index_cast %add3A_1185 : i32 to index
            %get3A_1187 = tpu.vector_load %arg5[%get3A_1186] {strides = array<i32>} : memref<100000xf32, #tpu.memory_space<vmem>>, vector<16xf32>,
            %ge3A_1188 = vector.broadcast %reduce_max3A_65 : f32 to vector<16xf32>
            %ge3A_1189 = arith.cmpf oge, %get3A_1187, %ge3A_1188 : vector<16xf32>
            %all_reduce_population_count3A_1190 = tpu.all_reduce %ge3A_1189 {dim = 0 : i64, kind = #tpu.reduction_kind<sum>} : vector<16xi1> -> vector<16xi32>
            %gt3A_1191 = arith.constant 0 : i32
            %gt3A_1192 = vector.broadcast %gt3A_1191 : i32 to vector<16xi32>
            %gt3A_1193 = arith.cmpi sgt, %all_reduce_population_count3A_1190, %gt3A_1192 : vector<16xi32>
            %lt3A_1194 = arith.constant 1024 : i32
            %lt3A_1195 = vector.broadcast %lt3A_1194 : i32 to vector<16xi32>
            %lt3A_1196 = arith.cmpi slt, %add3A_1183, %lt3A_1195 : vector<16xi32>
            %and3A_1197 = arith.andi %gt3A_1193, %lt3A_1196 : vector<16xi1>
            %add3A_1198 = arith.addi %add3A_1183, %iota3A : vector<16xi32>
            %add3A_1199 = arith.constant 384 : i32
            %add3A_1200 = arith.addi %add3A_585, %add3A_1199 : i32
            %add3A_1201 = vector.broadcast %add3A_1200 : i32 to vector<16xi32>
            %add3A_1202 = arith.addi %iota3A, %add3A_1201 : vector<16xi32>
            tpu.vector_store_idx %arg7[%add3A_1198], %get3A_1187 masked %and3A_1197 : memref<1040xf32, #tpu.memory_space<vmem>>[vector<16xi32>], vector<16xf32>, vector<16xi1>
            tpu.vector_store_idx %arg8[%add3A_1198], %add3A_1202 masked %and3A_1197 : memref<1040xi32, #tpu.memory_space<vmem>>[vector<16xi32>], vector<16xi32>, vector<16xi1>
            %jit3A_1203 = arith.constant 16 : i32
            %jit3A_1204 = arith.constant 0 : i32
            %broadcast_in_dim3A_1205 = vector.broadcast %jit3A_1203 : i32 to vector<16xi32>
            %broadcast_in_dim3A_1206 = vector.broadcast %jit3A_1204 : i32 to vector<16xi32>
            %select_n3A_1207 = arith.select %and3A_1197, %broadcast_in_dim3A_1205, %broadcast_in_dim3A_1206 : vector<16xi1>, vector<16xi32>
            %add3A_1208 = arith.addi %add3A_1183, %select_n3A_1207 : vector<16xi32>
            scf.yield %add3A_1208 : vector<16xi32>
          }
          %scan3A_578 = arith.constant 5 : i32
          scf.yield %scan3A_577 : vector<16xi32>
        } else {
          scf.yield %scan3A_561 : vector<16xi32>
        }
        scf.yield %cond3A_572 : vector<16xi32>
      }
      %scan3A_71 = arith.constant 50 : i32
      %lt3A = arith.constant 3 : i32
      %lt3A_72 = arith.cmpi slt, %scan3A_40, %lt3A : i32
      %convert_element_type3A = arith.extui %lt3A_72 : i1 to i32
      %cond3A = arith.constant 0 : i32
      %cond3A_73 = arith.cmpi ne, %convert_element_type3A, %cond3A : i32
      scf.if %cond3A_73 {
        %add3A_560 = arith.constant 1 : i32
        %add3A_561 = arith.addi %scan3A_40, %add3A_560 : i32
        %scan3A_562 = arith.constant 0 : i32
        %scan3A_563 = arith.constant 0 : i32
        %scan3A_564 = arith.constant 5 : i32
        %scan3A_565 = arith.addi %scan3A_563, %scan3A_564 : i32
        %scan3A_566 = arith.constant 1 : i32
        %scan3A_567 = scf.for %scan3A_569 = %scan3A_563 to %scan3A_565 step %scan3A_566 iter_args(%scan3A_570 = %scan3A_562) -> (i32)  : i32 {
          %add3A_571 = arith.addi %mul3A_22, %add3A_561 : i32
          %mul3A_572 = arith.constant 100000 : i32
          %mul3A_573 = arith.muli %add3A_571, %mul3A_572 : i32
          %mul3A_574 = arith.constant 20000 : i32
          %mul3A_575 = arith.muli %scan3A_569, %mul3A_574 : i32
          %add3A_576 = arith.addi %mul3A_573, %mul3A_575 : i32
          %multiple_of3A = tpu.assume_multiple %add3A_576, 8 : i32
          %mul3A_577 = arith.constant 20000 : i32
          %mul3A_578 = arith.muli %scan3A_569, %mul3A_577 : i32
          %dma_start3A = tpu.memref_slice %arg5[%mul3A_578] : memref<100000xf32, #tpu.memory_space<vmem>> -> memref<20000xf32, #tpu.memory_space<vmem>>
          %dma_start3A_579 = tpu.memref_slice %arg2[%multiple_of3A] : memref<12800000xf32, #tpu.memory_space<hbm>> -> memref<20000xf32, #tpu.memory_space<hbm>>
          %dma_start3A_580 = tpu.memref_slice %arg5[%mul3A_578] : memref<100000xf32, #tpu.memory_space<vmem>> -> memref<20000xf32, #tpu.memory_space<vmem>>
          %dma_start3A_581 = tpu.memref_slice %arg2[%multiple_of3A] : memref<12800000xf32, #tpu.memory_space<hbm>> -> memref<20000xf32, #tpu.memory_space<hbm>>
          tpu.enqueue_dma source(%dma_start3A_581 : memref<20000xf32, #tpu.memory_space<hbm>>) target(%dma_start3A_580 : memref<20000xf32, #tpu.memory_space<vmem>>) target_semaphore(%arg11 : memref<!tpu.dma_semaphore, #tpu.memory_space<semaphore_mem>>)
          %scan3A_582 = arith.constant 0 : i32
          scf.yield %scan3A_582 : i32
        }
        %scan3A_568 = arith.constant 5 : i32
      } else {
      }
      %reduce_max3A_74 = arith.constant true
      %reduce_max3A_75 = vector.broadcast %reduce_max3A_74 : i1 to vector<16xi1>
      %reduce_max3A_76 = arith.constant -2147483648 : i32
      %reduce_max3A_77 = vector.broadcast %reduce_max3A_76 : i32 to vector<16xi32>
      %reduce_max3A_78 = arith.xori %scan3A_70, %reduce_max3A_77 : vector<16xi32>
      %reduce_max3A_79 = tpu.scan <max>, %reduce_max3A_78 masked %reduce_max3A_75 : vector<16xi32>, vector<16xi1> -> vector<16xi32>
      %reduce_max3A_80 = arith.xori %reduce_max3A_79, %reduce_max3A_77 : vector<16xi32>
      %reduce_max3A_81 = vector.extract %reduce_max3A_80[15] : i32 from vector<16xi32>
      %min3A = arith.constant 1024 : i32
      %min3A_82 = arith.minsi %reduce_max3A_81, %min3A : i32
      %add3A_83 = arith.constant 15 : i32
      %add3A_84 = arith.addi %min3A_82, %add3A_83 : i32
      %jit3A_85 = arith.constant 16 : i32
      %div3A = arith.divsi %add3A_84, %jit3A_85 : i32
      %sign3A = arith.constant 0 : i32
      %sign3A_86 = arith.cmpi sgt, %add3A_84, %sign3A : i32
      %sign3A_87 = arith.extui %sign3A_86 : i1 to i32
      %sign3A_88 = arith.constant 0 : i32
      %sign3A_89 = arith.cmpi slt, %add3A_84, %sign3A_88 : i32
      %sign3A_90 = arith.extui %sign3A_89 : i1 to i32
      %sign3A_91 = arith.subi %sign3A_87, %sign3A_90 : i32
      %sign3A_92 = arith.constant 0 : i32
      %sign3A_93 = arith.cmpi sgt, %jit3A_85, %sign3A_92 : i32
      %sign3A_94 = arith.extui %sign3A_93 : i1 to i32
      %sign3A_95 = arith.constant 0 : i32
      %sign3A_96 = arith.cmpi slt, %jit3A_85, %sign3A_95 : i32
      %sign3A_97 = arith.extui %sign3A_96 : i1 to i32
      %sign3A_98 = arith.subi %sign3A_94, %sign3A_97 : i32
      %ne3A = arith.cmpi ne, %sign3A_91, %sign3A_98 : i32
      %rem3A = arith.remsi %add3A_84, %jit3A_85 : i32
      %ne3A_99 = arith.constant 0 : i32
      %ne3A_100 = arith.cmpi ne, %rem3A, %ne3A_99 : i32
      %and3A = arith.andi %ne3A, %ne3A_100 : i1
      %sub3A = arith.constant 1 : i32
      %sub3A_101 = arith.subi %div3A, %sub3A : i32
      %select_n3A_102 = arith.select %and3A, %sub3A_101, %div3A : i32
      %while3A = arith.constant 0 : i32
      %while3A_103 = arith.subi %select_n3A_102, %while3A : i32
      %while3A_104 = arith.addi %while3A, %while3A_103 : i32
      %while3A_105 = arith.constant 1 : i32
      %while3A_106 = arith.divsi %while3A_103, %while3A_105 : i32
      %while3A_107 = arith.muli %while3A_106, %while3A_105 : i32
      %while3A_108 = arith.addi %while3A, %while3A_107 : i32
      %while3A_109 = arith.constant 1 : i32
      %while3A_110 = scf.for %while3A_560 = %while3A to %while3A_108 step %while3A_109 iter_args(%while3A_561 = %broadcast_in_dim3A_18) -> (vector<16xf32>)  : i32 {
        %mul3A_562 = arith.constant 16 : i32
        %mul3A_563 = arith.muli %while3A_560, %mul3A_562 : i32
        %get3A = arith.index_cast %mul3A_563 : i32 to index
        %get3A_564 = tpu.vector_load %arg7[%get3A] {strides = array<i32>} : memref<1040xf32, #tpu.memory_space<vmem>>, vector<16xf32>,
        %max3A = arith.maximumf %while3A_561, %get3A_564 : vector<16xf32>
        scf.yield %max3A : vector<16xf32>
      }
      %while3A_111 = arith.constant 1 : i32
      %while3A_112 = scf.for %while3A_560 = %while3A_108 to %while3A_104 step %while3A_111 iter_args(%while3A_561 = %while3A_110) -> (vector<16xf32>)  : i32 {
        %mul3A_562 = arith.constant 16 : i32
        %mul3A_563 = arith.muli %while3A_560, %mul3A_562 : i32
        %get3A = arith.index_cast %mul3A_563 : i32 to index
        %get3A_564 = tpu.vector_load %arg7[%get3A] {strides = array<i32>} : memref<1040xf32, #tpu.memory_space<vmem>>, vector<16xf32>,
        %max3A = arith.maximumf %while3A_561, %get3A_564 : vector<16xf32>
        scf.yield %max3A : vector<16xf32>
      }
      %reduce_max3A_113 = arith.constant true
      %reduce_max3A_114 = vector.broadcast %reduce_max3A_113 : i1 to vector<16xi1>
      %reduce_max3A_115 = tpu.scan <max>, %while3A_112 masked %reduce_max3A_114 : vector<16xf32>, vector<16xi1> -> vector<16xf32>
      %reduce_max3A_116 = vector.extract %reduce_max3A_115[15] : f32 from vector<16xf32>
      %broadcast_in_dim3A_117 = arith.constant 2147483647 : i32
      %broadcast_in_dim3A_118 = vector.broadcast %broadcast_in_dim3A_117 : i32 to vector<16xi32>
      %while3A_119 = arith.constant 0 : i32
      %while3A_120 = arith.subi %select_n3A_102, %while3A_119 : i32
      %while3A_121 = arith.addi %while3A_119, %while3A_120 : i32
      %while3A_122 = arith.constant 1 : i32
      %while3A_123 = arith.divsi %while3A_120, %while3A_122 : i32
      %while3A_124 = arith.muli %while3A_123, %while3A_122 : i32
      %while3A_125 = arith.addi %while3A_119, %while3A_124 : i32
      %while3A_126 = arith.constant 1 : i32
      %while3A_127 = scf.for %while3A_560 = %while3A_119 to %while3A_125 step %while3A_126 iter_args(%while3A_561 = %broadcast_in_dim3A_118) -> (vector<16xi32>)  : i32 {
        %mul3A_562 = arith.constant 16 : i32
        %mul3A_563 = arith.muli %while3A_560, %mul3A_562 : i32
        %get3A = arith.index_cast %mul3A_563 : i32 to index
        %get3A_564 = tpu.vector_load %arg7[%get3A] {strides = array<i32>} : memref<1040xf32, #tpu.memory_space<vmem>>, vector<16xf32>,
        %mul3A_565 = arith.constant 16 : i32
        %mul3A_566 = arith.muli %while3A_560, %mul3A_565 : i32
        %get3A_567 = arith.index_cast %mul3A_566 : i32 to index
        %get3A_568 = tpu.vector_load %arg8[%get3A_567] {strides = array<i32>} : memref<1040xi32, #tpu.memory_space<vmem>>, vector<16xi32>,
        %eq3A_569 = vector.broadcast %reduce_max3A_116 : f32 to vector<16xf32>
        %eq3A_570 = arith.cmpf oeq, %get3A_564, %eq3A_569 : vector<16xf32>
        %jit3A_571 = arith.constant 2147483647 : i32
        %broadcast_in_dim3A_572 = vector.broadcast %jit3A_571 : i32 to vector<16xi32>
        %select_n3A_573 = arith.select %eq3A_570, %get3A_568, %broadcast_in_dim3A_572 : vector<16xi1>, vector<16xi32>
        %min3A_574 = arith.minsi %while3A_561, %select_n3A_573 : vector<16xi32>
        scf.yield %min3A_574 : vector<16xi32>
      }
      %while3A_128 = arith.constant 1 : i32
      %while3A_129 = scf.for %while3A_560 = %while3A_125 to %while3A_121 step %while3A_128 iter_args(%while3A_561 = %while3A_127) -> (vector<16xi32>)  : i32 {
        %mul3A_562 = arith.constant 16 : i32
        %mul3A_563 = arith.muli %while3A_560, %mul3A_562 : i32
        %get3A = arith.index_cast %mul3A_563 : i32 to index
        %get3A_564 = tpu.vector_load %arg7[%get3A] {strides = array<i32>} : memref<1040xf32, #tpu.memory_space<vmem>>, vector<16xf32>,
        %mul3A_565 = arith.constant 16 : i32
        %mul3A_566 = arith.muli %while3A_560, %mul3A_565 : i32
        %get3A_567 = arith.index_cast %mul3A_566 : i32 to index
        %get3A_568 = tpu.vector_load %arg8[%get3A_567] {strides = array<i32>} : memref<1040xi32, #tpu.memory_space<vmem>>, vector<16xi32>,
        %eq3A_569 = vector.broadcast %reduce_max3A_116 : f32 to vector<16xf32>
        %eq3A_570 = arith.cmpf oeq, %get3A_564, %eq3A_569 : vector<16xf32>
        %jit3A_571 = arith.constant 2147483647 : i32
        %broadcast_in_dim3A_572 = vector.broadcast %jit3A_571 : i32 to vector<16xi32>
        %select_n3A_573 = arith.select %eq3A_570, %get3A_568, %broadcast_in_dim3A_572 : vector<16xi1>, vector<16xi32>
        %min3A_574 = arith.minsi %while3A_561, %select_n3A_573 : vector<16xi32>
        scf.yield %min3A_574 : vector<16xi32>
      }
      %reduce_min3A = arith.constant true
      %reduce_min3A_130 = vector.broadcast %reduce_min3A : i1 to vector<16xi1>
      %reduce_min3A_131 = arith.constant -2147483648 : i32
      %reduce_min3A_132 = vector.broadcast %reduce_min3A_131 : i32 to vector<16xi32>
      %reduce_min3A_133 = arith.xori %while3A_129, %reduce_min3A_132 : vector<16xi32>
      %reduce_min3A_134 = tpu.scan <min>, %reduce_min3A_133 masked %reduce_min3A_130 : vector<16xi32>, vector<16xi1> -> vector<16xi32>
      %reduce_min3A_135 = arith.xori %reduce_min3A_134, %reduce_min3A_132 : vector<16xi32>
      %reduce_min3A_136 = vector.extract %reduce_min3A_135[15] : i32 from vector<16xi32>
      %while3A_137 = arith.constant 0 : i32
      %while3A_138 = arith.constant 0 : i32
      %while3A_139 = arith.subi %select_n3A_102, %while3A_138 : i32
      %while3A_140 = arith.addi %while3A_138, %while3A_139 : i32
      %while3A_141 = arith.constant 1 : i32
      %while3A_142 = arith.divsi %while3A_139, %while3A_141 : i32
      %while3A_143 = arith.muli %while3A_142, %while3A_141 : i32
      %while3A_144 = arith.addi %while3A_138, %while3A_143 : i32
      %while3A_145 = arith.constant 1 : i32
      scf.for %while3A_560 = %while3A_138 to %while3A_144 step %while3A_145  : i32 {
        %mul3A_561 = arith.constant 16 : i32
        %mul3A_562 = arith.muli %while3A_560, %mul3A_561 : i32
        %get3A = arith.index_cast %mul3A_562 : i32 to index
        %get3A_563 = tpu.vector_load %arg7[%get3A] {strides = array<i32>} : memref<1040xf32, #tpu.memory_space<vmem>>, vector<16xf32>,
        %mul3A_564 = arith.constant 16 : i32
        %mul3A_565 = arith.muli %while3A_560, %mul3A_564 : i32
        %get3A_566 = arith.index_cast %mul3A_565 : i32 to index
        %get3A_567 = tpu.vector_load %arg8[%get3A_566] {strides = array<i32>} : memref<1040xi32, #tpu.memory_space<vmem>>, vector<16xi32>,
        %eq3A_568 = vector.broadcast %reduce_min3A_136 : i32 to vector<16xi32>
        %eq3A_569 = arith.cmpi eq, %get3A_567, %eq3A_568 : vector<16xi32>
        %jit3A_570 = arith.constant 0xFF800000 : f32
        %broadcast_in_dim3A_571 = vector.broadcast %jit3A_570 : f32 to vector<16xf32>
        %select_n3A_572 = arith.select %eq3A_569, %broadcast_in_dim3A_571, %get3A_563 : vector<16xi1>, vector<16xf32>
        %mul3A_573 = arith.constant 16 : i32
        %mul3A_574 = arith.muli %while3A_560, %mul3A_573 : i32
        %swap3A_575 = arith.index_cast %mul3A_574 : i32 to index
        %swap3A_576 = tpu.vector_load %arg7[%swap3A_575] {strides = array<i32>} : memref<1040xf32, #tpu.memory_space<vmem>>, vector<16xf32>,
        tpu.vector_store %arg7[%swap3A_575], %select_n3A_572 {strides = array<i32>} : memref<1040xf32, #tpu.memory_space<vmem>>, vector<16xf32>,
      }
      %while3A_146 = arith.constant 1 : i32
      scf.for %while3A_560 = %while3A_144 to %while3A_140 step %while3A_146  : i32 {
        %mul3A_561 = arith.constant 16 : i32
        %mul3A_562 = arith.muli %while3A_560, %mul3A_561 : i32
        %get3A = arith.index_cast %mul3A_562 : i32 to index
        %get3A_563 = tpu.vector_load %arg7[%get3A] {strides = array<i32>} : memref<1040xf32, #tpu.memory_space<vmem>>, vector<16xf32>,
        %mul3A_564 = arith.constant 16 : i32
        %mul3A_565 = arith.muli %while3A_560, %mul3A_564 : i32
        %get3A_566 = arith.index_cast %mul3A_565 : i32 to index
        %get3A_567 = tpu.vector_load %arg8[%get3A_566] {strides = array<i32>} : memref<1040xi32, #tpu.memory_space<vmem>>, vector<16xi32>,
        %eq3A_568 = vector.broadcast %reduce_min3A_136 : i32 to vector<16xi32>
        %eq3A_569 = arith.cmpi eq, %get3A_567, %eq3A_568 : vector<16xi32>
        %jit3A_570 = arith.constant 0xFF800000 : f32
        %broadcast_in_dim3A_571 = vector.broadcast %jit3A_570 : f32 to vector<16xf32>
        %select_n3A_572 = arith.select %eq3A_569, %broadcast_in_dim3A_571, %get3A_563 : vector<16xi1>, vector<16xf32>
        %mul3A_573 = arith.constant 16 : i32
        %mul3A_574 = arith.muli %while3A_560, %mul3A_573 : i32
        %swap3A_575 = arith.index_cast %mul3A_574 : i32 to index
        %swap3A_576 = tpu.vector_load %arg7[%swap3A_575] {strides = array<i32>} : memref<1040xf32, #tpu.memory_space<vmem>>, vector<16xf32>,
        tpu.vector_store %arg7[%swap3A_575], %select_n3A_572 {strides = array<i32>} : memref<1040xf32, #tpu.memory_space<vmem>>, vector<16xf32>,
      }
      %eq3A_147 = arith.constant 0 : i32
      %eq3A_148 = vector.broadcast %eq3A_147 : i32 to vector<16xi32>
      %eq3A_149 = arith.cmpi eq, %iota3A, %eq3A_148 : vector<16xi32>
      %broadcast_in_dim3A_150 = vector.broadcast %reduce_max3A_116 : f32 to vector<16xf32>
      %select_n3A_151 = arith.select %eq3A_149, %broadcast_in_dim3A_150, %broadcast_in_dim3A_18 : vector<16xi1>, vector<16xf32>
      %eq3A_152 = arith.constant 0 : i32
      %eq3A_153 = vector.broadcast %eq3A_152 : i32 to vector<16xi32>
      %eq3A_154 = arith.cmpi eq, %iota3A, %eq3A_153 : vector<16xi32>
      %broadcast_in_dim3A_155 = vector.broadcast %reduce_min3A_136 : i32 to vector<16xi32>
      %select_n3A_156 = arith.select %eq3A_154, %broadcast_in_dim3A_155, %broadcast_in_dim3A_20 : vector<16xi1>, vector<16xi32>
      %while3A_157 = arith.constant 0 : i32
      %while3A_158 = arith.subi %select_n3A_102, %while3A_157 : i32
      %while3A_159 = arith.addi %while3A_157, %while3A_158 : i32
      %while3A_160 = arith.constant 1 : i32
      %while3A_161 = arith.divsi %while3A_158, %while3A_160 : i32
      %while3A_162 = arith.muli %while3A_161, %while3A_160 : i32
      %while3A_163 = arith.addi %while3A_157, %while3A_162 : i32
      %while3A_164 = arith.constant 1 : i32
      %while3A_165 = scf.for %while3A_560 = %while3A_157 to %while3A_163 step %while3A_164 iter_args(%while3A_561 = %broadcast_in_dim3A_18) -> (vector<16xf32>)  : i32 {
        %mul3A_562 = arith.constant 16 : i32
        %mul3A_563 = arith.muli %while3A_560, %mul3A_562 : i32
        %get3A = arith.index_cast %mul3A_563 : i32 to index
        %get3A_564 = tpu.vector_load %arg7[%get3A] {strides = array<i32>} : memref<1040xf32, #tpu.memory_space<vmem>>, vector<16xf32>,
        %max3A = arith.maximumf %while3A_561, %get3A_564 : vector<16xf32>
        scf.yield %max3A : vector<16xf32>
      }
      %while3A_166 = arith.constant 1 : i32
      %while3A_167 = scf.for %while3A_560 = %while3A_163 to %while3A_159 step %while3A_166 iter_args(%while3A_561 = %while3A_165) -> (vector<16xf32>)  : i32 {
        %mul3A_562 = arith.constant 16 : i32
        %mul3A_563 = arith.muli %while3A_560, %mul3A_562 : i32
        %get3A = arith.index_cast %mul3A_563 : i32 to index
        %get3A_564 = tpu.vector_load %arg7[%get3A] {strides = array<i32>} : memref<1040xf32, #tpu.memory_space<vmem>>, vector<16xf32>,
        %max3A = arith.maximumf %while3A_561, %get3A_564 : vector<16xf32>
        scf.yield %max3A : vector<16xf32>
      }
      %reduce_max3A_168 = arith.constant true
      %reduce_max3A_169 = vector.broadcast %reduce_max3A_168 : i1 to vector<16xi1>
      %reduce_max3A_170 = tpu.scan <max>, %while3A_167 masked %reduce_max3A_169 : vector<16xf32>, vector<16xi1> -> vector<16xf32>
      %reduce_max3A_171 = vector.extract %reduce_max3A_170[15] : f32 from vector<16xf32>
      %broadcast_in_dim3A_172 = arith.constant 2147483647 : i32
      %broadcast_in_dim3A_173 = vector.broadcast %broadcast_in_dim3A_172 : i32 to vector<16xi32>
      %while3A_174 = arith.constant 0 : i32
      %while3A_175 = arith.subi %select_n3A_102, %while3A_174 : i32
      %while3A_176 = arith.addi %while3A_174, %while3A_175 : i32
      %while3A_177 = arith.constant 1 : i32
      %while3A_178 = arith.divsi %while3A_175, %while3A_177 : i32
      %while3A_179 = arith.muli %while3A_178, %while3A_177 : i32
      %while3A_180 = arith.addi %while3A_174, %while3A_179 : i32
      %while3A_181 = arith.constant 1 : i32
      %while3A_182 = scf.for %while3A_560 = %while3A_174 to %while3A_180 step %while3A_181 iter_args(%while3A_561 = %broadcast_in_dim3A_173) -> (vector<16xi32>)  : i32 {
        %mul3A_562 = arith.constant 16 : i32
        %mul3A_563 = arith.muli %while3A_560, %mul3A_562 : i32
        %get3A = arith.index_cast %mul3A_563 : i32 to index
        %get3A_564 = tpu.vector_load %arg7[%get3A] {strides = array<i32>} : memref<1040xf32, #tpu.memory_space<vmem>>, vector<16xf32>,
        %mul3A_565 = arith.constant 16 : i32
        %mul3A_566 = arith.muli %while3A_560, %mul3A_565 : i32
        %get3A_567 = arith.index_cast %mul3A_566 : i32 to index
        %get3A_568 = tpu.vector_load %arg8[%get3A_567] {strides = array<i32>} : memref<1040xi32, #tpu.memory_space<vmem>>, vector<16xi32>,
        %eq3A_569 = vector.broadcast %reduce_max3A_171 : f32 to vector<16xf32>
        %eq3A_570 = arith.cmpf oeq, %get3A_564, %eq3A_569 : vector<16xf32>
        %jit3A_571 = arith.constant 2147483647 : i32
        %broadcast_in_dim3A_572 = vector.broadcast %jit3A_571 : i32 to vector<16xi32>
        %select_n3A_573 = arith.select %eq3A_570, %get3A_568, %broadcast_in_dim3A_572 : vector<16xi1>, vector<16xi32>
        %min3A_574 = arith.minsi %while3A_561, %select_n3A_573 : vector<16xi32>
        scf.yield %min3A_574 : vector<16xi32>
      }
      %while3A_183 = arith.constant 1 : i32
      %while3A_184 = scf.for %while3A_560 = %while3A_180 to %while3A_176 step %while3A_183 iter_args(%while3A_561 = %while3A_182) -> (vector<16xi32>)  : i32 {
        %mul3A_562 = arith.constant 16 : i32
        %mul3A_563 = arith.muli %while3A_560, %mul3A_562 : i32
        %get3A = arith.index_cast %mul3A_563 : i32 to index
        %get3A_564 = tpu.vector_load %arg7[%get3A] {strides = array<i32>} : memref<1040xf32, #tpu.memory_space<vmem>>, vector<16xf32>,
        %mul3A_565 = arith.constant 16 : i32
        %mul3A_566 = arith.muli %while3A_560, %mul3A_565 : i32
        %get3A_567 = arith.index_cast %mul3A_566 : i32 to index
        %get3A_568 = tpu.vector_load %arg8[%get3A_567] {strides = array<i32>} : memref<1040xi32, #tpu.memory_space<vmem>>, vector<16xi32>,
        %eq3A_569 = vector.broadcast %reduce_max3A_171 : f32 to vector<16xf32>
        %eq3A_570 = arith.cmpf oeq, %get3A_564, %eq3A_569 : vector<16xf32>
        %jit3A_571 = arith.constant 2147483647 : i32
        %broadcast_in_dim3A_572 = vector.broadcast %jit3A_571 : i32 to vector<16xi32>
        %select_n3A_573 = arith.select %eq3A_570, %get3A_568, %broadcast_in_dim3A_572 : vector<16xi1>, vector<16xi32>
        %min3A_574 = arith.minsi %while3A_561, %select_n3A_573 : vector<16xi32>
        scf.yield %min3A_574 : vector<16xi32>
      }
      %reduce_min3A_185 = arith.constant true
      %reduce_min3A_186 = vector.broadcast %reduce_min3A_185 : i1 to vector<16xi1>
      %reduce_min3A_187 = arith.constant -2147483648 : i32
      %reduce_min3A_188 = vector.broadcast %reduce_min3A_187 : i32 to vector<16xi32>
      %reduce_min3A_189 = arith.xori %while3A_184, %reduce_min3A_188 : vector<16xi32>
      %reduce_min3A_190 = tpu.scan <min>, %reduce_min3A_189 masked %reduce_min3A_186 : vector<16xi32>, vector<16xi1> -> vector<16xi32>
      %reduce_min3A_191 = arith.xori %reduce_min3A_190, %reduce_min3A_188 : vector<16xi32>
      %reduce_min3A_192 = vector.extract %reduce_min3A_191[15] : i32 from vector<16xi32>
      %while3A_193 = arith.constant 0 : i32
      %while3A_194 = arith.constant 0 : i32
      %while3A_195 = arith.subi %select_n3A_102, %while3A_194 : i32
      %while3A_196 = arith.addi %while3A_194, %while3A_195 : i32
      %while3A_197 = arith.constant 1 : i32
      %while3A_198 = arith.divsi %while3A_195, %while3A_197 : i32
      %while3A_199 = arith.muli %while3A_198, %while3A_197 : i32
      %while3A_200 = arith.addi %while3A_194, %while3A_199 : i32
      %while3A_201 = arith.constant 1 : i32
      scf.for %while3A_560 = %while3A_194 to %while3A_200 step %while3A_201  : i32 {
        %mul3A_561 = arith.constant 16 : i32
        %mul3A_562 = arith.muli %while3A_560, %mul3A_561 : i32
        %get3A = arith.index_cast %mul3A_562 : i32 to index
        %get3A_563 = tpu.vector_load %arg7[%get3A] {strides = array<i32>} : memref<1040xf32, #tpu.memory_space<vmem>>, vector<16xf32>,
        %mul3A_564 = arith.constant 16 : i32
        %mul3A_565 = arith.muli %while3A_560, %mul3A_564 : i32
        %get3A_566 = arith.index_cast %mul3A_565 : i32 to index
        %get3A_567 = tpu.vector_load %arg8[%get3A_566] {strides = array<i32>} : memref<1040xi32, #tpu.memory_space<vmem>>, vector<16xi32>,
        %eq3A_568 = vector.broadcast %reduce_min3A_192 : i32 to vector<16xi32>
        %eq3A_569 = arith.cmpi eq, %get3A_567, %eq3A_568 : vector<16xi32>
        %jit3A_570 = arith.constant 0xFF800000 : f32
        %broadcast_in_dim3A_571 = vector.broadcast %jit3A_570 : f32 to vector<16xf32>
        %select_n3A_572 = arith.select %eq3A_569, %broadcast_in_dim3A_571, %get3A_563 : vector<16xi1>, vector<16xf32>
        %mul3A_573 = arith.constant 16 : i32
        %mul3A_574 = arith.muli %while3A_560, %mul3A_573 : i32
        %swap3A_575 = arith.index_cast %mul3A_574 : i32 to index
        %swap3A_576 = tpu.vector_load %arg7[%swap3A_575] {strides = array<i32>} : memref<1040xf32, #tpu.memory_space<vmem>>, vector<16xf32>,
        tpu.vector_store %arg7[%swap3A_575], %select_n3A_572 {strides = array<i32>} : memref<1040xf32, #tpu.memory_space<vmem>>, vector<16xf32>,
      }
      %while3A_202 = arith.constant 1 : i32
      scf.for %while3A_560 = %while3A_200 to %while3A_196 step %while3A_202  : i32 {
        %mul3A_561 = arith.constant 16 : i32
        %mul3A_562 = arith.muli %while3A_560, %mul3A_561 : i32
        %get3A = arith.index_cast %mul3A_562 : i32 to index
        %get3A_563 = tpu.vector_load %arg7[%get3A] {strides = array<i32>} : memref<1040xf32, #tpu.memory_space<vmem>>, vector<16xf32>,
        %mul3A_564 = arith.constant 16 : i32
        %mul3A_565 = arith.muli %while3A_560, %mul3A_564 : i32
        %get3A_566 = arith.index_cast %mul3A_565 : i32 to index
        %get3A_567 = tpu.vector_load %arg8[%get3A_566] {strides = array<i32>} : memref<1040xi32, #tpu.memory_space<vmem>>, vector<16xi32>,
        %eq3A_568 = vector.broadcast %reduce_min3A_192 : i32 to vector<16xi32>
        %eq3A_569 = arith.cmpi eq, %get3A_567, %eq3A_568 : vector<16xi32>
        %jit3A_570 = arith.constant 0xFF800000 : f32
        %broadcast_in_dim3A_571 = vector.broadcast %jit3A_570 : f32 to vector<16xf32>
        %select_n3A_572 = arith.select %eq3A_569, %broadcast_in_dim3A_571, %get3A_563 : vector<16xi1>, vector<16xf32>
        %mul3A_573 = arith.constant 16 : i32
        %mul3A_574 = arith.muli %while3A_560, %mul3A_573 : i32
        %swap3A_575 = arith.index_cast %mul3A_574 : i32 to index
        %swap3A_576 = tpu.vector_load %arg7[%swap3A_575] {strides = array<i32>} : memref<1040xf32, #tpu.memory_space<vmem>>, vector<16xf32>,
        tpu.vector_store %arg7[%swap3A_575], %select_n3A_572 {strides = array<i32>} : memref<1040xf32, #tpu.memory_space<vmem>>, vector<16xf32>,
      }
      %eq3A_203 = arith.constant 1 : i32
      %eq3A_204 = vector.broadcast %eq3A_203 : i32 to vector<16xi32>
      %eq3A_205 = arith.cmpi eq, %iota3A, %eq3A_204 : vector<16xi32>
      %broadcast_in_dim3A_206 = vector.broadcast %reduce_max3A_171 : f32 to vector<16xf32>
      %select_n3A_207 = arith.select %eq3A_205, %broadcast_in_dim3A_206, %select_n3A_151 : vector<16xi1>, vector<16xf32>
      %eq3A_208 = arith.constant 1 : i32
      %eq3A_209 = vector.broadcast %eq3A_208 : i32 to vector<16xi32>
      %eq3A_210 = arith.cmpi eq, %iota3A, %eq3A_209 : vector<16xi32>
      %broadcast_in_dim3A_211 = vector.broadcast %reduce_min3A_192 : i32 to vector<16xi32>
      %select_n3A_212 = arith.select %eq3A_210, %broadcast_in_dim3A_211, %select_n3A_156 : vector<16xi1>, vector<16xi32>
      %while3A_213 = arith.constant 0 : i32
      %while3A_214 = arith.subi %select_n3A_102, %while3A_213 : i32
      %while3A_215 = arith.addi %while3A_213, %while3A_214 : i32
      %while3A_216 = arith.constant 1 : i32
      %while3A_217 = arith.divsi %while3A_214, %while3A_216 : i32
      %while3A_218 = arith.muli %while3A_217, %while3A_216 : i32
      %while3A_219 = arith.addi %while3A_213, %while3A_218 : i32
      %while3A_220 = arith.constant 1 : i32
      %while3A_221 = scf.for %while3A_560 = %while3A_213 to %while3A_219 step %while3A_220 iter_args(%while3A_561 = %broadcast_in_dim3A_18) -> (vector<16xf32>)  : i32 {
        %mul3A_562 = arith.constant 16 : i32
        %mul3A_563 = arith.muli %while3A_560, %mul3A_562 : i32
        %get3A = arith.index_cast %mul3A_563 : i32 to index
        %get3A_564 = tpu.vector_load %arg7[%get3A] {strides = array<i32>} : memref<1040xf32, #tpu.memory_space<vmem>>, vector<16xf32>,
        %max3A = arith.maximumf %while3A_561, %get3A_564 : vector<16xf32>
        scf.yield %max3A : vector<16xf32>
      }
      %while3A_222 = arith.constant 1 : i32
      %while3A_223 = scf.for %while3A_560 = %while3A_219 to %while3A_215 step %while3A_222 iter_args(%while3A_561 = %while3A_221) -> (vector<16xf32>)  : i32 {
        %mul3A_562 = arith.constant 16 : i32
        %mul3A_563 = arith.muli %while3A_560, %mul3A_562 : i32
        %get3A = arith.index_cast %mul3A_563 : i32 to index
        %get3A_564 = tpu.vector_load %arg7[%get3A] {strides = array<i32>} : memref<1040xf32, #tpu.memory_space<vmem>>, vector<16xf32>,
        %max3A = arith.maximumf %while3A_561, %get3A_564 : vector<16xf32>
        scf.yield %max3A : vector<16xf32>
      }
      %reduce_max3A_224 = arith.constant true
      %reduce_max3A_225 = vector.broadcast %reduce_max3A_224 : i1 to vector<16xi1>
      %reduce_max3A_226 = tpu.scan <max>, %while3A_223 masked %reduce_max3A_225 : vector<16xf32>, vector<16xi1> -> vector<16xf32>
      %reduce_max3A_227 = vector.extract %reduce_max3A_226[15] : f32 from vector<16xf32>
      %broadcast_in_dim3A_228 = arith.constant 2147483647 : i32
      %broadcast_in_dim3A_229 = vector.broadcast %broadcast_in_dim3A_228 : i32 to vector<16xi32>
      %while3A_230 = arith.constant 0 : i32
      %while3A_231 = arith.subi %select_n3A_102, %while3A_230 : i32
      %while3A_232 = arith.addi %while3A_230, %while3A_231 : i32
      %while3A_233 = arith.constant 1 : i32
      %while3A_234 = arith.divsi %while3A_231, %while3A_233 : i32
      %while3A_235 = arith.muli %while3A_234, %while3A_233 : i32
      %while3A_236 = arith.addi %while3A_230, %while3A_235 : i32
      %while3A_237 = arith.constant 1 : i32
      %while3A_238 = scf.for %while3A_560 = %while3A_230 to %while3A_236 step %while3A_237 iter_args(%while3A_561 = %broadcast_in_dim3A_229) -> (vector<16xi32>)  : i32 {
        %mul3A_562 = arith.constant 16 : i32
        %mul3A_563 = arith.muli %while3A_560, %mul3A_562 : i32
        %get3A = arith.index_cast %mul3A_563 : i32 to index
        %get3A_564 = tpu.vector_load %arg7[%get3A] {strides = array<i32>} : memref<1040xf32, #tpu.memory_space<vmem>>, vector<16xf32>,
        %mul3A_565 = arith.constant 16 : i32
        %mul3A_566 = arith.muli %while3A_560, %mul3A_565 : i32
        %get3A_567 = arith.index_cast %mul3A_566 : i32 to index
        %get3A_568 = tpu.vector_load %arg8[%get3A_567] {strides = array<i32>} : memref<1040xi32, #tpu.memory_space<vmem>>, vector<16xi32>,
        %eq3A_569 = vector.broadcast %reduce_max3A_227 : f32 to vector<16xf32>
        %eq3A_570 = arith.cmpf oeq, %get3A_564, %eq3A_569 : vector<16xf32>
        %jit3A_571 = arith.constant 2147483647 : i32
        %broadcast_in_dim3A_572 = vector.broadcast %jit3A_571 : i32 to vector<16xi32>
        %select_n3A_573 = arith.select %eq3A_570, %get3A_568, %broadcast_in_dim3A_572 : vector<16xi1>, vector<16xi32>
        %min3A_574 = arith.minsi %while3A_561, %select_n3A_573 : vector<16xi32>
        scf.yield %min3A_574 : vector<16xi32>
      }
      %while3A_239 = arith.constant 1 : i32
      %while3A_240 = scf.for %while3A_560 = %while3A_236 to %while3A_232 step %while3A_239 iter_args(%while3A_561 = %while3A_238) -> (vector<16xi32>)  : i32 {
        %mul3A_562 = arith.constant 16 : i32
        %mul3A_563 = arith.muli %while3A_560, %mul3A_562 : i32
        %get3A = arith.index_cast %mul3A_563 : i32 to index
        %get3A_564 = tpu.vector_load %arg7[%get3A] {strides = array<i32>} : memref<1040xf32, #tpu.memory_space<vmem>>, vector<16xf32>,
        %mul3A_565 = arith.constant 16 : i32
        %mul3A_566 = arith.muli %while3A_560, %mul3A_565 : i32
        %get3A_567 = arith.index_cast %mul3A_566 : i32 to index
        %get3A_568 = tpu.vector_load %arg8[%get3A_567] {strides = array<i32>} : memref<1040xi32, #tpu.memory_space<vmem>>, vector<16xi32>,
        %eq3A_569 = vector.broadcast %reduce_max3A_227 : f32 to vector<16xf32>
        %eq3A_570 = arith.cmpf oeq, %get3A_564, %eq3A_569 : vector<16xf32>
        %jit3A_571 = arith.constant 2147483647 : i32
        %broadcast_in_dim3A_572 = vector.broadcast %jit3A_571 : i32 to vector<16xi32>
        %select_n3A_573 = arith.select %eq3A_570, %get3A_568, %broadcast_in_dim3A_572 : vector<16xi1>, vector<16xi32>
        %min3A_574 = arith.minsi %while3A_561, %select_n3A_573 : vector<16xi32>
        scf.yield %min3A_574 : vector<16xi32>
      }
      %reduce_min3A_241 = arith.constant true
      %reduce_min3A_242 = vector.broadcast %reduce_min3A_241 : i1 to vector<16xi1>
      %reduce_min3A_243 = arith.constant -2147483648 : i32
      %reduce_min3A_244 = vector.broadcast %reduce_min3A_243 : i32 to vector<16xi32>
      %reduce_min3A_245 = arith.xori %while3A_240, %reduce_min3A_244 : vector<16xi32>
      %reduce_min3A_246 = tpu.scan <min>, %reduce_min3A_245 masked %reduce_min3A_242 : vector<16xi32>, vector<16xi1> -> vector<16xi32>
      %reduce_min3A_247 = arith.xori %reduce_min3A_246, %reduce_min3A_244 : vector<16xi32>
      %reduce_min3A_248 = vector.extract %reduce_min3A_247[15] : i32 from vector<16xi32>
      %while3A_249 = arith.constant 0 : i32
      %while3A_250 = arith.constant 0 : i32
      %while3A_251 = arith.subi %select_n3A_102, %while3A_250 : i32
      %while3A_252 = arith.addi %while3A_250, %while3A_251 : i32
      %while3A_253 = arith.constant 1 : i32
      %while3A_254 = arith.divsi %while3A_251, %while3A_253 : i32
      %while3A_255 = arith.muli %while3A_254, %while3A_253 : i32
      %while3A_256 = arith.addi %while3A_250, %while3A_255 : i32
      %while3A_257 = arith.constant 1 : i32
      scf.for %while3A_560 = %while3A_250 to %while3A_256 step %while3A_257  : i32 {
        %mul3A_561 = arith.constant 16 : i32
        %mul3A_562 = arith.muli %while3A_560, %mul3A_561 : i32
        %get3A = arith.index_cast %mul3A_562 : i32 to index
        %get3A_563 = tpu.vector_load %arg7[%get3A] {strides = array<i32>} : memref<1040xf32, #tpu.memory_space<vmem>>, vector<16xf32>,
        %mul3A_564 = arith.constant 16 : i32
        %mul3A_565 = arith.muli %while3A_560, %mul3A_564 : i32
        %get3A_566 = arith.index_cast %mul3A_565 : i32 to index
        %get3A_567 = tpu.vector_load %arg8[%get3A_566] {strides = array<i32>} : memref<1040xi32, #tpu.memory_space<vmem>>, vector<16xi32>,
        %eq3A_568 = vector.broadcast %reduce_min3A_248 : i32 to vector<16xi32>
        %eq3A_569 = arith.cmpi eq, %get3A_567, %eq3A_568 : vector<16xi32>
        %jit3A_570 = arith.constant 0xFF800000 : f32
        %broadcast_in_dim3A_571 = vector.broadcast %jit3A_570 : f32 to vector<16xf32>
        %select_n3A_572 = arith.select %eq3A_569, %broadcast_in_dim3A_571, %get3A_563 : vector<16xi1>, vector<16xf32>
        %mul3A_573 = arith.constant 16 : i32
        %mul3A_574 = arith.muli %while3A_560, %mul3A_573 : i32
        %swap3A_575 = arith.index_cast %mul3A_574 : i32 to index
        %swap3A_576 = tpu.vector_load %arg7[%swap3A_575] {strides = array<i32>} : memref<1040xf32, #tpu.memory_space<vmem>>, vector<16xf32>,
        tpu.vector_store %arg7[%swap3A_575], %select_n3A_572 {strides = array<i32>} : memref<1040xf32, #tpu.memory_space<vmem>>, vector<16xf32>,
      }
      %while3A_258 = arith.constant 1 : i32
      scf.for %while3A_560 = %while3A_256 to %while3A_252 step %while3A_258  : i32 {
        %mul3A_561 = arith.constant 16 : i32
        %mul3A_562 = arith.muli %while3A_560, %mul3A_561 : i32
        %get3A = arith.index_cast %mul3A_562 : i32 to index
        %get3A_563 = tpu.vector_load %arg7[%get3A] {strides = array<i32>} : memref<1040xf32, #tpu.memory_space<vmem>>, vector<16xf32>,
        %mul3A_564 = arith.constant 16 : i32
        %mul3A_565 = arith.muli %while3A_560, %mul3A_564 : i32
        %get3A_566 = arith.index_cast %mul3A_565 : i32 to index
        %get3A_567 = tpu.vector_load %arg8[%get3A_566] {strides = array<i32>} : memref<1040xi32, #tpu.memory_space<vmem>>, vector<16xi32>,
        %eq3A_568 = vector.broadcast %reduce_min3A_248 : i32 to vector<16xi32>
        %eq3A_569 = arith.cmpi eq, %get3A_567, %eq3A_568 : vector<16xi32>
        %jit3A_570 = arith.constant 0xFF800000 : f32
        %broadcast_in_dim3A_571 = vector.broadcast %jit3A_570 : f32 to vector<16xf32>
        %select_n3A_572 = arith.select %eq3A_569, %broadcast_in_dim3A_571, %get3A_563 : vector<16xi1>, vector<16xf32>
        %mul3A_573 = arith.constant 16 : i32
        %mul3A_574 = arith.muli %while3A_560, %mul3A_573 : i32
        %swap3A_575 = arith.index_cast %mul3A_574 : i32 to index
        %swap3A_576 = tpu.vector_load %arg7[%swap3A_575] {strides = array<i32>} : memref<1040xf32, #tpu.memory_space<vmem>>, vector<16xf32>,
        tpu.vector_store %arg7[%swap3A_575], %select_n3A_572 {strides = array<i32>} : memref<1040xf32, #tpu.memory_space<vmem>>, vector<16xf32>,
      }
      %eq3A_259 = arith.constant 2 : i32
      %eq3A_260 = vector.broadcast %eq3A_259 : i32 to vector<16xi32>
      %eq3A_261 = arith.cmpi eq, %iota3A, %eq3A_260 : vector<16xi32>
      %broadcast_in_dim3A_262 = vector.broadcast %reduce_max3A_227 : f32 to vector<16xf32>
      %select_n3A_263 = arith.select %eq3A_261, %broadcast_in_dim3A_262, %select_n3A_207 : vector<16xi1>, vector<16xf32>
      %eq3A_264 = arith.constant 2 : i32
      %eq3A_265 = vector.broadcast %eq3A_264 : i32 to vector<16xi32>
      %eq3A_266 = arith.cmpi eq, %iota3A, %eq3A_265 : vector<16xi32>
      %broadcast_in_dim3A_267 = vector.broadcast %reduce_min3A_248 : i32 to vector<16xi32>
      %select_n3A_268 = arith.select %eq3A_266, %broadcast_in_dim3A_267, %select_n3A_212 : vector<16xi1>, vector<16xi32>
      %while3A_269 = arith.constant 0 : i32
      %while3A_270 = arith.subi %select_n3A_102, %while3A_269 : i32
      %while3A_271 = arith.addi %while3A_269, %while3A_270 : i32
      %while3A_272 = arith.constant 1 : i32
      %while3A_273 = arith.divsi %while3A_270, %while3A_272 : i32
      %while3A_274 = arith.muli %while3A_273, %while3A_272 : i32
      %while3A_275 = arith.addi %while3A_269, %while3A_274 : i32
      %while3A_276 = arith.constant 1 : i32
      %while3A_277 = scf.for %while3A_560 = %while3A_269 to %while3A_275 step %while3A_276 iter_args(%while3A_561 = %broadcast_in_dim3A_18) -> (vector<16xf32>)  : i32 {
        %mul3A_562 = arith.constant 16 : i32
        %mul3A_563 = arith.muli %while3A_560, %mul3A_562 : i32
        %get3A = arith.index_cast %mul3A_563 : i32 to index
        %get3A_564 = tpu.vector_load %arg7[%get3A] {strides = array<i32>} : memref<1040xf32, #tpu.memory_space<vmem>>, vector<16xf32>,
        %max3A = arith.maximumf %while3A_561, %get3A_564 : vector<16xf32>
        scf.yield %max3A : vector<16xf32>
      }
      %while3A_278 = arith.constant 1 : i32
      %while3A_279 = scf.for %while3A_560 = %while3A_275 to %while3A_271 step %while3A_278 iter_args(%while3A_561 = %while3A_277) -> (vector<16xf32>)  : i32 {
        %mul3A_562 = arith.constant 16 : i32
        %mul3A_563 = arith.muli %while3A_560, %mul3A_562 : i32
        %get3A = arith.index_cast %mul3A_563 : i32 to index
        %get3A_564 = tpu.vector_load %arg7[%get3A] {strides = array<i32>} : memref<1040xf32, #tpu.memory_space<vmem>>, vector<16xf32>,
        %max3A = arith.maximumf %while3A_561, %get3A_564 : vector<16xf32>
        scf.yield %max3A : vector<16xf32>
      }
      %reduce_max3A_280 = arith.constant true
      %reduce_max3A_281 = vector.broadcast %reduce_max3A_280 : i1 to vector<16xi1>
      %reduce_max3A_282 = tpu.scan <max>, %while3A_279 masked %reduce_max3A_281 : vector<16xf32>, vector<16xi1> -> vector<16xf32>
      %reduce_max3A_283 = vector.extract %reduce_max3A_282[15] : f32 from vector<16xf32>
      %broadcast_in_dim3A_284 = arith.constant 2147483647 : i32
      %broadcast_in_dim3A_285 = vector.broadcast %broadcast_in_dim3A_284 : i32 to vector<16xi32>
      %while3A_286 = arith.constant 0 : i32
      %while3A_287 = arith.subi %select_n3A_102, %while3A_286 : i32
      %while3A_288 = arith.addi %while3A_286, %while3A_287 : i32
      %while3A_289 = arith.constant 1 : i32
      %while3A_290 = arith.divsi %while3A_287, %while3A_289 : i32
      %while3A_291 = arith.muli %while3A_290, %while3A_289 : i32
      %while3A_292 = arith.addi %while3A_286, %while3A_291 : i32
      %while3A_293 = arith.constant 1 : i32
      %while3A_294 = scf.for %while3A_560 = %while3A_286 to %while3A_292 step %while3A_293 iter_args(%while3A_561 = %broadcast_in_dim3A_285) -> (vector<16xi32>)  : i32 {
        %mul3A_562 = arith.constant 16 : i32
        %mul3A_563 = arith.muli %while3A_560, %mul3A_562 : i32
        %get3A = arith.index_cast %mul3A_563 : i32 to index
        %get3A_564 = tpu.vector_load %arg7[%get3A] {strides = array<i32>} : memref<1040xf32, #tpu.memory_space<vmem>>, vector<16xf32>,
        %mul3A_565 = arith.constant 16 : i32
        %mul3A_566 = arith.muli %while3A_560, %mul3A_565 : i32
        %get3A_567 = arith.index_cast %mul3A_566 : i32 to index
        %get3A_568 = tpu.vector_load %arg8[%get3A_567] {strides = array<i32>} : memref<1040xi32, #tpu.memory_space<vmem>>, vector<16xi32>,
        %eq3A_569 = vector.broadcast %reduce_max3A_283 : f32 to vector<16xf32>
        %eq3A_570 = arith.cmpf oeq, %get3A_564, %eq3A_569 : vector<16xf32>
        %jit3A_571 = arith.constant 2147483647 : i32
        %broadcast_in_dim3A_572 = vector.broadcast %jit3A_571 : i32 to vector<16xi32>
        %select_n3A_573 = arith.select %eq3A_570, %get3A_568, %broadcast_in_dim3A_572 : vector<16xi1>, vector<16xi32>
        %min3A_574 = arith.minsi %while3A_561, %select_n3A_573 : vector<16xi32>
        scf.yield %min3A_574 : vector<16xi32>
      }
      %while3A_295 = arith.constant 1 : i32
      %while3A_296 = scf.for %while3A_560 = %while3A_292 to %while3A_288 step %while3A_295 iter_args(%while3A_561 = %while3A_294) -> (vector<16xi32>)  : i32 {
        %mul3A_562 = arith.constant 16 : i32
        %mul3A_563 = arith.muli %while3A_560, %mul3A_562 : i32
        %get3A = arith.index_cast %mul3A_563 : i32 to index
        %get3A_564 = tpu.vector_load %arg7[%get3A] {strides = array<i32>} : memref<1040xf32, #tpu.memory_space<vmem>>, vector<16xf32>,
        %mul3A_565 = arith.constant 16 : i32
        %mul3A_566 = arith.muli %while3A_560, %mul3A_565 : i32
        %get3A_567 = arith.index_cast %mul3A_566 : i32 to index
        %get3A_568 = tpu.vector_load %arg8[%get3A_567] {strides = array<i32>} : memref<1040xi32, #tpu.memory_space<vmem>>, vector<16xi32>,
        %eq3A_569 = vector.broadcast %reduce_max3A_283 : f32 to vector<16xf32>
        %eq3A_570 = arith.cmpf oeq, %get3A_564, %eq3A_569 : vector<16xf32>
        %jit3A_571 = arith.constant 2147483647 : i32
        %broadcast_in_dim3A_572 = vector.broadcast %jit3A_571 : i32 to vector<16xi32>
        %select_n3A_573 = arith.select %eq3A_570, %get3A_568, %broadcast_in_dim3A_572 : vector<16xi1>, vector<16xi32>
        %min3A_574 = arith.minsi %while3A_561, %select_n3A_573 : vector<16xi32>
        scf.yield %min3A_574 : vector<16xi32>
      }
      %reduce_min3A_297 = arith.constant true
      %reduce_min3A_298 = vector.broadcast %reduce_min3A_297 : i1 to vector<16xi1>
      %reduce_min3A_299 = arith.constant -2147483648 : i32
      %reduce_min3A_300 = vector.broadcast %reduce_min3A_299 : i32 to vector<16xi32>
      %reduce_min3A_301 = arith.xori %while3A_296, %reduce_min3A_300 : vector<16xi32>
      %reduce_min3A_302 = tpu.scan <min>, %reduce_min3A_301 masked %reduce_min3A_298 : vector<16xi32>, vector<16xi1> -> vector<16xi32>
      %reduce_min3A_303 = arith.xori %reduce_min3A_302, %reduce_min3A_300 : vector<16xi32>
      %reduce_min3A_304 = vector.extract %reduce_min3A_303[15] : i32 from vector<16xi32>
      %while3A_305 = arith.constant 0 : i32
      %while3A_306 = arith.constant 0 : i32
      %while3A_307 = arith.subi %select_n3A_102, %while3A_306 : i32
      %while3A_308 = arith.addi %while3A_306, %while3A_307 : i32
      %while3A_309 = arith.constant 1 : i32
      %while3A_310 = arith.divsi %while3A_307, %while3A_309 : i32
      %while3A_311 = arith.muli %while3A_310, %while3A_309 : i32
      %while3A_312 = arith.addi %while3A_306, %while3A_311 : i32
      %while3A_313 = arith.constant 1 : i32
      scf.for %while3A_560 = %while3A_306 to %while3A_312 step %while3A_313  : i32 {
        %mul3A_561 = arith.constant 16 : i32
        %mul3A_562 = arith.muli %while3A_560, %mul3A_561 : i32
        %get3A = arith.index_cast %mul3A_562 : i32 to index
        %get3A_563 = tpu.vector_load %arg7[%get3A] {strides = array<i32>} : memref<1040xf32, #tpu.memory_space<vmem>>, vector<16xf32>,
        %mul3A_564 = arith.constant 16 : i32
        %mul3A_565 = arith.muli %while3A_560, %mul3A_564 : i32
        %get3A_566 = arith.index_cast %mul3A_565 : i32 to index
        %get3A_567 = tpu.vector_load %arg8[%get3A_566] {strides = array<i32>} : memref<1040xi32, #tpu.memory_space<vmem>>, vector<16xi32>,
        %eq3A_568 = vector.broadcast %reduce_min3A_304 : i32 to vector<16xi32>
        %eq3A_569 = arith.cmpi eq, %get3A_567, %eq3A_568 : vector<16xi32>
        %jit3A_570 = arith.constant 0xFF800000 : f32
        %broadcast_in_dim3A_571 = vector.broadcast %jit3A_570 : f32 to vector<16xf32>
        %select_n3A_572 = arith.select %eq3A_569, %broadcast_in_dim3A_571, %get3A_563 : vector<16xi1>, vector<16xf32>
        %mul3A_573 = arith.constant 16 : i32
        %mul3A_574 = arith.muli %while3A_560, %mul3A_573 : i32
        %swap3A_575 = arith.index_cast %mul3A_574 : i32 to index
        %swap3A_576 = tpu.vector_load %arg7[%swap3A_575] {strides = array<i32>} : memref<1040xf32, #tpu.memory_space<vmem>>, vector<16xf32>,
        tpu.vector_store %arg7[%swap3A_575], %select_n3A_572 {strides = array<i32>} : memref<1040xf32, #tpu.memory_space<vmem>>, vector<16xf32>,
      }
      %while3A_314 = arith.constant 1 : i32
      scf.for %while3A_560 = %while3A_312 to %while3A_308 step %while3A_314  : i32 {
        %mul3A_561 = arith.constant 16 : i32
        %mul3A_562 = arith.muli %while3A_560, %mul3A_561 : i32
        %get3A = arith.index_cast %mul3A_562 : i32 to index
        %get3A_563 = tpu.vector_load %arg7[%get3A] {strides = array<i32>} : memref<1040xf32, #tpu.memory_space<vmem>>, vector<16xf32>,
        %mul3A_564 = arith.constant 16 : i32
        %mul3A_565 = arith.muli %while3A_560, %mul3A_564 : i32
        %get3A_566 = arith.index_cast %mul3A_565 : i32 to index
        %get3A_567 = tpu.vector_load %arg8[%get3A_566] {strides = array<i32>} : memref<1040xi32, #tpu.memory_space<vmem>>, vector<16xi32>,
        %eq3A_568 = vector.broadcast %reduce_min3A_304 : i32 to vector<16xi32>
        %eq3A_569 = arith.cmpi eq, %get3A_567, %eq3A_568 : vector<16xi32>
        %jit3A_570 = arith.constant 0xFF800000 : f32
        %broadcast_in_dim3A_571 = vector.broadcast %jit3A_570 : f32 to vector<16xf32>
        %select_n3A_572 = arith.select %eq3A_569, %broadcast_in_dim3A_571, %get3A_563 : vector<16xi1>, vector<16xf32>
        %mul3A_573 = arith.constant 16 : i32
        %mul3A_574 = arith.muli %while3A_560, %mul3A_573 : i32
        %swap3A_575 = arith.index_cast %mul3A_574 : i32 to index
        %swap3A_576 = tpu.vector_load %arg7[%swap3A_575] {strides = array<i32>} : memref<1040xf32, #tpu.memory_space<vmem>>, vector<16xf32>,
        tpu.vector_store %arg7[%swap3A_575], %select_n3A_572 {strides = array<i32>} : memref<1040xf32, #tpu.memory_space<vmem>>, vector<16xf32>,
      }
      %eq3A_315 = arith.constant 3 : i32
      %eq3A_316 = vector.broadcast %eq3A_315 : i32 to vector<16xi32>
      %eq3A_317 = arith.cmpi eq, %iota3A, %eq3A_316 : vector<16xi32>
      %broadcast_in_dim3A_318 = vector.broadcast %reduce_max3A_283 : f32 to vector<16xf32>
      %select_n3A_319 = arith.select %eq3A_317, %broadcast_in_dim3A_318, %select_n3A_263 : vector<16xi1>, vector<16xf32>
      %eq3A_320 = arith.constant 3 : i32
      %eq3A_321 = vector.broadcast %eq3A_320 : i32 to vector<16xi32>
      %eq3A_322 = arith.cmpi eq, %iota3A, %eq3A_321 : vector<16xi32>
      %broadcast_in_dim3A_323 = vector.broadcast %reduce_min3A_304 : i32 to vector<16xi32>
      %select_n3A_324 = arith.select %eq3A_322, %broadcast_in_dim3A_323, %select_n3A_268 : vector<16xi1>, vector<16xi32>
      %while3A_325 = arith.constant 0 : i32
      %while3A_326 = arith.subi %select_n3A_102, %while3A_325 : i32
      %while3A_327 = arith.addi %while3A_325, %while3A_326 : i32
      %while3A_328 = arith.constant 1 : i32
      %while3A_329 = arith.divsi %while3A_326, %while3A_328 : i32
      %while3A_330 = arith.muli %while3A_329, %while3A_328 : i32
      %while3A_331 = arith.addi %while3A_325, %while3A_330 : i32
      %while3A_332 = arith.constant 1 : i32
      %while3A_333 = scf.for %while3A_560 = %while3A_325 to %while3A_331 step %while3A_332 iter_args(%while3A_561 = %broadcast_in_dim3A_18) -> (vector<16xf32>)  : i32 {
        %mul3A_562 = arith.constant 16 : i32
        %mul3A_563 = arith.muli %while3A_560, %mul3A_562 : i32
        %get3A = arith.index_cast %mul3A_563 : i32 to index
        %get3A_564 = tpu.vector_load %arg7[%get3A] {strides = array<i32>} : memref<1040xf32, #tpu.memory_space<vmem>>, vector<16xf32>,
        %max3A = arith.maximumf %while3A_561, %get3A_564 : vector<16xf32>
        scf.yield %max3A : vector<16xf32>
      }
      %while3A_334 = arith.constant 1 : i32
      %while3A_335 = scf.for %while3A_560 = %while3A_331 to %while3A_327 step %while3A_334 iter_args(%while3A_561 = %while3A_333) -> (vector<16xf32>)  : i32 {
        %mul3A_562 = arith.constant 16 : i32
        %mul3A_563 = arith.muli %while3A_560, %mul3A_562 : i32
        %get3A = arith.index_cast %mul3A_563 : i32 to index
        %get3A_564 = tpu.vector_load %arg7[%get3A] {strides = array<i32>} : memref<1040xf32, #tpu.memory_space<vmem>>, vector<16xf32>,
        %max3A = arith.maximumf %while3A_561, %get3A_564 : vector<16xf32>
        scf.yield %max3A : vector<16xf32>
      }
      %reduce_max3A_336 = arith.constant true
      %reduce_max3A_337 = vector.broadcast %reduce_max3A_336 : i1 to vector<16xi1>
      %reduce_max3A_338 = tpu.scan <max>, %while3A_335 masked %reduce_max3A_337 : vector<16xf32>, vector<16xi1> -> vector<16xf32>
      %reduce_max3A_339 = vector.extract %reduce_max3A_338[15] : f32 from vector<16xf32>
      %broadcast_in_dim3A_340 = arith.constant 2147483647 : i32
      %broadcast_in_dim3A_341 = vector.broadcast %broadcast_in_dim3A_340 : i32 to vector<16xi32>
      %while3A_342 = arith.constant 0 : i32
      %while3A_343 = arith.subi %select_n3A_102, %while3A_342 : i32
      %while3A_344 = arith.addi %while3A_342, %while3A_343 : i32
      %while3A_345 = arith.constant 1 : i32
      %while3A_346 = arith.divsi %while3A_343, %while3A_345 : i32
      %while3A_347 = arith.muli %while3A_346, %while3A_345 : i32
      %while3A_348 = arith.addi %while3A_342, %while3A_347 : i32
      %while3A_349 = arith.constant 1 : i32
      %while3A_350 = scf.for %while3A_560 = %while3A_342 to %while3A_348 step %while3A_349 iter_args(%while3A_561 = %broadcast_in_dim3A_341) -> (vector<16xi32>)  : i32 {
        %mul3A_562 = arith.constant 16 : i32
        %mul3A_563 = arith.muli %while3A_560, %mul3A_562 : i32
        %get3A = arith.index_cast %mul3A_563 : i32 to index
        %get3A_564 = tpu.vector_load %arg7[%get3A] {strides = array<i32>} : memref<1040xf32, #tpu.memory_space<vmem>>, vector<16xf32>,
        %mul3A_565 = arith.constant 16 : i32
        %mul3A_566 = arith.muli %while3A_560, %mul3A_565 : i32
        %get3A_567 = arith.index_cast %mul3A_566 : i32 to index
        %get3A_568 = tpu.vector_load %arg8[%get3A_567] {strides = array<i32>} : memref<1040xi32, #tpu.memory_space<vmem>>, vector<16xi32>,
        %eq3A_569 = vector.broadcast %reduce_max3A_339 : f32 to vector<16xf32>
        %eq3A_570 = arith.cmpf oeq, %get3A_564, %eq3A_569 : vector<16xf32>
        %jit3A_571 = arith.constant 2147483647 : i32
        %broadcast_in_dim3A_572 = vector.broadcast %jit3A_571 : i32 to vector<16xi32>
        %select_n3A_573 = arith.select %eq3A_570, %get3A_568, %broadcast_in_dim3A_572 : vector<16xi1>, vector<16xi32>
        %min3A_574 = arith.minsi %while3A_561, %select_n3A_573 : vector<16xi32>
        scf.yield %min3A_574 : vector<16xi32>
      }
      %while3A_351 = arith.constant 1 : i32
      %while3A_352 = scf.for %while3A_560 = %while3A_348 to %while3A_344 step %while3A_351 iter_args(%while3A_561 = %while3A_350) -> (vector<16xi32>)  : i32 {
        %mul3A_562 = arith.constant 16 : i32
        %mul3A_563 = arith.muli %while3A_560, %mul3A_562 : i32
        %get3A = arith.index_cast %mul3A_563 : i32 to index
        %get3A_564 = tpu.vector_load %arg7[%get3A] {strides = array<i32>} : memref<1040xf32, #tpu.memory_space<vmem>>, vector<16xf32>,
        %mul3A_565 = arith.constant 16 : i32
        %mul3A_566 = arith.muli %while3A_560, %mul3A_565 : i32
        %get3A_567 = arith.index_cast %mul3A_566 : i32 to index
        %get3A_568 = tpu.vector_load %arg8[%get3A_567] {strides = array<i32>} : memref<1040xi32, #tpu.memory_space<vmem>>, vector<16xi32>,
        %eq3A_569 = vector.broadcast %reduce_max3A_339 : f32 to vector<16xf32>
        %eq3A_570 = arith.cmpf oeq, %get3A_564, %eq3A_569 : vector<16xf32>
        %jit3A_571 = arith.constant 2147483647 : i32
        %broadcast_in_dim3A_572 = vector.broadcast %jit3A_571 : i32 to vector<16xi32>
        %select_n3A_573 = arith.select %eq3A_570, %get3A_568, %broadcast_in_dim3A_572 : vector<16xi1>, vector<16xi32>
        %min3A_574 = arith.minsi %while3A_561, %select_n3A_573 : vector<16xi32>
        scf.yield %min3A_574 : vector<16xi32>
      }
      %reduce_min3A_353 = arith.constant true
      %reduce_min3A_354 = vector.broadcast %reduce_min3A_353 : i1 to vector<16xi1>
      %reduce_min3A_355 = arith.constant -2147483648 : i32
      %reduce_min3A_356 = vector.broadcast %reduce_min3A_355 : i32 to vector<16xi32>
      %reduce_min3A_357 = arith.xori %while3A_352, %reduce_min3A_356 : vector<16xi32>
      %reduce_min3A_358 = tpu.scan <min>, %reduce_min3A_357 masked %reduce_min3A_354 : vector<16xi32>, vector<16xi1> -> vector<16xi32>
      %reduce_min3A_359 = arith.xori %reduce_min3A_358, %reduce_min3A_356 : vector<16xi32>
      %reduce_min3A_360 = vector.extract %reduce_min3A_359[15] : i32 from vector<16xi32>
      %while3A_361 = arith.constant 0 : i32
      %while3A_362 = arith.constant 0 : i32
      %while3A_363 = arith.subi %select_n3A_102, %while3A_362 : i32
      %while3A_364 = arith.addi %while3A_362, %while3A_363 : i32
      %while3A_365 = arith.constant 1 : i32
      %while3A_366 = arith.divsi %while3A_363, %while3A_365 : i32
      %while3A_367 = arith.muli %while3A_366, %while3A_365 : i32
      %while3A_368 = arith.addi %while3A_362, %while3A_367 : i32
      %while3A_369 = arith.constant 1 : i32
      scf.for %while3A_560 = %while3A_362 to %while3A_368 step %while3A_369  : i32 {
        %mul3A_561 = arith.constant 16 : i32
        %mul3A_562 = arith.muli %while3A_560, %mul3A_561 : i32
        %get3A = arith.index_cast %mul3A_562 : i32 to index
        %get3A_563 = tpu.vector_load %arg7[%get3A] {strides = array<i32>} : memref<1040xf32, #tpu.memory_space<vmem>>, vector<16xf32>,
        %mul3A_564 = arith.constant 16 : i32
        %mul3A_565 = arith.muli %while3A_560, %mul3A_564 : i32
        %get3A_566 = arith.index_cast %mul3A_565 : i32 to index
        %get3A_567 = tpu.vector_load %arg8[%get3A_566] {strides = array<i32>} : memref<1040xi32, #tpu.memory_space<vmem>>, vector<16xi32>,
        %eq3A_568 = vector.broadcast %reduce_min3A_360 : i32 to vector<16xi32>
        %eq3A_569 = arith.cmpi eq, %get3A_567, %eq3A_568 : vector<16xi32>
        %jit3A_570 = arith.constant 0xFF800000 : f32
        %broadcast_in_dim3A_571 = vector.broadcast %jit3A_570 : f32 to vector<16xf32>
        %select_n3A_572 = arith.select %eq3A_569, %broadcast_in_dim3A_571, %get3A_563 : vector<16xi1>, vector<16xf32>
        %mul3A_573 = arith.constant 16 : i32
        %mul3A_574 = arith.muli %while3A_560, %mul3A_573 : i32
        %swap3A_575 = arith.index_cast %mul3A_574 : i32 to index
        %swap3A_576 = tpu.vector_load %arg7[%swap3A_575] {strides = array<i32>} : memref<1040xf32, #tpu.memory_space<vmem>>, vector<16xf32>,
        tpu.vector_store %arg7[%swap3A_575], %select_n3A_572 {strides = array<i32>} : memref<1040xf32, #tpu.memory_space<vmem>>, vector<16xf32>,
      }
      %while3A_370 = arith.constant 1 : i32
      scf.for %while3A_560 = %while3A_368 to %while3A_364 step %while3A_370  : i32 {
        %mul3A_561 = arith.constant 16 : i32
        %mul3A_562 = arith.muli %while3A_560, %mul3A_561 : i32
        %get3A = arith.index_cast %mul3A_562 : i32 to index
        %get3A_563 = tpu.vector_load %arg7[%get3A] {strides = array<i32>} : memref<1040xf32, #tpu.memory_space<vmem>>, vector<16xf32>,
        %mul3A_564 = arith.constant 16 : i32
        %mul3A_565 = arith.muli %while3A_560, %mul3A_564 : i32
        %get3A_566 = arith.index_cast %mul3A_565 : i32 to index
        %get3A_567 = tpu.vector_load %arg8[%get3A_566] {strides = array<i32>} : memref<1040xi32, #tpu.memory_space<vmem>>, vector<16xi32>,
        %eq3A_568 = vector.broadcast %reduce_min3A_360 : i32 to vector<16xi32>
        %eq3A_569 = arith.cmpi eq, %get3A_567, %eq3A_568 : vector<16xi32>
        %jit3A_570 = arith.constant 0xFF800000 : f32
        %broadcast_in_dim3A_571 = vector.broadcast %jit3A_570 : f32 to vector<16xf32>
        %select_n3A_572 = arith.select %eq3A_569, %broadcast_in_dim3A_571, %get3A_563 : vector<16xi1>, vector<16xf32>
        %mul3A_573 = arith.constant 16 : i32
        %mul3A_574 = arith.muli %while3A_560, %mul3A_573 : i32
        %swap3A_575 = arith.index_cast %mul3A_574 : i32 to index
        %swap3A_576 = tpu.vector_load %arg7[%swap3A_575] {strides = array<i32>} : memref<1040xf32, #tpu.memory_space<vmem>>, vector<16xf32>,
        tpu.vector_store %arg7[%swap3A_575], %select_n3A_572 {strides = array<i32>} : memref<1040xf32, #tpu.memory_space<vmem>>, vector<16xf32>,
      }
      %eq3A_371 = arith.constant 4 : i32
      %eq3A_372 = vector.broadcast %eq3A_371 : i32 to vector<16xi32>
      %eq3A_373 = arith.cmpi eq, %iota3A, %eq3A_372 : vector<16xi32>
      %broadcast_in_dim3A_374 = vector.broadcast %reduce_max3A_339 : f32 to vector<16xf32>
      %select_n3A_375 = arith.select %eq3A_373, %broadcast_in_dim3A_374, %select_n3A_319 : vector<16xi1>, vector<16xf32>
      %eq3A_376 = arith.constant 4 : i32
      %eq3A_377 = vector.broadcast %eq3A_376 : i32 to vector<16xi32>
      %eq3A_378 = arith.cmpi eq, %iota3A, %eq3A_377 : vector<16xi32>
      %broadcast_in_dim3A_379 = vector.broadcast %reduce_min3A_360 : i32 to vector<16xi32>
      %select_n3A_380 = arith.select %eq3A_378, %broadcast_in_dim3A_379, %select_n3A_324 : vector<16xi1>, vector<16xi32>
      %while3A_381 = arith.constant 0 : i32
      %while3A_382 = arith.subi %select_n3A_102, %while3A_381 : i32
      %while3A_383 = arith.addi %while3A_381, %while3A_382 : i32
      %while3A_384 = arith.constant 1 : i32
      %while3A_385 = arith.divsi %while3A_382, %while3A_384 : i32
      %while3A_386 = arith.muli %while3A_385, %while3A_384 : i32
      %while3A_387 = arith.addi %while3A_381, %while3A_386 : i32
      %while3A_388 = arith.constant 1 : i32
      %while3A_389 = scf.for %while3A_560 = %while3A_381 to %while3A_387 step %while3A_388 iter_args(%while3A_561 = %broadcast_in_dim3A_18) -> (vector<16xf32>)  : i32 {
        %mul3A_562 = arith.constant 16 : i32
        %mul3A_563 = arith.muli %while3A_560, %mul3A_562 : i32
        %get3A = arith.index_cast %mul3A_563 : i32 to index
        %get3A_564 = tpu.vector_load %arg7[%get3A] {strides = array<i32>} : memref<1040xf32, #tpu.memory_space<vmem>>, vector<16xf32>,
        %max3A = arith.maximumf %while3A_561, %get3A_564 : vector<16xf32>
        scf.yield %max3A : vector<16xf32>
      }
      %while3A_390 = arith.constant 1 : i32
      %while3A_391 = scf.for %while3A_560 = %while3A_387 to %while3A_383 step %while3A_390 iter_args(%while3A_561 = %while3A_389) -> (vector<16xf32>)  : i32 {
        %mul3A_562 = arith.constant 16 : i32
        %mul3A_563 = arith.muli %while3A_560, %mul3A_562 : i32
        %get3A = arith.index_cast %mul3A_563 : i32 to index
        %get3A_564 = tpu.vector_load %arg7[%get3A] {strides = array<i32>} : memref<1040xf32, #tpu.memory_space<vmem>>, vector<16xf32>,
        %max3A = arith.maximumf %while3A_561, %get3A_564 : vector<16xf32>
        scf.yield %max3A : vector<16xf32>
      }
      %reduce_max3A_392 = arith.constant true
      %reduce_max3A_393 = vector.broadcast %reduce_max3A_392 : i1 to vector<16xi1>
      %reduce_max3A_394 = tpu.scan <max>, %while3A_391 masked %reduce_max3A_393 : vector<16xf32>, vector<16xi1> -> vector<16xf32>
      %reduce_max3A_395 = vector.extract %reduce_max3A_394[15] : f32 from vector<16xf32>
      %broadcast_in_dim3A_396 = arith.constant 2147483647 : i32
      %broadcast_in_dim3A_397 = vector.broadcast %broadcast_in_dim3A_396 : i32 to vector<16xi32>
      %while3A_398 = arith.constant 0 : i32
      %while3A_399 = arith.subi %select_n3A_102, %while3A_398 : i32
      %while3A_400 = arith.addi %while3A_398, %while3A_399 : i32
      %while3A_401 = arith.constant 1 : i32
      %while3A_402 = arith.divsi %while3A_399, %while3A_401 : i32
      %while3A_403 = arith.muli %while3A_402, %while3A_401 : i32
      %while3A_404 = arith.addi %while3A_398, %while3A_403 : i32
      %while3A_405 = arith.constant 1 : i32
      %while3A_406 = scf.for %while3A_560 = %while3A_398 to %while3A_404 step %while3A_405 iter_args(%while3A_561 = %broadcast_in_dim3A_397) -> (vector<16xi32>)  : i32 {
        %mul3A_562 = arith.constant 16 : i32
        %mul3A_563 = arith.muli %while3A_560, %mul3A_562 : i32
        %get3A = arith.index_cast %mul3A_563 : i32 to index
        %get3A_564 = tpu.vector_load %arg7[%get3A] {strides = array<i32>} : memref<1040xf32, #tpu.memory_space<vmem>>, vector<16xf32>,
        %mul3A_565 = arith.constant 16 : i32
        %mul3A_566 = arith.muli %while3A_560, %mul3A_565 : i32
        %get3A_567 = arith.index_cast %mul3A_566 : i32 to index
        %get3A_568 = tpu.vector_load %arg8[%get3A_567] {strides = array<i32>} : memref<1040xi32, #tpu.memory_space<vmem>>, vector<16xi32>,
        %eq3A_569 = vector.broadcast %reduce_max3A_395 : f32 to vector<16xf32>
        %eq3A_570 = arith.cmpf oeq, %get3A_564, %eq3A_569 : vector<16xf32>
        %jit3A_571 = arith.constant 2147483647 : i32
        %broadcast_in_dim3A_572 = vector.broadcast %jit3A_571 : i32 to vector<16xi32>
        %select_n3A_573 = arith.select %eq3A_570, %get3A_568, %broadcast_in_dim3A_572 : vector<16xi1>, vector<16xi32>
        %min3A_574 = arith.minsi %while3A_561, %select_n3A_573 : vector<16xi32>
        scf.yield %min3A_574 : vector<16xi32>
      }
      %while3A_407 = arith.constant 1 : i32
      %while3A_408 = scf.for %while3A_560 = %while3A_404 to %while3A_400 step %while3A_407 iter_args(%while3A_561 = %while3A_406) -> (vector<16xi32>)  : i32 {
        %mul3A_562 = arith.constant 16 : i32
        %mul3A_563 = arith.muli %while3A_560, %mul3A_562 : i32
        %get3A = arith.index_cast %mul3A_563 : i32 to index
        %get3A_564 = tpu.vector_load %arg7[%get3A] {strides = array<i32>} : memref<1040xf32, #tpu.memory_space<vmem>>, vector<16xf32>,
        %mul3A_565 = arith.constant 16 : i32
        %mul3A_566 = arith.muli %while3A_560, %mul3A_565 : i32
        %get3A_567 = arith.index_cast %mul3A_566 : i32 to index
        %get3A_568 = tpu.vector_load %arg8[%get3A_567] {strides = array<i32>} : memref<1040xi32, #tpu.memory_space<vmem>>, vector<16xi32>,
        %eq3A_569 = vector.broadcast %reduce_max3A_395 : f32 to vector<16xf32>
        %eq3A_570 = arith.cmpf oeq, %get3A_564, %eq3A_569 : vector<16xf32>
        %jit3A_571 = arith.constant 2147483647 : i32
        %broadcast_in_dim3A_572 = vector.broadcast %jit3A_571 : i32 to vector<16xi32>
        %select_n3A_573 = arith.select %eq3A_570, %get3A_568, %broadcast_in_dim3A_572 : vector<16xi1>, vector<16xi32>
        %min3A_574 = arith.minsi %while3A_561, %select_n3A_573 : vector<16xi32>
        scf.yield %min3A_574 : vector<16xi32>
      }
      %reduce_min3A_409 = arith.constant true
      %reduce_min3A_410 = vector.broadcast %reduce_min3A_409 : i1 to vector<16xi1>
      %reduce_min3A_411 = arith.constant -2147483648 : i32
      %reduce_min3A_412 = vector.broadcast %reduce_min3A_411 : i32 to vector<16xi32>
      %reduce_min3A_413 = arith.xori %while3A_408, %reduce_min3A_412 : vector<16xi32>
      %reduce_min3A_414 = tpu.scan <min>, %reduce_min3A_413 masked %reduce_min3A_410 : vector<16xi32>, vector<16xi1> -> vector<16xi32>
      %reduce_min3A_415 = arith.xori %reduce_min3A_414, %reduce_min3A_412 : vector<16xi32>
      %reduce_min3A_416 = vector.extract %reduce_min3A_415[15] : i32 from vector<16xi32>
      %while3A_417 = arith.constant 0 : i32
      %while3A_418 = arith.constant 0 : i32
      %while3A_419 = arith.subi %select_n3A_102, %while3A_418 : i32
      %while3A_420 = arith.addi %while3A_418, %while3A_419 : i32
      %while3A_421 = arith.constant 1 : i32
      %while3A_422 = arith.divsi %while3A_419, %while3A_421 : i32
      %while3A_423 = arith.muli %while3A_422, %while3A_421 : i32
      %while3A_424 = arith.addi %while3A_418, %while3A_423 : i32
      %while3A_425 = arith.constant 1 : i32
      scf.for %while3A_560 = %while3A_418 to %while3A_424 step %while3A_425  : i32 {
        %mul3A_561 = arith.constant 16 : i32
        %mul3A_562 = arith.muli %while3A_560, %mul3A_561 : i32
        %get3A = arith.index_cast %mul3A_562 : i32 to index
        %get3A_563 = tpu.vector_load %arg7[%get3A] {strides = array<i32>} : memref<1040xf32, #tpu.memory_space<vmem>>, vector<16xf32>,
        %mul3A_564 = arith.constant 16 : i32
        %mul3A_565 = arith.muli %while3A_560, %mul3A_564 : i32
        %get3A_566 = arith.index_cast %mul3A_565 : i32 to index
        %get3A_567 = tpu.vector_load %arg8[%get3A_566] {strides = array<i32>} : memref<1040xi32, #tpu.memory_space<vmem>>, vector<16xi32>,
        %eq3A_568 = vector.broadcast %reduce_min3A_416 : i32 to vector<16xi32>
        %eq3A_569 = arith.cmpi eq, %get3A_567, %eq3A_568 : vector<16xi32>
        %jit3A_570 = arith.constant 0xFF800000 : f32
        %broadcast_in_dim3A_571 = vector.broadcast %jit3A_570 : f32 to vector<16xf32>
        %select_n3A_572 = arith.select %eq3A_569, %broadcast_in_dim3A_571, %get3A_563 : vector<16xi1>, vector<16xf32>
        %mul3A_573 = arith.constant 16 : i32
        %mul3A_574 = arith.muli %while3A_560, %mul3A_573 : i32
        %swap3A_575 = arith.index_cast %mul3A_574 : i32 to index
        %swap3A_576 = tpu.vector_load %arg7[%swap3A_575] {strides = array<i32>} : memref<1040xf32, #tpu.memory_space<vmem>>, vector<16xf32>,
        tpu.vector_store %arg7[%swap3A_575], %select_n3A_572 {strides = array<i32>} : memref<1040xf32, #tpu.memory_space<vmem>>, vector<16xf32>,
      }
      %while3A_426 = arith.constant 1 : i32
      scf.for %while3A_560 = %while3A_424 to %while3A_420 step %while3A_426  : i32 {
        %mul3A_561 = arith.constant 16 : i32
        %mul3A_562 = arith.muli %while3A_560, %mul3A_561 : i32
        %get3A = arith.index_cast %mul3A_562 : i32 to index
        %get3A_563 = tpu.vector_load %arg7[%get3A] {strides = array<i32>} : memref<1040xf32, #tpu.memory_space<vmem>>, vector<16xf32>,
        %mul3A_564 = arith.constant 16 : i32
        %mul3A_565 = arith.muli %while3A_560, %mul3A_564 : i32
        %get3A_566 = arith.index_cast %mul3A_565 : i32 to index
        %get3A_567 = tpu.vector_load %arg8[%get3A_566] {strides = array<i32>} : memref<1040xi32, #tpu.memory_space<vmem>>, vector<16xi32>,
        %eq3A_568 = vector.broadcast %reduce_min3A_416 : i32 to vector<16xi32>
        %eq3A_569 = arith.cmpi eq, %get3A_567, %eq3A_568 : vector<16xi32>
        %jit3A_570 = arith.constant 0xFF800000 : f32
        %broadcast_in_dim3A_571 = vector.broadcast %jit3A_570 : f32 to vector<16xf32>
        %select_n3A_572 = arith.select %eq3A_569, %broadcast_in_dim3A_571, %get3A_563 : vector<16xi1>, vector<16xf32>
        %mul3A_573 = arith.constant 16 : i32
        %mul3A_574 = arith.muli %while3A_560, %mul3A_573 : i32
        %swap3A_575 = arith.index_cast %mul3A_574 : i32 to index
        %swap3A_576 = tpu.vector_load %arg7[%swap3A_575] {strides = array<i32>} : memref<1040xf32, #tpu.memory_space<vmem>>, vector<16xf32>,
        tpu.vector_store %arg7[%swap3A_575], %select_n3A_572 {strides = array<i32>} : memref<1040xf32, #tpu.memory_space<vmem>>, vector<16xf32>,
      }
      %eq3A_427 = arith.constant 5 : i32
      %eq3A_428 = vector.broadcast %eq3A_427 : i32 to vector<16xi32>
      %eq3A_429 = arith.cmpi eq, %iota3A, %eq3A_428 : vector<16xi32>
      %broadcast_in_dim3A_430 = vector.broadcast %reduce_max3A_395 : f32 to vector<16xf32>
      %select_n3A_431 = arith.select %eq3A_429, %broadcast_in_dim3A_430, %select_n3A_375 : vector<16xi1>, vector<16xf32>
      %eq3A_432 = arith.constant 5 : i32
      %eq3A_433 = vector.broadcast %eq3A_432 : i32 to vector<16xi32>
      %eq3A_434 = arith.cmpi eq, %iota3A, %eq3A_433 : vector<16xi32>
      %broadcast_in_dim3A_435 = vector.broadcast %reduce_min3A_416 : i32 to vector<16xi32>
      %select_n3A_436 = arith.select %eq3A_434, %broadcast_in_dim3A_435, %select_n3A_380 : vector<16xi1>, vector<16xi32>
      %while3A_437 = arith.constant 0 : i32
      %while3A_438 = arith.subi %select_n3A_102, %while3A_437 : i32
      %while3A_439 = arith.addi %while3A_437, %while3A_438 : i32
      %while3A_440 = arith.constant 1 : i32
      %while3A_441 = arith.divsi %while3A_438, %while3A_440 : i32
      %while3A_442 = arith.muli %while3A_441, %while3A_440 : i32
      %while3A_443 = arith.addi %while3A_437, %while3A_442 : i32
      %while3A_444 = arith.constant 1 : i32
      %while3A_445 = scf.for %while3A_560 = %while3A_437 to %while3A_443 step %while3A_444 iter_args(%while3A_561 = %broadcast_in_dim3A_18) -> (vector<16xf32>)  : i32 {
        %mul3A_562 = arith.constant 16 : i32
        %mul3A_563 = arith.muli %while3A_560, %mul3A_562 : i32
        %get3A = arith.index_cast %mul3A_563 : i32 to index
        %get3A_564 = tpu.vector_load %arg7[%get3A] {strides = array<i32>} : memref<1040xf32, #tpu.memory_space<vmem>>, vector<16xf32>,
        %max3A = arith.maximumf %while3A_561, %get3A_564 : vector<16xf32>
        scf.yield %max3A : vector<16xf32>
      }
      %while3A_446 = arith.constant 1 : i32
      %while3A_447 = scf.for %while3A_560 = %while3A_443 to %while3A_439 step %while3A_446 iter_args(%while3A_561 = %while3A_445) -> (vector<16xf32>)  : i32 {
        %mul3A_562 = arith.constant 16 : i32
        %mul3A_563 = arith.muli %while3A_560, %mul3A_562 : i32
        %get3A = arith.index_cast %mul3A_563 : i32 to index
        %get3A_564 = tpu.vector_load %arg7[%get3A] {strides = array<i32>} : memref<1040xf32, #tpu.memory_space<vmem>>, vector<16xf32>,
        %max3A = arith.maximumf %while3A_561, %get3A_564 : vector<16xf32>
        scf.yield %max3A : vector<16xf32>
      }
      %reduce_max3A_448 = arith.constant true
      %reduce_max3A_449 = vector.broadcast %reduce_max3A_448 : i1 to vector<16xi1>
      %reduce_max3A_450 = tpu.scan <max>, %while3A_447 masked %reduce_max3A_449 : vector<16xf32>, vector<16xi1> -> vector<16xf32>
      %reduce_max3A_451 = vector.extract %reduce_max3A_450[15] : f32 from vector<16xf32>
      %broadcast_in_dim3A_452 = arith.constant 2147483647 : i32
      %broadcast_in_dim3A_453 = vector.broadcast %broadcast_in_dim3A_452 : i32 to vector<16xi32>
      %while3A_454 = arith.constant 0 : i32
      %while3A_455 = arith.subi %select_n3A_102, %while3A_454 : i32
      %while3A_456 = arith.addi %while3A_454, %while3A_455 : i32
      %while3A_457 = arith.constant 1 : i32
      %while3A_458 = arith.divsi %while3A_455, %while3A_457 : i32
      %while3A_459 = arith.muli %while3A_458, %while3A_457 : i32
      %while3A_460 = arith.addi %while3A_454, %while3A_459 : i32
      %while3A_461 = arith.constant 1 : i32
      %while3A_462 = scf.for %while3A_560 = %while3A_454 to %while3A_460 step %while3A_461 iter_args(%while3A_561 = %broadcast_in_dim3A_453) -> (vector<16xi32>)  : i32 {
        %mul3A_562 = arith.constant 16 : i32
        %mul3A_563 = arith.muli %while3A_560, %mul3A_562 : i32
        %get3A = arith.index_cast %mul3A_563 : i32 to index
        %get3A_564 = tpu.vector_load %arg7[%get3A] {strides = array<i32>} : memref<1040xf32, #tpu.memory_space<vmem>>, vector<16xf32>,
        %mul3A_565 = arith.constant 16 : i32
        %mul3A_566 = arith.muli %while3A_560, %mul3A_565 : i32
        %get3A_567 = arith.index_cast %mul3A_566 : i32 to index
        %get3A_568 = tpu.vector_load %arg8[%get3A_567] {strides = array<i32>} : memref<1040xi32, #tpu.memory_space<vmem>>, vector<16xi32>,
        %eq3A_569 = vector.broadcast %reduce_max3A_451 : f32 to vector<16xf32>
        %eq3A_570 = arith.cmpf oeq, %get3A_564, %eq3A_569 : vector<16xf32>
        %jit3A_571 = arith.constant 2147483647 : i32
        %broadcast_in_dim3A_572 = vector.broadcast %jit3A_571 : i32 to vector<16xi32>
        %select_n3A_573 = arith.select %eq3A_570, %get3A_568, %broadcast_in_dim3A_572 : vector<16xi1>, vector<16xi32>
        %min3A_574 = arith.minsi %while3A_561, %select_n3A_573 : vector<16xi32>
        scf.yield %min3A_574 : vector<16xi32>
      }
      %while3A_463 = arith.constant 1 : i32
      %while3A_464 = scf.for %while3A_560 = %while3A_460 to %while3A_456 step %while3A_463 iter_args(%while3A_561 = %while3A_462) -> (vector<16xi32>)  : i32 {
        %mul3A_562 = arith.constant 16 : i32
        %mul3A_563 = arith.muli %while3A_560, %mul3A_562 : i32
        %get3A = arith.index_cast %mul3A_563 : i32 to index
        %get3A_564 = tpu.vector_load %arg7[%get3A] {strides = array<i32>} : memref<1040xf32, #tpu.memory_space<vmem>>, vector<16xf32>,
        %mul3A_565 = arith.constant 16 : i32
        %mul3A_566 = arith.muli %while3A_560, %mul3A_565 : i32
        %get3A_567 = arith.index_cast %mul3A_566 : i32 to index
        %get3A_568 = tpu.vector_load %arg8[%get3A_567] {strides = array<i32>} : memref<1040xi32, #tpu.memory_space<vmem>>, vector<16xi32>,
        %eq3A_569 = vector.broadcast %reduce_max3A_451 : f32 to vector<16xf32>
        %eq3A_570 = arith.cmpf oeq, %get3A_564, %eq3A_569 : vector<16xf32>
        %jit3A_571 = arith.constant 2147483647 : i32
        %broadcast_in_dim3A_572 = vector.broadcast %jit3A_571 : i32 to vector<16xi32>
        %select_n3A_573 = arith.select %eq3A_570, %get3A_568, %broadcast_in_dim3A_572 : vector<16xi1>, vector<16xi32>
        %min3A_574 = arith.minsi %while3A_561, %select_n3A_573 : vector<16xi32>
        scf.yield %min3A_574 : vector<16xi32>
      }
      %reduce_min3A_465 = arith.constant true
      %reduce_min3A_466 = vector.broadcast %reduce_min3A_465 : i1 to vector<16xi1>
      %reduce_min3A_467 = arith.constant -2147483648 : i32
      %reduce_min3A_468 = vector.broadcast %reduce_min3A_467 : i32 to vector<16xi32>
      %reduce_min3A_469 = arith.xori %while3A_464, %reduce_min3A_468 : vector<16xi32>
      %reduce_min3A_470 = tpu.scan <min>, %reduce_min3A_469 masked %reduce_min3A_466 : vector<16xi32>, vector<16xi1> -> vector<16xi32>
      %reduce_min3A_471 = arith.xori %reduce_min3A_470, %reduce_min3A_468 : vector<16xi32>
      %reduce_min3A_472 = vector.extract %reduce_min3A_471[15] : i32 from vector<16xi32>
      %while3A_473 = arith.constant 0 : i32
      %while3A_474 = arith.constant 0 : i32
      %while3A_475 = arith.subi %select_n3A_102, %while3A_474 : i32
      %while3A_476 = arith.addi %while3A_474, %while3A_475 : i32
      %while3A_477 = arith.constant 1 : i32
      %while3A_478 = arith.divsi %while3A_475, %while3A_477 : i32
      %while3A_479 = arith.muli %while3A_478, %while3A_477 : i32
      %while3A_480 = arith.addi %while3A_474, %while3A_479 : i32
      %while3A_481 = arith.constant 1 : i32
      scf.for %while3A_560 = %while3A_474 to %while3A_480 step %while3A_481  : i32 {
        %mul3A_561 = arith.constant 16 : i32
        %mul3A_562 = arith.muli %while3A_560, %mul3A_561 : i32
        %get3A = arith.index_cast %mul3A_562 : i32 to index
        %get3A_563 = tpu.vector_load %arg7[%get3A] {strides = array<i32>} : memref<1040xf32, #tpu.memory_space<vmem>>, vector<16xf32>,
        %mul3A_564 = arith.constant 16 : i32
        %mul3A_565 = arith.muli %while3A_560, %mul3A_564 : i32
        %get3A_566 = arith.index_cast %mul3A_565 : i32 to index
        %get3A_567 = tpu.vector_load %arg8[%get3A_566] {strides = array<i32>} : memref<1040xi32, #tpu.memory_space<vmem>>, vector<16xi32>,
        %eq3A_568 = vector.broadcast %reduce_min3A_472 : i32 to vector<16xi32>
        %eq3A_569 = arith.cmpi eq, %get3A_567, %eq3A_568 : vector<16xi32>
        %jit3A_570 = arith.constant 0xFF800000 : f32
        %broadcast_in_dim3A_571 = vector.broadcast %jit3A_570 : f32 to vector<16xf32>
        %select_n3A_572 = arith.select %eq3A_569, %broadcast_in_dim3A_571, %get3A_563 : vector<16xi1>, vector<16xf32>
        %mul3A_573 = arith.constant 16 : i32
        %mul3A_574 = arith.muli %while3A_560, %mul3A_573 : i32
        %swap3A_575 = arith.index_cast %mul3A_574 : i32 to index
        %swap3A_576 = tpu.vector_load %arg7[%swap3A_575] {strides = array<i32>} : memref<1040xf32, #tpu.memory_space<vmem>>, vector<16xf32>,
        tpu.vector_store %arg7[%swap3A_575], %select_n3A_572 {strides = array<i32>} : memref<1040xf32, #tpu.memory_space<vmem>>, vector<16xf32>,
      }
      %while3A_482 = arith.constant 1 : i32
      scf.for %while3A_560 = %while3A_480 to %while3A_476 step %while3A_482  : i32 {
        %mul3A_561 = arith.constant 16 : i32
        %mul3A_562 = arith.muli %while3A_560, %mul3A_561 : i32
        %get3A = arith.index_cast %mul3A_562 : i32 to index
        %get3A_563 = tpu.vector_load %arg7[%get3A] {strides = array<i32>} : memref<1040xf32, #tpu.memory_space<vmem>>, vector<16xf32>,
        %mul3A_564 = arith.constant 16 : i32
        %mul3A_565 = arith.muli %while3A_560, %mul3A_564 : i32
        %get3A_566 = arith.index_cast %mul3A_565 : i32 to index
        %get3A_567 = tpu.vector_load %arg8[%get3A_566] {strides = array<i32>} : memref<1040xi32, #tpu.memory_space<vmem>>, vector<16xi32>,
        %eq3A_568 = vector.broadcast %reduce_min3A_472 : i32 to vector<16xi32>
        %eq3A_569 = arith.cmpi eq, %get3A_567, %eq3A_568 : vector<16xi32>
        %jit3A_570 = arith.constant 0xFF800000 : f32
        %broadcast_in_dim3A_571 = vector.broadcast %jit3A_570 : f32 to vector<16xf32>
        %select_n3A_572 = arith.select %eq3A_569, %broadcast_in_dim3A_571, %get3A_563 : vector<16xi1>, vector<16xf32>
        %mul3A_573 = arith.constant 16 : i32
        %mul3A_574 = arith.muli %while3A_560, %mul3A_573 : i32
        %swap3A_575 = arith.index_cast %mul3A_574 : i32 to index
        %swap3A_576 = tpu.vector_load %arg7[%swap3A_575] {strides = array<i32>} : memref<1040xf32, #tpu.memory_space<vmem>>, vector<16xf32>,
        tpu.vector_store %arg7[%swap3A_575], %select_n3A_572 {strides = array<i32>} : memref<1040xf32, #tpu.memory_space<vmem>>, vector<16xf32>,
      }
      %eq3A_483 = arith.constant 6 : i32
      %eq3A_484 = vector.broadcast %eq3A_483 : i32 to vector<16xi32>
      %eq3A_485 = arith.cmpi eq, %iota3A, %eq3A_484 : vector<16xi32>
      %broadcast_in_dim3A_486 = vector.broadcast %reduce_max3A_451 : f32 to vector<16xf32>
      %select_n3A_487 = arith.select %eq3A_485, %broadcast_in_dim3A_486, %select_n3A_431 : vector<16xi1>, vector<16xf32>
      %eq3A_488 = arith.constant 6 : i32
      %eq3A_489 = vector.broadcast %eq3A_488 : i32 to vector<16xi32>
      %eq3A_490 = arith.cmpi eq, %iota3A, %eq3A_489 : vector<16xi32>
      %broadcast_in_dim3A_491 = vector.broadcast %reduce_min3A_472 : i32 to vector<16xi32>
      %select_n3A_492 = arith.select %eq3A_490, %broadcast_in_dim3A_491, %select_n3A_436 : vector<16xi1>, vector<16xi32>
      %while3A_493 = arith.constant 0 : i32
      %while3A_494 = arith.subi %select_n3A_102, %while3A_493 : i32
      %while3A_495 = arith.addi %while3A_493, %while3A_494 : i32
      %while3A_496 = arith.constant 1 : i32
      %while3A_497 = arith.divsi %while3A_494, %while3A_496 : i32
      %while3A_498 = arith.muli %while3A_497, %while3A_496 : i32
      %while3A_499 = arith.addi %while3A_493, %while3A_498 : i32
      %while3A_500 = arith.constant 1 : i32
      %while3A_501 = scf.for %while3A_560 = %while3A_493 to %while3A_499 step %while3A_500 iter_args(%while3A_561 = %broadcast_in_dim3A_18) -> (vector<16xf32>)  : i32 {
        %mul3A_562 = arith.constant 16 : i32
        %mul3A_563 = arith.muli %while3A_560, %mul3A_562 : i32
        %get3A = arith.index_cast %mul3A_563 : i32 to index
        %get3A_564 = tpu.vector_load %arg7[%get3A] {strides = array<i32>} : memref<1040xf32, #tpu.memory_space<vmem>>, vector<16xf32>,
        %max3A = arith.maximumf %while3A_561, %get3A_564 : vector<16xf32>
        scf.yield %max3A : vector<16xf32>
      }
      %while3A_502 = arith.constant 1 : i32
      %while3A_503 = scf.for %while3A_560 = %while3A_499 to %while3A_495 step %while3A_502 iter_args(%while3A_561 = %while3A_501) -> (vector<16xf32>)  : i32 {
        %mul3A_562 = arith.constant 16 : i32
        %mul3A_563 = arith.muli %while3A_560, %mul3A_562 : i32
        %get3A = arith.index_cast %mul3A_563 : i32 to index
        %get3A_564 = tpu.vector_load %arg7[%get3A] {strides = array<i32>} : memref<1040xf32, #tpu.memory_space<vmem>>, vector<16xf32>,
        %max3A = arith.maximumf %while3A_561, %get3A_564 : vector<16xf32>
        scf.yield %max3A : vector<16xf32>
      }
      %reduce_max3A_504 = arith.constant true
      %reduce_max3A_505 = vector.broadcast %reduce_max3A_504 : i1 to vector<16xi1>
      %reduce_max3A_506 = tpu.scan <max>, %while3A_503 masked %reduce_max3A_505 : vector<16xf32>, vector<16xi1> -> vector<16xf32>
      %reduce_max3A_507 = vector.extract %reduce_max3A_506[15] : f32 from vector<16xf32>
      %broadcast_in_dim3A_508 = arith.constant 2147483647 : i32
      %broadcast_in_dim3A_509 = vector.broadcast %broadcast_in_dim3A_508 : i32 to vector<16xi32>
      %while3A_510 = arith.constant 0 : i32
      %while3A_511 = arith.subi %select_n3A_102, %while3A_510 : i32
      %while3A_512 = arith.addi %while3A_510, %while3A_511 : i32
      %while3A_513 = arith.constant 1 : i32
      %while3A_514 = arith.divsi %while3A_511, %while3A_513 : i32
      %while3A_515 = arith.muli %while3A_514, %while3A_513 : i32
      %while3A_516 = arith.addi %while3A_510, %while3A_515 : i32
      %while3A_517 = arith.constant 1 : i32
      %while3A_518 = scf.for %while3A_560 = %while3A_510 to %while3A_516 step %while3A_517 iter_args(%while3A_561 = %broadcast_in_dim3A_509) -> (vector<16xi32>)  : i32 {
        %mul3A_562 = arith.constant 16 : i32
        %mul3A_563 = arith.muli %while3A_560, %mul3A_562 : i32
        %get3A = arith.index_cast %mul3A_563 : i32 to index
        %get3A_564 = tpu.vector_load %arg7[%get3A] {strides = array<i32>} : memref<1040xf32, #tpu.memory_space<vmem>>, vector<16xf32>,
        %mul3A_565 = arith.constant 16 : i32
        %mul3A_566 = arith.muli %while3A_560, %mul3A_565 : i32
        %get3A_567 = arith.index_cast %mul3A_566 : i32 to index
        %get3A_568 = tpu.vector_load %arg8[%get3A_567] {strides = array<i32>} : memref<1040xi32, #tpu.memory_space<vmem>>, vector<16xi32>,
        %eq3A_569 = vector.broadcast %reduce_max3A_507 : f32 to vector<16xf32>
        %eq3A_570 = arith.cmpf oeq, %get3A_564, %eq3A_569 : vector<16xf32>
        %jit3A_571 = arith.constant 2147483647 : i32
        %broadcast_in_dim3A_572 = vector.broadcast %jit3A_571 : i32 to vector<16xi32>
        %select_n3A_573 = arith.select %eq3A_570, %get3A_568, %broadcast_in_dim3A_572 : vector<16xi1>, vector<16xi32>
        %min3A_574 = arith.minsi %while3A_561, %select_n3A_573 : vector<16xi32>
        scf.yield %min3A_574 : vector<16xi32>
      }
      %while3A_519 = arith.constant 1 : i32
      %while3A_520 = scf.for %while3A_560 = %while3A_516 to %while3A_512 step %while3A_519 iter_args(%while3A_561 = %while3A_518) -> (vector<16xi32>)  : i32 {
        %mul3A_562 = arith.constant 16 : i32
        %mul3A_563 = arith.muli %while3A_560, %mul3A_562 : i32
        %get3A = arith.index_cast %mul3A_563 : i32 to index
        %get3A_564 = tpu.vector_load %arg7[%get3A] {strides = array<i32>} : memref<1040xf32, #tpu.memory_space<vmem>>, vector<16xf32>,
        %mul3A_565 = arith.constant 16 : i32
        %mul3A_566 = arith.muli %while3A_560, %mul3A_565 : i32
        %get3A_567 = arith.index_cast %mul3A_566 : i32 to index
        %get3A_568 = tpu.vector_load %arg8[%get3A_567] {strides = array<i32>} : memref<1040xi32, #tpu.memory_space<vmem>>, vector<16xi32>,
        %eq3A_569 = vector.broadcast %reduce_max3A_507 : f32 to vector<16xf32>
        %eq3A_570 = arith.cmpf oeq, %get3A_564, %eq3A_569 : vector<16xf32>
        %jit3A_571 = arith.constant 2147483647 : i32
        %broadcast_in_dim3A_572 = vector.broadcast %jit3A_571 : i32 to vector<16xi32>
        %select_n3A_573 = arith.select %eq3A_570, %get3A_568, %broadcast_in_dim3A_572 : vector<16xi1>, vector<16xi32>
        %min3A_574 = arith.minsi %while3A_561, %select_n3A_573 : vector<16xi32>
        scf.yield %min3A_574 : vector<16xi32>
      }
      %reduce_min3A_521 = arith.constant true
      %reduce_min3A_522 = vector.broadcast %reduce_min3A_521 : i1 to vector<16xi1>
      %reduce_min3A_523 = arith.constant -2147483648 : i32
      %reduce_min3A_524 = vector.broadcast %reduce_min3A_523 : i32 to vector<16xi32>
      %reduce_min3A_525 = arith.xori %while3A_520, %reduce_min3A_524 : vector<16xi32>
      %reduce_min3A_526 = tpu.scan <min>, %reduce_min3A_525 masked %reduce_min3A_522 : vector<16xi32>, vector<16xi1> -> vector<16xi32>
      %reduce_min3A_527 = arith.xori %reduce_min3A_526, %reduce_min3A_524 : vector<16xi32>
      %reduce_min3A_528 = vector.extract %reduce_min3A_527[15] : i32 from vector<16xi32>
      %while3A_529 = arith.constant 0 : i32
      %while3A_530 = arith.constant 0 : i32
      %while3A_531 = arith.subi %select_n3A_102, %while3A_530 : i32
      %while3A_532 = arith.addi %while3A_530, %while3A_531 : i32
      %while3A_533 = arith.constant 1 : i32
      %while3A_534 = arith.divsi %while3A_531, %while3A_533 : i32
      %while3A_535 = arith.muli %while3A_534, %while3A_533 : i32
      %while3A_536 = arith.addi %while3A_530, %while3A_535 : i32
      %while3A_537 = arith.constant 1 : i32
      scf.for %while3A_560 = %while3A_530 to %while3A_536 step %while3A_537  : i32 {
        %mul3A_561 = arith.constant 16 : i32
        %mul3A_562 = arith.muli %while3A_560, %mul3A_561 : i32
        %get3A = arith.index_cast %mul3A_562 : i32 to index
        %get3A_563 = tpu.vector_load %arg7[%get3A] {strides = array<i32>} : memref<1040xf32, #tpu.memory_space<vmem>>, vector<16xf32>,
        %mul3A_564 = arith.constant 16 : i32
        %mul3A_565 = arith.muli %while3A_560, %mul3A_564 : i32
        %get3A_566 = arith.index_cast %mul3A_565 : i32 to index
        %get3A_567 = tpu.vector_load %arg8[%get3A_566] {strides = array<i32>} : memref<1040xi32, #tpu.memory_space<vmem>>, vector<16xi32>,
        %eq3A_568 = vector.broadcast %reduce_min3A_528 : i32 to vector<16xi32>
        %eq3A_569 = arith.cmpi eq, %get3A_567, %eq3A_568 : vector<16xi32>
        %jit3A_570 = arith.constant 0xFF800000 : f32
        %broadcast_in_dim3A_571 = vector.broadcast %jit3A_570 : f32 to vector<16xf32>
        %select_n3A_572 = arith.select %eq3A_569, %broadcast_in_dim3A_571, %get3A_563 : vector<16xi1>, vector<16xf32>
        %mul3A_573 = arith.constant 16 : i32
        %mul3A_574 = arith.muli %while3A_560, %mul3A_573 : i32
        %swap3A_575 = arith.index_cast %mul3A_574 : i32 to index
        %swap3A_576 = tpu.vector_load %arg7[%swap3A_575] {strides = array<i32>} : memref<1040xf32, #tpu.memory_space<vmem>>, vector<16xf32>,
        tpu.vector_store %arg7[%swap3A_575], %select_n3A_572 {strides = array<i32>} : memref<1040xf32, #tpu.memory_space<vmem>>, vector<16xf32>,
      }
      %while3A_538 = arith.constant 1 : i32
      scf.for %while3A_560 = %while3A_536 to %while3A_532 step %while3A_538  : i32 {
        %mul3A_561 = arith.constant 16 : i32
        %mul3A_562 = arith.muli %while3A_560, %mul3A_561 : i32
        %get3A = arith.index_cast %mul3A_562 : i32 to index
        %get3A_563 = tpu.vector_load %arg7[%get3A] {strides = array<i32>} : memref<1040xf32, #tpu.memory_space<vmem>>, vector<16xf32>,
        %mul3A_564 = arith.constant 16 : i32
        %mul3A_565 = arith.muli %while3A_560, %mul3A_564 : i32
        %get3A_566 = arith.index_cast %mul3A_565 : i32 to index
        %get3A_567 = tpu.vector_load %arg8[%get3A_566] {strides = array<i32>} : memref<1040xi32, #tpu.memory_space<vmem>>, vector<16xi32>,
        %eq3A_568 = vector.broadcast %reduce_min3A_528 : i32 to vector<16xi32>
        %eq3A_569 = arith.cmpi eq, %get3A_567, %eq3A_568 : vector<16xi32>
        %jit3A_570 = arith.constant 0xFF800000 : f32
        %broadcast_in_dim3A_571 = vector.broadcast %jit3A_570 : f32 to vector<16xf32>
        %select_n3A_572 = arith.select %eq3A_569, %broadcast_in_dim3A_571, %get3A_563 : vector<16xi1>, vector<16xf32>
        %mul3A_573 = arith.constant 16 : i32
        %mul3A_574 = arith.muli %while3A_560, %mul3A_573 : i32
        %swap3A_575 = arith.index_cast %mul3A_574 : i32 to index
        %swap3A_576 = tpu.vector_load %arg7[%swap3A_575] {strides = array<i32>} : memref<1040xf32, #tpu.memory_space<vmem>>, vector<16xf32>,
        tpu.vector_store %arg7[%swap3A_575], %select_n3A_572 {strides = array<i32>} : memref<1040xf32, #tpu.memory_space<vmem>>, vector<16xf32>,
      }
      %eq3A_539 = arith.constant 7 : i32
      %eq3A_540 = vector.broadcast %eq3A_539 : i32 to vector<16xi32>
      %eq3A_541 = arith.cmpi eq, %iota3A, %eq3A_540 : vector<16xi32>
      %broadcast_in_dim3A_542 = vector.broadcast %reduce_max3A_507 : f32 to vector<16xf32>
      %select_n3A_543 = arith.select %eq3A_541, %broadcast_in_dim3A_542, %select_n3A_487 : vector<16xi1>, vector<16xf32>
      %eq3A_544 = arith.constant 7 : i32
      %eq3A_545 = vector.broadcast %eq3A_544 : i32 to vector<16xi32>
      %eq3A_546 = arith.cmpi eq, %iota3A, %eq3A_545 : vector<16xi32>
      %broadcast_in_dim3A_547 = vector.broadcast %reduce_min3A_528 : i32 to vector<16xi32>
      %select_n3A_548 = arith.select %eq3A_546, %broadcast_in_dim3A_547, %select_n3A_492 : vector<16xi1>, vector<16xi32>
      %lt3A_549 = arith.constant 8 : i32
      %lt3A_550 = vector.broadcast %lt3A_549 : i32 to vector<16xi32>
      %lt3A_551 = arith.cmpi slt, %iota3A, %lt3A_550 : vector<16xi32>
      %mul3A_552 = arith.constant 8 : i32
      %mul3A_553 = arith.muli %scan3A_40, %mul3A_552 : i32
      %swap3A = arith.index_cast %mul3A_553 : i32 to index
      %swap3A_554 = tpu.vector_load %arg9[%swap3A] masked %lt3A_551 {strides = array<i32>} : memref<48xf32, #tpu.memory_space<vmem>>, vector<16xf32>, vector<16xi1>
      tpu.vector_store %arg9[%swap3A], %select_n3A_543 masked %lt3A_551 {strides = array<i32>} : memref<48xf32, #tpu.memory_space<vmem>>, vector<16xf32>, vector<16xi1>
      %mul3A_555 = arith.constant 8 : i32
      %mul3A_556 = arith.muli %scan3A_40, %mul3A_555 : i32
      %swap3A_557 = arith.index_cast %mul3A_556 : i32 to index
      %swap3A_558 = tpu.vector_load %arg10[%swap3A_557] masked %lt3A_551 {strides = array<i32>} : memref<48xi32, #tpu.memory_space<vmem>>, vector<16xi32>, vector<16xi1>
      tpu.vector_store %arg10[%swap3A_557], %select_n3A_548 masked %lt3A_551 {strides = array<i32>} : memref<48xi32, #tpu.memory_space<vmem>>, vector<16xi32>, vector<16xi1>
      %scan3A_559 = arith.constant 0 : i32
      scf.yield %scan3A_559 : i32
    }
    %scan3A_35 = arith.constant 4 : i32
    %mul3A_36 = arith.constant 32 : i32
    %mul3A_37 = arith.muli %add3A, %mul3A_36 : i32
    "tpu.region"() ({
      %run_scoped3A = tpu.sem_alloc : memref<!tpu.dma_semaphore, #tpu.memory_space<semaphore_mem>>
      %dma_start3A = arith.constant 0 : i32
      %dma_start3A_40 = tpu.memref_slice %arg9[%dma_start3A] : memref<48xf32, #tpu.memory_space<vmem>> -> memref<32xf32, #tpu.memory_space<vmem>>
      %dma_start3A_41 = tpu.memref_slice %arg3[%mul3A_37] : memref<1024xf32, #tpu.memory_space<hbm>> -> memref<32xf32, #tpu.memory_space<hbm>>
      %dma_start3A_42 = tpu.memref_slice %arg3[%mul3A_37] : memref<1024xf32, #tpu.memory_space<hbm>> -> memref<32xf32, #tpu.memory_space<hbm>>
      %dma_start3A_43 = arith.constant 0 : i32
      %dma_start3A_44 = tpu.memref_slice %arg9[%dma_start3A_43] : memref<48xf32, #tpu.memory_space<vmem>> -> memref<32xf32, #tpu.memory_space<vmem>>
      tpu.enqueue_dma source(%dma_start3A_44 : memref<32xf32, #tpu.memory_space<vmem>>) target(%dma_start3A_42 : memref<32xf32, #tpu.memory_space<hbm>>) target_semaphore(%run_scoped3A : memref<!tpu.dma_semaphore, #tpu.memory_space<semaphore_mem>>)
      %dma_wait3A = arith.constant 0 : i32
      %dma_wait3A_45 = tpu.memref_slice %arg9[%dma_wait3A] : memref<48xf32, #tpu.memory_space<vmem>> -> memref<32xf32, #tpu.memory_space<vmem>>
      %dma_wait3A_46 = tpu.memref_slice %arg3[%mul3A_37] : memref<1024xf32, #tpu.memory_space<hbm>> -> memref<32xf32, #tpu.memory_space<hbm>>
      %dma_wait3A_47 = tpu.memref_slice %arg3[%mul3A_37] : memref<1024xf32, #tpu.memory_space<hbm>> -> memref<32xf32, #tpu.memory_space<hbm>>
      %dma_wait3A_48 = arith.constant 0 : i32
      %dma_wait3A_49 = tpu.memref_slice %arg9[%dma_wait3A_48] : memref<48xf32, #tpu.memory_space<vmem>> -> memref<32xf32, #tpu.memory_space<vmem>>
      tpu.wait_dma2 semaphore(%run_scoped3A : memref<!tpu.dma_semaphore, #tpu.memory_space<semaphore_mem>>) src(%dma_wait3A_49 : memref<32xf32, #tpu.memory_space<vmem>>) dst(%dma_wait3A_47 : memref<32xf32, #tpu.memory_space<hbm>>)
      tpu.yield
    }) : () -> ()
    %mul3A_38 = arith.constant 32 : i32
    %mul3A_39 = arith.muli %add3A, %mul3A_38 : i32
    "tpu.region"() ({
      %run_scoped3A = tpu.sem_alloc : memref<!tpu.dma_semaphore, #tpu.memory_space<semaphore_mem>>
      %dma_start3A = arith.constant 0 : i32
      %dma_start3A_40 = tpu.memref_slice %arg10[%dma_start3A] : memref<48xi32, #tpu.memory_space<vmem>> -> memref<32xi32, #tpu.memory_space<vmem>>
      %dma_start3A_41 = tpu.memref_slice %arg4[%mul3A_39] : memref<1024xi32, #tpu.memory_space<hbm>> -> memref<32xi32, #tpu.memory_space<hbm>>
      %dma_start3A_42 = tpu.memref_slice %arg4[%mul3A_39] : memref<1024xi32, #tpu.memory_space<hbm>> -> memref<32xi32, #tpu.memory_space<hbm>>
      %dma_start3A_43 = arith.constant 0 : i32
      %dma_start3A_44 = tpu.memref_slice %arg10[%dma_start3A_43] : memref<48xi32, #tpu.memory_space<vmem>> -> memref<32xi32, #tpu.memory_space<vmem>>
      tpu.enqueue_dma source(%dma_start3A_44 : memref<32xi32, #tpu.memory_space<vmem>>) target(%dma_start3A_42 : memref<32xi32, #tpu.memory_space<hbm>>) target_semaphore(%run_scoped3A : memref<!tpu.dma_semaphore, #tpu.memory_space<semaphore_mem>>)
      %dma_wait3A = arith.constant 0 : i32
      %dma_wait3A_45 = tpu.memref_slice %arg10[%dma_wait3A] : memref<48xi32, #tpu.memory_space<vmem>> -> memref<32xi32, #tpu.memory_space<vmem>>
      %dma_wait3A_46 = tpu.memref_slice %arg4[%mul3A_39] : memref<1024xi32, #tpu.memory_space<hbm>> -> memref<32xi32, #tpu.memory_space<hbm>>
      %dma_wait3A_47 = tpu.memref_slice %arg4[%mul3A_39] : memref<1024xi32, #tpu.memory_space<hbm>> -> memref<32xi32, #tpu.memory_space<hbm>>
      %dma_wait3A_48 = arith.constant 0 : i32
      %dma_wait3A_49 = tpu.memref_slice %arg10[%dma_wait3A_48] : memref<48xi32, #tpu.memory_space<vmem>> -> memref<32xi32, #tpu.memory_space<vmem>>
      tpu.wait_dma2 semaphore(%run_scoped3A : memref<!tpu.dma_semaphore, #tpu.memory_space<semaphore_mem>>) src(%dma_wait3A_49 : memref<32xi32, #tpu.memory_space<vmem>>) dst(%dma_wait3A_47 : memref<32xi32, #tpu.memory_space<hbm>>)
      tpu.yield
    }) : () -> ()
    return
  }
}

module attributes {stable_mosaic.version = 14 : i64} {
  func.func @_lse_body(%arg0: i32, %arg1: memref<1x8x100000xf32, #tpu.memory_space<vmem>>, %arg2: memref<1x8x1xf32, #tpu.memory_space<vmem>>) attributes {dimension_semantics = [#tpu.dimension_semantics<arbitrary>], iteration_bounds = array<i64: 16>, scalar_prefetch = 0 : i64, scratch_operands = 0 : i64, tpu.core_type = #tpu.core_type<tc>, window_params = [{transform_indices = @transform_0, window_bounds = array<i64: 1, 8, 100000>}, {transform_indices = @transform_1, window_bounds = array<i64: 1, 8, 1>}]} {
    %get3A = arith.constant 0 : index
    %get3A_0 = arith.constant 0 : index
    %get3A_1 = arith.constant 0 : index
    %get3A_2 = vector.load %arg1[%get3A, %get3A_0, %get3A_1] : memref<1x8x100000xf32, #tpu.memory_space<vmem>>, vector<1x8x100000xf32>
    %get3A_3 = vector.shape_cast %get3A_2 : vector<1x8x100000xf32> to vector<8x100000xf32>
    %reduce_max3A = arith.constant dense<0xFF800000> : vector<8xf32>
    %reduce_max3A_4 = vector.multi_reduction <maximumf>, %get3A_3, %reduce_max3A [1] : vector<8x100000xf32> to vector<8xf32>
    %broadcast_in_dim3A = vector.shape_cast %reduce_max3A_4 : vector<8xf32> to vector<8x1xf32>
    %sub3A = vector.broadcast %broadcast_in_dim3A : vector<8x1xf32> to vector<8x100000xf32>
    %sub3A_5 = arith.subf %get3A_3, %sub3A : vector<8x100000xf32>
    %exp3A = math.exp %sub3A_5 : vector<8x100000xf32>
    %reduce_sum3A = arith.constant dense<0.000000e+00> : vector<8xf32>
    %reduce_sum3A_6 = vector.multi_reduction <add>, %exp3A, %reduce_sum3A [1] : vector<8x100000xf32> to vector<8xf32>
    %broadcast_in_dim3A_7 = vector.shape_cast %reduce_sum3A_6 : vector<8xf32> to vector<8x1xf32>
    %log3A = math.log %broadcast_in_dim3A_7 : vector<8x1xf32>
    %add3A = arith.addf %broadcast_in_dim3A, %log3A : vector<8x1xf32>
    %reshape3A = vector.shape_cast %add3A : vector<8x1xf32> to vector<1x8x1xf32>
    %swap3A = arith.constant 0 : index
    %swap3A_8 = arith.constant 0 : index
    %swap3A_9 = arith.constant 0 : index
    %swap3A_10 = vector.load %arg2[%swap3A, %swap3A_8, %swap3A_9] : memref<1x8x1xf32, #tpu.memory_space<vmem>>, vector<1x8x1xf32>
    tpu.vector_store %arg2[%swap3A, %swap3A_8, %swap3A_9], %reshape3A {strides = array<i32>} : memref<1x8x1xf32, #tpu.memory_space<vmem>>, vector<1x8x1xf32>,
    return
  }
  func.func @transform_0(%arg0: i32) -> (i32, i32, i32) {
    %c0_i32 = arith.constant 0 : i32
    %c0_i32_0 = arith.constant 0 : i32
    %c0_i32_1 = arith.constant 0 : i32
    return %arg0, %c0_i32, %c0_i32_0 : i32, i32, i32
  }
  func.func @transform_1(%arg0: i32) -> (i32, i32, i32) {
    %c0_i32 = arith.constant 0 : i32
    %c0_i32_0 = arith.constant 0 : i32
    %c0_i32_1 = arith.constant 0 : i32
    return %arg0, %c0_i32, %c0_i32_0 : i32, i32, i32
  }
}

module attributes {stable_mosaic.version = 14 : i64} {
  func.func @_merge_body(%arg0: memref<32x32xf32, #tpu.memory_space<vmem>>, %arg1: memref<32x32xi32, #tpu.memory_space<vmem>>, %arg2: memref<32x32xf32, #tpu.memory_space<vmem>>, %arg3: memref<32x32xf32, #tpu.memory_space<vmem>>, %arg4: memref<32x8xf32, #tpu.memory_space<vmem>>, %arg5: memref<32x8xi32, #tpu.memory_space<vmem>>, %arg6: memref<32x8xi32, #tpu.memory_space<vmem>>, %arg7: memref<32x8xi32, #tpu.memory_space<vmem>>, %arg8: memref<32x8xi32, #tpu.memory_space<vmem>>) attributes {dimension_semantics = [], scalar_prefetch = 0 : i64, scratch_operands = 0 : i64, tpu.core_type = #tpu.core_type<tc>} {
    %get3A = arith.constant 0 : index
    %get3A_0 = arith.constant 0 : index
    %get3A_1 = vector.load %arg0[%get3A, %get3A_0] : memref<32x32xf32, #tpu.memory_space<vmem>>, vector<32x32xf32>
    %get3A_2 = arith.constant 0 : index
    %get3A_3 = arith.constant 0 : index
    %get3A_4 = vector.load %arg1[%get3A_2, %get3A_3] : memref<32x32xi32, #tpu.memory_space<vmem>>, vector<32x32xi32>
    %get3A_5 = arith.constant 0 : index
    %get3A_6 = arith.constant 0 : index
    %get3A_7 = vector.load %arg2[%get3A_5, %get3A_6] : memref<32x32xf32, #tpu.memory_space<vmem>>, vector<32x32xf32>
    %get3A_8 = arith.constant 0 : index
    %get3A_9 = arith.constant 0 : index
    %get3A_10 = vector.load %arg3[%get3A_8, %get3A_9] : memref<32x32xf32, #tpu.memory_space<vmem>>, vector<32x32xf32>
    %iota3A = tpu.iota {dimensions = array<i32: 1>} : vector<32x32xi32>
    %jit3A = arith.constant 8 : i32
    %div3A = vector.broadcast %jit3A : i32 to vector<32x32xi32>
    %div3A_11 = arith.divsi %iota3A, %div3A : vector<32x32xi32>
    %sign3A = arith.constant 0 : i32
    %sign3A_12 = vector.broadcast %sign3A : i32 to vector<32x32xi32>
    %sign3A_13 = arith.cmpi sgt, %iota3A, %sign3A_12 : vector<32x32xi32>
    %sign3A_14 = arith.extui %sign3A_13 : vector<32x32xi1> to vector<32x32xi32>
    %sign3A_15 = arith.constant 0 : i32
    %sign3A_16 = vector.broadcast %sign3A_15 : i32 to vector<32x32xi32>
    %sign3A_17 = arith.cmpi slt, %iota3A, %sign3A_16 : vector<32x32xi32>
    %sign3A_18 = arith.extui %sign3A_17 : vector<32x32xi1> to vector<32x32xi32>
    %sign3A_19 = arith.subi %sign3A_14, %sign3A_18 : vector<32x32xi32>
    %sign3A_20 = arith.constant 0 : i32
    %sign3A_21 = arith.cmpi sgt, %jit3A, %sign3A_20 : i32
    %sign3A_22 = arith.extui %sign3A_21 : i1 to i32
    %sign3A_23 = arith.constant 0 : i32
    %sign3A_24 = arith.cmpi slt, %jit3A, %sign3A_23 : i32
    %sign3A_25 = arith.extui %sign3A_24 : i1 to i32
    %sign3A_26 = arith.subi %sign3A_22, %sign3A_25 : i32
    %ne3A = vector.broadcast %sign3A_26 : i32 to vector<32x32xi32>
    %ne3A_27 = arith.cmpi ne, %sign3A_19, %ne3A : vector<32x32xi32>
    %rem3A = vector.broadcast %jit3A : i32 to vector<32x32xi32>
    %rem3A_28 = arith.remsi %iota3A, %rem3A : vector<32x32xi32>
    %ne3A_29 = arith.constant 0 : i32
    %ne3A_30 = vector.broadcast %ne3A_29 : i32 to vector<32x32xi32>
    %ne3A_31 = arith.cmpi ne, %rem3A_28, %ne3A_30 : vector<32x32xi32>
    %and3A = arith.andi %ne3A_27, %ne3A_31 : vector<32x32xi1>
    %sub3A = arith.constant 1 : i32
    %sub3A_32 = vector.broadcast %sub3A : i32 to vector<32x32xi32>
    %sub3A_33 = arith.subi %div3A_11, %sub3A_32 : vector<32x32xi32>
    %select_n3A = arith.select %and3A, %sub3A_33, %div3A_11 : vector<32x32xi1>, vector<32x32xi32>
    %add3A = arith.constant 5.000000e-01 : f32
    %add3A_34 = vector.broadcast %add3A : f32 to vector<32x32xf32>
    %add3A_35 = arith.addf %get3A_1, %add3A_34 : vector<32x32xf32>
    %add3A_36 = arith.addf %add3A_35, %get3A_7 : vector<32x32xf32>
    %sub3A_37 = arith.subf %add3A_36, %get3A_10 : vector<32x32xf32>
    %mul3A = arith.constant 100000 : i32
    %mul3A_38 = vector.broadcast %mul3A : i32 to vector<32x32xi32>
    %mul3A_39 = arith.muli %select_n3A, %mul3A_38 : vector<32x32xi32>
    %add3A_40 = arith.addi %mul3A_39, %get3A_4 : vector<32x32xi32>
    %iota3A_41 = tpu.iota {dimensions = array<i32: 1>} : vector<32x8xi32>
    %broadcast_in_dim3A = arith.constant 0.000000e+00 : f32
    %broadcast_in_dim3A_42 = vector.broadcast %broadcast_in_dim3A : f32 to vector<32x8xf32>
    %broadcast_in_dim3A_43 = arith.constant 0 : i32
    %broadcast_in_dim3A_44 = vector.broadcast %broadcast_in_dim3A_43 : i32 to vector<32x8xi32>
    %reduce_max3A = arith.constant dense<0xFF800000> : vector<32xf32>
    %reduce_max3A_45 = vector.multi_reduction <maximumf>, %sub3A_37, %reduce_max3A [1] : vector<32x32xf32> to vector<32xf32>
    %broadcast_in_dim3A_46 = vector.shape_cast %reduce_max3A_45 : vector<32xf32> to vector<32x1xf32>
    %eq3A = vector.broadcast %broadcast_in_dim3A_46 : vector<32x1xf32> to vector<32x32xf32>
    %eq3A_47 = arith.cmpf oeq, %sub3A_37, %eq3A : vector<32x32xf32>
    %jit3A_48 = arith.constant 2147483647 : i32
    %broadcast_in_dim3A_49 = vector.broadcast %jit3A_48 : i32 to vector<32x32xi32>
    %select_n3A_50 = arith.select %eq3A_47, %add3A_40, %broadcast_in_dim3A_49 : vector<32x32xi1>, vector<32x32xi32>
    %reduce_min3A = arith.constant dense<2147483647> : vector<32xi32>
    %reduce_min3A_51 = vector.multi_reduction <minsi>, %select_n3A_50, %reduce_min3A [1] : vector<32x32xi32> to vector<32xi32>
    %broadcast_in_dim3A_52 = vector.shape_cast %reduce_min3A_51 : vector<32xi32> to vector<32x1xi32>
    %eq3A_53 = vector.broadcast %broadcast_in_dim3A_52 : vector<32x1xi32> to vector<32x32xi32>
    %eq3A_54 = arith.cmpi eq, %add3A_40, %eq3A_53 : vector<32x32xi32>
    %jit3A_55 = arith.constant 0xFF800000 : f32
    %broadcast_in_dim3A_56 = vector.broadcast %jit3A_55 : f32 to vector<32x32xf32>
    %select_n3A_57 = arith.select %eq3A_54, %broadcast_in_dim3A_56, %sub3A_37 : vector<32x32xi1>, vector<32x32xf32>
    %eq3A_58 = arith.constant 0 : i32
    %eq3A_59 = vector.broadcast %eq3A_58 : i32 to vector<32x8xi32>
    %eq3A_60 = arith.cmpi eq, %iota3A_41, %eq3A_59 : vector<32x8xi32>
    %broadcast_in_dim3A_61 = vector.shape_cast %broadcast_in_dim3A_46 : vector<32x1xf32> to vector<32x1xf32>
    %broadcast_in_dim3A_62 = vector.broadcast %broadcast_in_dim3A_61 : vector<32x1xf32> to vector<32x8xf32>
    %select_n3A_63 = arith.select %eq3A_60, %broadcast_in_dim3A_62, %broadcast_in_dim3A_42 : vector<32x8xi1>, vector<32x8xf32>
    %eq3A_64 = arith.constant 0 : i32
    %eq3A_65 = vector.broadcast %eq3A_64 : i32 to vector<32x8xi32>
    %eq3A_66 = arith.cmpi eq, %iota3A_41, %eq3A_65 : vector<32x8xi32>
    %broadcast_in_dim3A_67 = vector.shape_cast %broadcast_in_dim3A_52 : vector<32x1xi32> to vector<32x1xi32>
    %broadcast_in_dim3A_68 = vector.broadcast %broadcast_in_dim3A_67 : vector<32x1xi32> to vector<32x8xi32>
    %select_n3A_69 = arith.select %eq3A_66, %broadcast_in_dim3A_68, %broadcast_in_dim3A_44 : vector<32x8xi1>, vector<32x8xi32>
    %reduce_max3A_70 = arith.constant dense<0xFF800000> : vector<32xf32>
    %reduce_max3A_71 = vector.multi_reduction <maximumf>, %select_n3A_57, %reduce_max3A_70 [1] : vector<32x32xf32> to vector<32xf32>
    %broadcast_in_dim3A_72 = vector.shape_cast %reduce_max3A_71 : vector<32xf32> to vector<32x1xf32>
    %eq3A_73 = vector.broadcast %broadcast_in_dim3A_72 : vector<32x1xf32> to vector<32x32xf32>
    %eq3A_74 = arith.cmpf oeq, %select_n3A_57, %eq3A_73 : vector<32x32xf32>
    %jit3A_75 = arith.constant 2147483647 : i32
    %broadcast_in_dim3A_76 = vector.broadcast %jit3A_75 : i32 to vector<32x32xi32>
    %select_n3A_77 = arith.select %eq3A_74, %add3A_40, %broadcast_in_dim3A_76 : vector<32x32xi1>, vector<32x32xi32>
    %reduce_min3A_78 = arith.constant dense<2147483647> : vector<32xi32>
    %reduce_min3A_79 = vector.multi_reduction <minsi>, %select_n3A_77, %reduce_min3A_78 [1] : vector<32x32xi32> to vector<32xi32>
    %broadcast_in_dim3A_80 = vector.shape_cast %reduce_min3A_79 : vector<32xi32> to vector<32x1xi32>
    %eq3A_81 = vector.broadcast %broadcast_in_dim3A_80 : vector<32x1xi32> to vector<32x32xi32>
    %eq3A_82 = arith.cmpi eq, %add3A_40, %eq3A_81 : vector<32x32xi32>
    %jit3A_83 = arith.constant 0xFF800000 : f32
    %broadcast_in_dim3A_84 = vector.broadcast %jit3A_83 : f32 to vector<32x32xf32>
    %select_n3A_85 = arith.select %eq3A_82, %broadcast_in_dim3A_84, %select_n3A_57 : vector<32x32xi1>, vector<32x32xf32>
    %eq3A_86 = arith.constant 1 : i32
    %eq3A_87 = vector.broadcast %eq3A_86 : i32 to vector<32x8xi32>
    %eq3A_88 = arith.cmpi eq, %iota3A_41, %eq3A_87 : vector<32x8xi32>
    %broadcast_in_dim3A_89 = vector.shape_cast %broadcast_in_dim3A_72 : vector<32x1xf32> to vector<32x1xf32>
    %broadcast_in_dim3A_90 = vector.broadcast %broadcast_in_dim3A_89 : vector<32x1xf32> to vector<32x8xf32>
    %select_n3A_91 = arith.select %eq3A_88, %broadcast_in_dim3A_90, %select_n3A_63 : vector<32x8xi1>, vector<32x8xf32>
    %eq3A_92 = arith.constant 1 : i32
    %eq3A_93 = vector.broadcast %eq3A_92 : i32 to vector<32x8xi32>
    %eq3A_94 = arith.cmpi eq, %iota3A_41, %eq3A_93 : vector<32x8xi32>
    %broadcast_in_dim3A_95 = vector.shape_cast %broadcast_in_dim3A_80 : vector<32x1xi32> to vector<32x1xi32>
    %broadcast_in_dim3A_96 = vector.broadcast %broadcast_in_dim3A_95 : vector<32x1xi32> to vector<32x8xi32>
    %select_n3A_97 = arith.select %eq3A_94, %broadcast_in_dim3A_96, %select_n3A_69 : vector<32x8xi1>, vector<32x8xi32>
    %reduce_max3A_98 = arith.constant dense<0xFF800000> : vector<32xf32>
    %reduce_max3A_99 = vector.multi_reduction <maximumf>, %select_n3A_85, %reduce_max3A_98 [1] : vector<32x32xf32> to vector<32xf32>
    %broadcast_in_dim3A_100 = vector.shape_cast %reduce_max3A_99 : vector<32xf32> to vector<32x1xf32>
    %eq3A_101 = vector.broadcast %broadcast_in_dim3A_100 : vector<32x1xf32> to vector<32x32xf32>
    %eq3A_102 = arith.cmpf oeq, %select_n3A_85, %eq3A_101 : vector<32x32xf32>
    %jit3A_103 = arith.constant 2147483647 : i32
    %broadcast_in_dim3A_104 = vector.broadcast %jit3A_103 : i32 to vector<32x32xi32>
    %select_n3A_105 = arith.select %eq3A_102, %add3A_40, %broadcast_in_dim3A_104 : vector<32x32xi1>, vector<32x32xi32>
    %reduce_min3A_106 = arith.constant dense<2147483647> : vector<32xi32>
    %reduce_min3A_107 = vector.multi_reduction <minsi>, %select_n3A_105, %reduce_min3A_106 [1] : vector<32x32xi32> to vector<32xi32>
    %broadcast_in_dim3A_108 = vector.shape_cast %reduce_min3A_107 : vector<32xi32> to vector<32x1xi32>
    %eq3A_109 = vector.broadcast %broadcast_in_dim3A_108 : vector<32x1xi32> to vector<32x32xi32>
    %eq3A_110 = arith.cmpi eq, %add3A_40, %eq3A_109 : vector<32x32xi32>
    %jit3A_111 = arith.constant 0xFF800000 : f32
    %broadcast_in_dim3A_112 = vector.broadcast %jit3A_111 : f32 to vector<32x32xf32>
    %select_n3A_113 = arith.select %eq3A_110, %broadcast_in_dim3A_112, %select_n3A_85 : vector<32x32xi1>, vector<32x32xf32>
    %eq3A_114 = arith.constant 2 : i32
    %eq3A_115 = vector.broadcast %eq3A_114 : i32 to vector<32x8xi32>
    %eq3A_116 = arith.cmpi eq, %iota3A_41, %eq3A_115 : vector<32x8xi32>
    %broadcast_in_dim3A_117 = vector.shape_cast %broadcast_in_dim3A_100 : vector<32x1xf32> to vector<32x1xf32>
    %broadcast_in_dim3A_118 = vector.broadcast %broadcast_in_dim3A_117 : vector<32x1xf32> to vector<32x8xf32>
    %select_n3A_119 = arith.select %eq3A_116, %broadcast_in_dim3A_118, %select_n3A_91 : vector<32x8xi1>, vector<32x8xf32>
    %eq3A_120 = arith.constant 2 : i32
    %eq3A_121 = vector.broadcast %eq3A_120 : i32 to vector<32x8xi32>
    %eq3A_122 = arith.cmpi eq, %iota3A_41, %eq3A_121 : vector<32x8xi32>
    %broadcast_in_dim3A_123 = vector.shape_cast %broadcast_in_dim3A_108 : vector<32x1xi32> to vector<32x1xi32>
    %broadcast_in_dim3A_124 = vector.broadcast %broadcast_in_dim3A_123 : vector<32x1xi32> to vector<32x8xi32>
    %select_n3A_125 = arith.select %eq3A_122, %broadcast_in_dim3A_124, %select_n3A_97 : vector<32x8xi1>, vector<32x8xi32>
    %reduce_max3A_126 = arith.constant dense<0xFF800000> : vector<32xf32>
    %reduce_max3A_127 = vector.multi_reduction <maximumf>, %select_n3A_113, %reduce_max3A_126 [1] : vector<32x32xf32> to vector<32xf32>
    %broadcast_in_dim3A_128 = vector.shape_cast %reduce_max3A_127 : vector<32xf32> to vector<32x1xf32>
    %eq3A_129 = vector.broadcast %broadcast_in_dim3A_128 : vector<32x1xf32> to vector<32x32xf32>
    %eq3A_130 = arith.cmpf oeq, %select_n3A_113, %eq3A_129 : vector<32x32xf32>
    %jit3A_131 = arith.constant 2147483647 : i32
    %broadcast_in_dim3A_132 = vector.broadcast %jit3A_131 : i32 to vector<32x32xi32>
    %select_n3A_133 = arith.select %eq3A_130, %add3A_40, %broadcast_in_dim3A_132 : vector<32x32xi1>, vector<32x32xi32>
    %reduce_min3A_134 = arith.constant dense<2147483647> : vector<32xi32>
    %reduce_min3A_135 = vector.multi_reduction <minsi>, %select_n3A_133, %reduce_min3A_134 [1] : vector<32x32xi32> to vector<32xi32>
    %broadcast_in_dim3A_136 = vector.shape_cast %reduce_min3A_135 : vector<32xi32> to vector<32x1xi32>
    %eq3A_137 = vector.broadcast %broadcast_in_dim3A_136 : vector<32x1xi32> to vector<32x32xi32>
    %eq3A_138 = arith.cmpi eq, %add3A_40, %eq3A_137 : vector<32x32xi32>
    %jit3A_139 = arith.constant 0xFF800000 : f32
    %broadcast_in_dim3A_140 = vector.broadcast %jit3A_139 : f32 to vector<32x32xf32>
    %select_n3A_141 = arith.select %eq3A_138, %broadcast_in_dim3A_140, %select_n3A_113 : vector<32x32xi1>, vector<32x32xf32>
    %eq3A_142 = arith.constant 3 : i32
    %eq3A_143 = vector.broadcast %eq3A_142 : i32 to vector<32x8xi32>
    %eq3A_144 = arith.cmpi eq, %iota3A_41, %eq3A_143 : vector<32x8xi32>
    %broadcast_in_dim3A_145 = vector.shape_cast %broadcast_in_dim3A_128 : vector<32x1xf32> to vector<32x1xf32>
    %broadcast_in_dim3A_146 = vector.broadcast %broadcast_in_dim3A_145 : vector<32x1xf32> to vector<32x8xf32>
    %select_n3A_147 = arith.select %eq3A_144, %broadcast_in_dim3A_146, %select_n3A_119 : vector<32x8xi1>, vector<32x8xf32>
    %eq3A_148 = arith.constant 3 : i32
    %eq3A_149 = vector.broadcast %eq3A_148 : i32 to vector<32x8xi32>
    %eq3A_150 = arith.cmpi eq, %iota3A_41, %eq3A_149 : vector<32x8xi32>
    %broadcast_in_dim3A_151 = vector.shape_cast %broadcast_in_dim3A_136 : vector<32x1xi32> to vector<32x1xi32>
    %broadcast_in_dim3A_152 = vector.broadcast %broadcast_in_dim3A_151 : vector<32x1xi32> to vector<32x8xi32>
    %select_n3A_153 = arith.select %eq3A_150, %broadcast_in_dim3A_152, %select_n3A_125 : vector<32x8xi1>, vector<32x8xi32>
    %reduce_max3A_154 = arith.constant dense<0xFF800000> : vector<32xf32>
    %reduce_max3A_155 = vector.multi_reduction <maximumf>, %select_n3A_141, %reduce_max3A_154 [1] : vector<32x32xf32> to vector<32xf32>
    %broadcast_in_dim3A_156 = vector.shape_cast %reduce_max3A_155 : vector<32xf32> to vector<32x1xf32>
    %eq3A_157 = vector.broadcast %broadcast_in_dim3A_156 : vector<32x1xf32> to vector<32x32xf32>
    %eq3A_158 = arith.cmpf oeq, %select_n3A_141, %eq3A_157 : vector<32x32xf32>
    %jit3A_159 = arith.constant 2147483647 : i32
    %broadcast_in_dim3A_160 = vector.broadcast %jit3A_159 : i32 to vector<32x32xi32>
    %select_n3A_161 = arith.select %eq3A_158, %add3A_40, %broadcast_in_dim3A_160 : vector<32x32xi1>, vector<32x32xi32>
    %reduce_min3A_162 = arith.constant dense<2147483647> : vector<32xi32>
    %reduce_min3A_163 = vector.multi_reduction <minsi>, %select_n3A_161, %reduce_min3A_162 [1] : vector<32x32xi32> to vector<32xi32>
    %broadcast_in_dim3A_164 = vector.shape_cast %reduce_min3A_163 : vector<32xi32> to vector<32x1xi32>
    %eq3A_165 = vector.broadcast %broadcast_in_dim3A_164 : vector<32x1xi32> to vector<32x32xi32>
    %eq3A_166 = arith.cmpi eq, %add3A_40, %eq3A_165 : vector<32x32xi32>
    %jit3A_167 = arith.constant 0xFF800000 : f32
    %broadcast_in_dim3A_168 = vector.broadcast %jit3A_167 : f32 to vector<32x32xf32>
    %select_n3A_169 = arith.select %eq3A_166, %broadcast_in_dim3A_168, %select_n3A_141 : vector<32x32xi1>, vector<32x32xf32>
    %eq3A_170 = arith.constant 4 : i32
    %eq3A_171 = vector.broadcast %eq3A_170 : i32 to vector<32x8xi32>
    %eq3A_172 = arith.cmpi eq, %iota3A_41, %eq3A_171 : vector<32x8xi32>
    %broadcast_in_dim3A_173 = vector.shape_cast %broadcast_in_dim3A_156 : vector<32x1xf32> to vector<32x1xf32>
    %broadcast_in_dim3A_174 = vector.broadcast %broadcast_in_dim3A_173 : vector<32x1xf32> to vector<32x8xf32>
    %select_n3A_175 = arith.select %eq3A_172, %broadcast_in_dim3A_174, %select_n3A_147 : vector<32x8xi1>, vector<32x8xf32>
    %eq3A_176 = arith.constant 4 : i32
    %eq3A_177 = vector.broadcast %eq3A_176 : i32 to vector<32x8xi32>
    %eq3A_178 = arith.cmpi eq, %iota3A_41, %eq3A_177 : vector<32x8xi32>
    %broadcast_in_dim3A_179 = vector.shape_cast %broadcast_in_dim3A_164 : vector<32x1xi32> to vector<32x1xi32>
    %broadcast_in_dim3A_180 = vector.broadcast %broadcast_in_dim3A_179 : vector<32x1xi32> to vector<32x8xi32>
    %select_n3A_181 = arith.select %eq3A_178, %broadcast_in_dim3A_180, %select_n3A_153 : vector<32x8xi1>, vector<32x8xi32>
    %reduce_max3A_182 = arith.constant dense<0xFF800000> : vector<32xf32>
    %reduce_max3A_183 = vector.multi_reduction <maximumf>, %select_n3A_169, %reduce_max3A_182 [1] : vector<32x32xf32> to vector<32xf32>
    %broadcast_in_dim3A_184 = vector.shape_cast %reduce_max3A_183 : vector<32xf32> to vector<32x1xf32>
    %eq3A_185 = vector.broadcast %broadcast_in_dim3A_184 : vector<32x1xf32> to vector<32x32xf32>
    %eq3A_186 = arith.cmpf oeq, %select_n3A_169, %eq3A_185 : vector<32x32xf32>
    %jit3A_187 = arith.constant 2147483647 : i32
    %broadcast_in_dim3A_188 = vector.broadcast %jit3A_187 : i32 to vector<32x32xi32>
    %select_n3A_189 = arith.select %eq3A_186, %add3A_40, %broadcast_in_dim3A_188 : vector<32x32xi1>, vector<32x32xi32>
    %reduce_min3A_190 = arith.constant dense<2147483647> : vector<32xi32>
    %reduce_min3A_191 = vector.multi_reduction <minsi>, %select_n3A_189, %reduce_min3A_190 [1] : vector<32x32xi32> to vector<32xi32>
    %broadcast_in_dim3A_192 = vector.shape_cast %reduce_min3A_191 : vector<32xi32> to vector<32x1xi32>
    %eq3A_193 = vector.broadcast %broadcast_in_dim3A_192 : vector<32x1xi32> to vector<32x32xi32>
    %eq3A_194 = arith.cmpi eq, %add3A_40, %eq3A_193 : vector<32x32xi32>
    %jit3A_195 = arith.constant 0xFF800000 : f32
    %broadcast_in_dim3A_196 = vector.broadcast %jit3A_195 : f32 to vector<32x32xf32>
    %select_n3A_197 = arith.select %eq3A_194, %broadcast_in_dim3A_196, %select_n3A_169 : vector<32x32xi1>, vector<32x32xf32>
    %eq3A_198 = arith.constant 5 : i32
    %eq3A_199 = vector.broadcast %eq3A_198 : i32 to vector<32x8xi32>
    %eq3A_200 = arith.cmpi eq, %iota3A_41, %eq3A_199 : vector<32x8xi32>
    %broadcast_in_dim3A_201 = vector.shape_cast %broadcast_in_dim3A_184 : vector<32x1xf32> to vector<32x1xf32>
    %broadcast_in_dim3A_202 = vector.broadcast %broadcast_in_dim3A_201 : vector<32x1xf32> to vector<32x8xf32>
    %select_n3A_203 = arith.select %eq3A_200, %broadcast_in_dim3A_202, %select_n3A_175 : vector<32x8xi1>, vector<32x8xf32>
    %eq3A_204 = arith.constant 5 : i32
    %eq3A_205 = vector.broadcast %eq3A_204 : i32 to vector<32x8xi32>
    %eq3A_206 = arith.cmpi eq, %iota3A_41, %eq3A_205 : vector<32x8xi32>
    %broadcast_in_dim3A_207 = vector.shape_cast %broadcast_in_dim3A_192 : vector<32x1xi32> to vector<32x1xi32>
    %broadcast_in_dim3A_208 = vector.broadcast %broadcast_in_dim3A_207 : vector<32x1xi32> to vector<32x8xi32>
    %select_n3A_209 = arith.select %eq3A_206, %broadcast_in_dim3A_208, %select_n3A_181 : vector<32x8xi1>, vector<32x8xi32>
    %reduce_max3A_210 = arith.constant dense<0xFF800000> : vector<32xf32>
    %reduce_max3A_211 = vector.multi_reduction <maximumf>, %select_n3A_197, %reduce_max3A_210 [1] : vector<32x32xf32> to vector<32xf32>
    %broadcast_in_dim3A_212 = vector.shape_cast %reduce_max3A_211 : vector<32xf32> to vector<32x1xf32>
    %eq3A_213 = vector.broadcast %broadcast_in_dim3A_212 : vector<32x1xf32> to vector<32x32xf32>
    %eq3A_214 = arith.cmpf oeq, %select_n3A_197, %eq3A_213 : vector<32x32xf32>
    %jit3A_215 = arith.constant 2147483647 : i32
    %broadcast_in_dim3A_216 = vector.broadcast %jit3A_215 : i32 to vector<32x32xi32>
    %select_n3A_217 = arith.select %eq3A_214, %add3A_40, %broadcast_in_dim3A_216 : vector<32x32xi1>, vector<32x32xi32>
    %reduce_min3A_218 = arith.constant dense<2147483647> : vector<32xi32>
    %reduce_min3A_219 = vector.multi_reduction <minsi>, %select_n3A_217, %reduce_min3A_218 [1] : vector<32x32xi32> to vector<32xi32>
    %broadcast_in_dim3A_220 = vector.shape_cast %reduce_min3A_219 : vector<32xi32> to vector<32x1xi32>
    %eq3A_221 = vector.broadcast %broadcast_in_dim3A_220 : vector<32x1xi32> to vector<32x32xi32>
    %eq3A_222 = arith.cmpi eq, %add3A_40, %eq3A_221 : vector<32x32xi32>
    %jit3A_223 = arith.constant 0xFF800000 : f32
    %broadcast_in_dim3A_224 = vector.broadcast %jit3A_223 : f32 to vector<32x32xf32>
    %select_n3A_225 = arith.select %eq3A_222, %broadcast_in_dim3A_224, %select_n3A_197 : vector<32x32xi1>, vector<32x32xf32>
    %eq3A_226 = arith.constant 6 : i32
    %eq3A_227 = vector.broadcast %eq3A_226 : i32 to vector<32x8xi32>
    %eq3A_228 = arith.cmpi eq, %iota3A_41, %eq3A_227 : vector<32x8xi32>
    %broadcast_in_dim3A_229 = vector.shape_cast %broadcast_in_dim3A_212 : vector<32x1xf32> to vector<32x1xf32>
    %broadcast_in_dim3A_230 = vector.broadcast %broadcast_in_dim3A_229 : vector<32x1xf32> to vector<32x8xf32>
    %select_n3A_231 = arith.select %eq3A_228, %broadcast_in_dim3A_230, %select_n3A_203 : vector<32x8xi1>, vector<32x8xf32>
    %eq3A_232 = arith.constant 6 : i32
    %eq3A_233 = vector.broadcast %eq3A_232 : i32 to vector<32x8xi32>
    %eq3A_234 = arith.cmpi eq, %iota3A_41, %eq3A_233 : vector<32x8xi32>
    %broadcast_in_dim3A_235 = vector.shape_cast %broadcast_in_dim3A_220 : vector<32x1xi32> to vector<32x1xi32>
    %broadcast_in_dim3A_236 = vector.broadcast %broadcast_in_dim3A_235 : vector<32x1xi32> to vector<32x8xi32>
    %select_n3A_237 = arith.select %eq3A_234, %broadcast_in_dim3A_236, %select_n3A_209 : vector<32x8xi1>, vector<32x8xi32>
    %reduce_max3A_238 = arith.constant dense<0xFF800000> : vector<32xf32>
    %reduce_max3A_239 = vector.multi_reduction <maximumf>, %select_n3A_225, %reduce_max3A_238 [1] : vector<32x32xf32> to vector<32xf32>
    %broadcast_in_dim3A_240 = vector.shape_cast %reduce_max3A_239 : vector<32xf32> to vector<32x1xf32>
    %eq3A_241 = vector.broadcast %broadcast_in_dim3A_240 : vector<32x1xf32> to vector<32x32xf32>
    %eq3A_242 = arith.cmpf oeq, %select_n3A_225, %eq3A_241 : vector<32x32xf32>
    %jit3A_243 = arith.constant 2147483647 : i32
    %broadcast_in_dim3A_244 = vector.broadcast %jit3A_243 : i32 to vector<32x32xi32>
    %select_n3A_245 = arith.select %eq3A_242, %add3A_40, %broadcast_in_dim3A_244 : vector<32x32xi1>, vector<32x32xi32>
    %reduce_min3A_246 = arith.constant dense<2147483647> : vector<32xi32>
    %reduce_min3A_247 = vector.multi_reduction <minsi>, %select_n3A_245, %reduce_min3A_246 [1] : vector<32x32xi32> to vector<32xi32>
    %broadcast_in_dim3A_248 = vector.shape_cast %reduce_min3A_247 : vector<32xi32> to vector<32x1xi32>
    %eq3A_249 = arith.constant 7 : i32
    %eq3A_250 = vector.broadcast %eq3A_249 : i32 to vector<32x8xi32>
    %eq3A_251 = arith.cmpi eq, %iota3A_41, %eq3A_250 : vector<32x8xi32>
    %broadcast_in_dim3A_252 = vector.shape_cast %broadcast_in_dim3A_240 : vector<32x1xf32> to vector<32x1xf32>
    %broadcast_in_dim3A_253 = vector.broadcast %broadcast_in_dim3A_252 : vector<32x1xf32> to vector<32x8xf32>
    %select_n3A_254 = arith.select %eq3A_251, %broadcast_in_dim3A_253, %select_n3A_231 : vector<32x8xi1>, vector<32x8xf32>
    %eq3A_255 = arith.constant 7 : i32
    %eq3A_256 = vector.broadcast %eq3A_255 : i32 to vector<32x8xi32>
    %eq3A_257 = arith.cmpi eq, %iota3A_41, %eq3A_256 : vector<32x8xi32>
    %broadcast_in_dim3A_258 = vector.shape_cast %broadcast_in_dim3A_248 : vector<32x1xi32> to vector<32x1xi32>
    %broadcast_in_dim3A_259 = vector.broadcast %broadcast_in_dim3A_258 : vector<32x1xi32> to vector<32x8xi32>
    %select_n3A_260 = arith.select %eq3A_257, %broadcast_in_dim3A_259, %select_n3A_237 : vector<32x8xi1>, vector<32x8xi32>
    %jit3A_261 = arith.constant 100000 : i32
    %eq3A_262 = arith.constant 0 : i32
    %eq3A_263 = arith.cmpi eq, %jit3A_261, %eq3A_262 : i32
    %jit3A_264 = arith.constant 1 : i32
    %select_n3A_265 = arith.select %eq3A_263, %jit3A_264, %jit3A_261 : i32
    %rem3A_266 = vector.broadcast %select_n3A_265 : i32 to vector<32x8xi32>
    %rem3A_267 = arith.remsi %select_n3A_260, %rem3A_266 : vector<32x8xi32>
    %ne3A_268 = arith.constant 0 : i32
    %ne3A_269 = vector.broadcast %ne3A_268 : i32 to vector<32x8xi32>
    %ne3A_270 = arith.cmpi ne, %rem3A_267, %ne3A_269 : vector<32x8xi32>
    %lt3A = arith.constant 0 : i32
    %lt3A_271 = vector.broadcast %lt3A : i32 to vector<32x8xi32>
    %lt3A_272 = arith.cmpi slt, %rem3A_267, %lt3A_271 : vector<32x8xi32>
    %lt3A_273 = arith.constant 0 : i32
    %lt3A_274 = arith.cmpi slt, %select_n3A_265, %lt3A_273 : i32
    %ne3A_275 = vector.broadcast %lt3A_274 : i1 to vector<32x8xi1>
    %ne3A_276 = vector.broadcast %ne3A_275 : vector<32x8xi1> to vector<32x8xi1>
    %ne3A_277 = arith.xori %lt3A_272, %ne3A_276 : vector<32x8xi1>
    %and3A_278 = arith.andi %ne3A_277, %ne3A_270 : vector<32x8xi1>
    %add3A_279 = vector.broadcast %select_n3A_265 : i32 to vector<32x8xi32>
    %add3A_280 = arith.addi %rem3A_267, %add3A_279 : vector<32x8xi32>
    %select_n3A_281 = arith.select %and3A_278, %add3A_280, %rem3A_267 : vector<32x8xi1>, vector<32x8xi32>
    %swap3A = arith.constant 0 : index
    %swap3A_282 = arith.constant 0 : index
    %swap3A_283 = vector.load %arg4[%swap3A, %swap3A_282] : memref<32x8xf32, #tpu.memory_space<vmem>>, vector<32x8xf32>
    tpu.vector_store %arg4[%swap3A, %swap3A_282], %select_n3A_254 {strides = array<i32>} : memref<32x8xf32, #tpu.memory_space<vmem>>, vector<32x8xf32>,
    %swap3A_284 = arith.constant 0 : index
    %swap3A_285 = arith.constant 0 : index
    %swap3A_286 = vector.load %arg5[%swap3A_284, %swap3A_285] : memref<32x8xi32, #tpu.memory_space<vmem>>, vector<32x8xi32>
    tpu.vector_store %arg5[%swap3A_284, %swap3A_285], %select_n3A_260 {strides = array<i32>} : memref<32x8xi32, #tpu.memory_space<vmem>>, vector<32x8xi32>,
    %jit3A_287 = arith.constant 100000 : i32
    %div3A_288 = vector.broadcast %jit3A_287 : i32 to vector<32x8xi32>
    %div3A_289 = arith.divsi %select_n3A_260, %div3A_288 : vector<32x8xi32>
    %sign3A_290 = arith.constant 0 : i32
    %sign3A_291 = vector.broadcast %sign3A_290 : i32 to vector<32x8xi32>
    %sign3A_292 = arith.cmpi sgt, %select_n3A_260, %sign3A_291 : vector<32x8xi32>
    %sign3A_293 = arith.extui %sign3A_292 : vector<32x8xi1> to vector<32x8xi32>
    %sign3A_294 = arith.constant 0 : i32
    %sign3A_295 = vector.broadcast %sign3A_294 : i32 to vector<32x8xi32>
    %sign3A_296 = arith.cmpi slt, %select_n3A_260, %sign3A_295 : vector<32x8xi32>
    %sign3A_297 = arith.extui %sign3A_296 : vector<32x8xi1> to vector<32x8xi32>
    %sign3A_298 = arith.subi %sign3A_293, %sign3A_297 : vector<32x8xi32>
    %sign3A_299 = arith.constant 0 : i32
    %sign3A_300 = arith.cmpi sgt, %jit3A_287, %sign3A_299 : i32
    %sign3A_301 = arith.extui %sign3A_300 : i1 to i32
    %sign3A_302 = arith.constant 0 : i32
    %sign3A_303 = arith.cmpi slt, %jit3A_287, %sign3A_302 : i32
    %sign3A_304 = arith.extui %sign3A_303 : i1 to i32
    %sign3A_305 = arith.subi %sign3A_301, %sign3A_304 : i32
    %ne3A_306 = vector.broadcast %sign3A_305 : i32 to vector<32x8xi32>
    %ne3A_307 = arith.cmpi ne, %sign3A_298, %ne3A_306 : vector<32x8xi32>
    %rem3A_308 = vector.broadcast %jit3A_287 : i32 to vector<32x8xi32>
    %rem3A_309 = arith.remsi %select_n3A_260, %rem3A_308 : vector<32x8xi32>
    %ne3A_310 = arith.constant 0 : i32
    %ne3A_311 = vector.broadcast %ne3A_310 : i32 to vector<32x8xi32>
    %ne3A_312 = arith.cmpi ne, %rem3A_309, %ne3A_311 : vector<32x8xi32>
    %and3A_313 = arith.andi %ne3A_307, %ne3A_312 : vector<32x8xi1>
    %sub3A_314 = arith.constant 1 : i32
    %sub3A_315 = vector.broadcast %sub3A_314 : i32 to vector<32x8xi32>
    %sub3A_316 = arith.subi %div3A_289, %sub3A_315 : vector<32x8xi32>
    %select_n3A_317 = arith.select %and3A_313, %sub3A_316, %div3A_289 : vector<32x8xi1>, vector<32x8xi32>
    %swap3A_318 = arith.constant 0 : index
    %swap3A_319 = arith.constant 0 : index
    %swap3A_320 = vector.load %arg6[%swap3A_318, %swap3A_319] : memref<32x8xi32, #tpu.memory_space<vmem>>, vector<32x8xi32>
    tpu.vector_store %arg6[%swap3A_318, %swap3A_319], %select_n3A_317 {strides = array<i32>} : memref<32x8xi32, #tpu.memory_space<vmem>>, vector<32x8xi32>,
    %swap3A_321 = arith.constant 0 : index
    %swap3A_322 = arith.constant 0 : index
    %swap3A_323 = vector.load %arg7[%swap3A_321, %swap3A_322] : memref<32x8xi32, #tpu.memory_space<vmem>>, vector<32x8xi32>
    tpu.vector_store %arg7[%swap3A_321, %swap3A_322], %select_n3A_281 {strides = array<i32>} : memref<32x8xi32, #tpu.memory_space<vmem>>, vector<32x8xi32>,
    %eq3A_324 = arith.constant 2 : i32
    %eq3A_325 = vector.broadcast %eq3A_324 : i32 to vector<32x8xi32>
    %eq3A_326 = arith.cmpi eq, %select_n3A_281, %eq3A_325 : vector<32x8xi32>
    %jit3A_327 = arith.constant 1 : i32
    %jit3A_328 = arith.constant 0 : i32
    %broadcast_in_dim3A_329 = vector.broadcast %jit3A_327 : i32 to vector<32x8xi32>
    %broadcast_in_dim3A_330 = vector.broadcast %jit3A_328 : i32 to vector<32x8xi32>
    %select_n3A_331 = arith.select %eq3A_326, %broadcast_in_dim3A_329, %broadcast_in_dim3A_330 : vector<32x8xi1>, vector<32x8xi32>
    %swap3A_332 = arith.constant 0 : index
    %swap3A_333 = arith.constant 0 : index
    %swap3A_334 = vector.load %arg8[%swap3A_332, %swap3A_333] : memref<32x8xi32, #tpu.memory_space<vmem>>, vector<32x8xi32>
    tpu.vector_store %arg8[%swap3A_332, %swap3A_333], %select_n3A_331 {strides = array<i32>} : memref<32x8xi32, #tpu.memory_space<vmem>>, vector<32x8xi32>,
    return
  }
}

</mosaic_0001>

<sc_bundles>
// kernel: sc_topk.3.cloned.1.call-start
scs
__scs_entry_jumppad:
0x0: {  	(pc) =	sbr.rel $0x88, $3  }
0x1: {  	(tag) =	ssettag $0x0;
	lr =	simm.s32 $0x1  }
0x2: {  	[smem:$0x3F9F] =	sst lr;
	_ =	strace $0xD0000000  }
0x3: {  	_ = 	snop  }
0x4: {  	_ = 	snop  }
0x5: {  	_ = 	snop  }
0x6: {  	_ = 	snop  }
0x7: {  	_ = 	snop  }
__scs_overlays_trampoline_lowered:
0x8: {  	[smem:$0x3FAE] =	sst s0  }
0x9: {  	[smem:$0x3FAF] =	sst s1  }
0xa: {  	[smem:$0x3FB0] =	sst s2  }
0xb: {  	[smem:$0x3FB1] =	sst s3  }
0xc: {  	[smem:$0x3FB2] =	sst s4  }
0xd: {  	[smem:$0x3FB3] =	sst s5  }
0xe: {  	[smem:$0x3FB4] =	sst s6  }
0xf: {  	[smem:$0x3FB5] =	sst s7  }
0x10: {  	[smem:$0x3FB6] =	sst s8  }
0x11: {  	[smem:$0x3FB7] =	sst s9;
	s0 =	simm.s32 @!p0 $0x0  }
0x12: {  	s1 =	sld [smem:$0x3F9D];
	s0 =	simm.s32 @p0 $0x1  }
0x13: {  	[smem:$0x3FB8] =	sst s0;
	s0 =	simm.s32 @!p1 $0x0  }
0x14: {  	s2 =	sld [smem:$0x3F9C];
	s0 =	simm.s32 @p1 $0x1  }
0x15: {  	[smem:$0x3FB9] =	sst s0;
	s0 =	simm.s32 @!p2 $0x0  }
0x16: {  	s3 =	sld [smem:$0x3FDB];
	s0 =	simm.s32 @p2 $0x1  }
0x17: {  	s4 =	simm.s32 $0x1BF5;
	[smem:$0x3FBB] =	sst s0  }
0x18: {  	s0 =	sld [smem:$0x3F9E];
	_ =	swait.ge [sflag:s4], $0x0  }
0x19: {  	s7 =	sld [smem:$0x3F9F]  }
0x1a: {  	s8 =	sadd.s32 $0xFFFFE003, lr  }
0x1b: {  	s9 =	sadd.s32 $0xFFFFFEF7, lr;
	s5 =	simm.s32 $0xFFFFFFFF;
	p2 =	slt.u32 s8, $0xFFFFF086  }
0x1c: {  	p1 =	slt.u32 s9, $0xF7A;
	s5 =	simm.s32 @!p2 $0x0  }
0x1d: {  	s5 =	simm.s32 @p1 $0x1;
	p0 =	seq.s32 s7, s2  }
0x1e: {  	s7 =	smul.u32 @!p0 $0xF7A, s2;
	p2 =	seq.s32 @!p0 s5, $0x0  }
0x1f: {  	s9 =	smul.u32 $0xF7A, s1;
	s8 =	simm.s32 @!p0 $0x1BF5;
	p2 =	por !p2, p0  }
0x20: {  	[sflag:s8] =	ssyncset.s32 @!p0 $0xFFFFF086;
	s6 =	sadd.s32 @!p0 s3, s7;
	s7 =	simm.s32 @!p0 $0x108  }
0x21: {  	s3 =	sadd.s32 s3, s9;
	s6 =	sadd.s32 @!p0 $0x88, s6;
	s7 =	simm.s32 @p2 $0x1082  }
0x22: {  	[simem:s7], [sflag:s8] =	dma.local @!p0 [hbm:s6], $0xF7A  }
0x23: {  	s9 =	sor.u32 $0xD0000000, s2;
	s6 =	simm.s32 $0x108;
	_ =	swait.ge @!p0 [sflag:s8], $0x0  }
0x24: {  	s3 =	sadd.s32 $0x88, s3;
	s6 =	simm.s32 @!p1 $0x1082;
	[sflag:s4] =	ssyncset.s32 $0xFFFFF086  }
0x25: {  	[simem:s6], [sflag:s4] =	dma.local [hbm:s3], $0xF7A  }
0x26: {  	[smem:$0x3F9F] =	sst s1;
	(tag) =	ssettag s2;
	_ =	strace s9  }
0x27: {  	s1 =	sld [smem:$0x3FAF]  }
0x28: {  	s2 =	sld [smem:$0x3FB0]  }
0x29: {  	s4 =	sld [smem:$0x3FB2]  }
0x2a: {  	p0 =	seq.s32 s5, $0x0;
	s5 =	sld [smem:$0x3FB3]  }
0x2b: {  	s6 =	sld [smem:$0x3FB4]  }
0x2c: {  	s7 =	sld [smem:$0x3FB5]  }
0x2d: {  	s3 =	simm.s32 $0x108;
	s8 =	sld [smem:$0x3FB6]  }
0x2e: {  	s3 =	simm.s32 @!p0 $0x1082;
	s9 =	sld [smem:$0x3FB7]  }
0x2f: {  	lr =	sadd.s32 s0, s3;
	s0 =	sld [smem:$0x3FAE]  }
0x30: {  	s3 =	sld [smem:$0x3FB1]  }
0x31: {  	[smem:$0x3FBA] =	sst s10  }
0x32: {  	s10 =	sld [smem:$0x3FB8];
	_ =	sdelay $0x3  }
0x33: {  	p0 =	seq.s32 s10, $0x1;
	s10 =	sld [smem:$0x3FBA];
	_ =	sdelay $0x3  }
0x34: {  	[smem:$0x3FBA] =	sst s10  }
0x35: {  	s10 =	sld [smem:$0x3FB9];
	_ =	sdelay $0x3  }
0x36: {  	p1 =	seq.s32 s10, $0x1;
	s10 =	sld [smem:$0x3FBA];
	_ =	sdelay $0x3  }
0x37: {  	[smem:$0x3FBA] =	sst s10  }
0x38: {  	s10 =	sld [smem:$0x3FBB]  }
0x39: {  	_ = 	snop;
	(pc) =	sbr.ind lr, $3  }
0x3a: {  	_ = 	snop  }
0x3b: {  	_ = 	snop  }
0x3c: {  	p2 =	seq.s32 s10, $0x1;
	s10 =	sld [smem:$0x3FBA]  }
0x3d: {  	_ =	shalt  }
0x3e: {  	_ =	shalt  }
0x3f: {  	_ =	shalt  }
0x40: {  	_ =	shalt  }
0x41: {  	_ =	shalt  }
0x42: {  	_ =	shalt  }
0x43: {  	_ =	shalt  }
0x44: {  	_ =	shalt  }
0x45: {  	_ =	shalt  }
0x46: {  	_ =	shalt  }
0x47: {  	_ =	shalt  }
0x48: {  	_ =	shalt  }
0x49: {  	_ =	shalt  }
0x4a: {  	_ =	shalt  }
0x4b: {  	_ =	shalt  }
0x4c: {  	_ =	shalt  }
0x4d: {  	_ =	shalt  }
0x4e: {  	_ =	shalt  }
0x4f: {  	_ =	shalt  }
0x50: {  	_ =	shalt  }
0x51: {  	_ =	shalt  }
0x52: {  	_ =	shalt  }
0x53: {  	_ =	shalt  }
0x54: {  	_ =	shalt  }
0x55: {  	_ =	shalt  }
0x56: {  	_ =	shalt  }
0x57: {  	_ =	shalt  }
0x58: {  	_ =	shalt  }
0x59: {  	_ =	shalt  }
0x5a: {  	_ =	shalt  }
0x5b: {  	_ =	shalt  }
0x5c: {  	_ =	shalt  }
0x5d: {  	_ =	shalt  }
0x5e: {  	_ =	shalt  }
0x5f: {  	_ =	shalt  }
0x60: {  	_ =	shalt  }
0x61: {  	_ =	shalt  }
0x62: {  	_ =	shalt  }
0x63: {  	_ =	shalt  }
0x64: {  	_ =	shalt  }
0x65: {  	_ =	shalt  }
0x66: {  	_ =	shalt  }
0x67: {  	_ =	shalt  }
0x68: {  	_ =	shalt  }
0x69: {  	_ =	shalt  }
0x6a: {  	_ =	shalt  }
0x6b: {  	_ =	shalt  }
0x6c: {  	_ =	shalt  }
0x6d: {  	_ =	shalt  }
0x6e: {  	_ =	shalt  }
0x6f: {  	_ =	shalt  }
0x70: {  	_ =	shalt  }
0x71: {  	_ =	shalt  }
0x72: {  	_ =	shalt  }
0x73: {  	_ =	shalt  }
0x74: {  	_ =	shalt  }
0x75: {  	_ =	shalt  }
0x76: {  	_ =	shalt  }
0x77: {  	_ =	shalt  }
0x78: {  	_ =	shalt  }
0x79: {  	_ =	shalt  }
0x7a: {  	_ =	shalt  }
0x7b: {  	_ =	shalt  }
0x7c: {  	_ =	shalt  }
0x7d: {  	_ =	shalt  }
0x7e: {  	_ =	shalt  }
0x7f: {  	_ =	shalt  }
0x80: {  	_ =	shalt  }
0x81: {  	_ =	shalt  }
0x82: {  	_ =	shalt  }
0x83: {  	_ =	shalt  }
0x84: {  	_ =	shalt  }
0x85: {  	_ =	shalt  }
0x86: {  	_ =	shalt  }
0x87: {  	_ =	shalt  }
.Lfunc_end0:
.L_simem_size_0:
called_computation_lowered:
.L_overlay_start_0:
0x88: {  	s2 =	sld [smem:$0x3FD9]  }
0x89: {  	s3 =	sld [smem:$0x3FFE];
	_ =	sdelay $0x1  }
0x8a: {  	s1 =	srdreg.scid  }
0x8b: {  	s0 =	sand.u32 $0x1, s1  }
0x8c: {  	s14 =	sshll.u32 s0, $0xA;
	s2 =	sadd.s32 s3, s2  }
0x8d: {  	s2 =	sadd.s32 s2, s14  }
0x8e: {  	[smem:$0x3FC6] =	sst s2  }
0x8f: {  	_ = 	snop  }
0x90: {  	s2 =	sld [smem:$0x3FD0];
	_ =	sdelay $0x2  }
0x91: {  	s15 =	simm.s32 $0xA;
	s4 =	simm.s32 $0x10  }
0x92: {  	[smem:s4], [sflag:s15] =	dma.local [hbm:s2], $0x1  }
0x93: {  	_ =	swait.eq [sflag:s15], $0x1  }
0x94: {  	[sflag:s15] =	ssyncset.done $0x0  }
0x95: {  	s16 =	sld [smem:$0x12];
	[sflag:s15] =	ssyncadd.s32 $0xFFFFFFFF  }
0x96: {  	s17 =	sld [smem:$0x13];
	(tm) =	ssettm $0x1  }
0x97: {  	s18 =	sld [smem:$0x3FFB];
	_ =	sdelay $0x3  }
0x98: {  	_ =	strace s18  }
0x99: {  	s4 =	sld [smem:$0x3FFC];
	_ =	sdelay $0x3  }
0x9a: {  	_ =	strace s4  }
0x9b: {  	s4 =	sld [smem:$0x3FFD];
	_ =	sdelay $0x3  }
0x9c: {  	_ =	strace s4  }
0x9d: {  	_ =	strace $0x8FFFFFFF  }
0x9e: {  	s19 =	sld [smem:$0x3FDB];
	_ =	sdelay $0x1  }
0x9f: {  	s5 =	simm.s32 $_scs_section_size  }
0xa0: {  	s6 =	simm.s32 $_size__tile_overlayer_lowered;
	s7 =	simm.s32 $_tile_overlayer_lowered  }
0xa1: {  	s22 =	simm.s32 $0x1BFF;
	s21 =	sshll.u32 s7, $0x1;
	s4 =	sadd.s32 s5, s19  }
0xa2: {  	s8 =	simm.s32 $0x0;
	s20 =	sshll.u32 s6, $0x1;
	s6 =	sadd.s32 s21, s4  }
0xa3: {  	[timem:s8], [sflag:s22] =	dma.local [hbm:s6], s20  }
0xa4: {  	_ =	swait.ge [sflag:s22], s20  }
0xa5: {  	s5 =	ssub.s32 $0x0, s20;
	[sflag:s22] =	ssyncset.done $0x0  }
0xa6: {  	[sflag:s22] =	ssyncadd.s32 s5;
	_ =	sdelay $0x1  }
0xa7: {  	s23 =	simm.s32 $0x1B8B  }
0xa8: {  	_ =	swait.ge [sflag:s23], $0x1  }
0xa9: {  	[sflag:s23] =	ssyncset.done $0x0  }
0xaa: {  	s25 =	simm.s32 $0x1B8E;
	s24 =	sld [smem:$0x3FFE];
	[sflag:s23] =	ssyncadd.s32 $0xFFFFFFFF  }
0xab: {  	s26 =	simm.s32 $execute0_lowered;
	[smem:$0x3FD2] =	sst s25  }
0xac: {  	s6 =	sshll.u32 s26, $0x1;
	_ =	strace $0x80000046;
	[dreg:$0x1] =	wrdreg $0xFFFFFFFF  }
0xad: {  	s28 =	simm.s32 $_size_execute0_lowered;
	s4 =	sadd.s32 s4, s6;
	[dreg:$0x0] =	wrdreg $0x0  }
0xae: {  	s6 =	sshll.u32 s28, $0x1;
	[dreg:$0x2] =	wrdreg s4  }
0xaf: {  	[dreg:$0x3] =	wrdreg s6  }
0xb0: {  	[dreg:$0x4] =	wrdreg $0xC0  }
0xb1: {  	_ =	task [dreg:s8], $0x5FFFF  }
0xb2: {  	[dreg:$0x1] =	wrdreg $0xFFFFFFFF  }
0xb3: {  	[dreg:$0x0] =	wrdreg $0x60  }
0xb4: {  	[dreg:$0x2] =	wrdreg s24  }
0xb5: {  	[dreg:$0x3] =	wrdreg s17  }
0xb6: {  	[dreg:$0x4] =	wrdreg s16  }
0xb7: {  	[dreg:$0x5] =	wrdreg $0x9  }
0xb8: {  	_ =	task.clear_ibuf [dreg:s8], $0x6FFFF;
	_ =	strace $0x90000046  }
0xb9: {  	s29 =	simm.s32 $0x9;
	_ =	strace $0x80000048  }
0xba: {  	_ =	swait.ge [sflag:s29], $0x1  }
0xbb: {  	[sflag:s29] =	ssyncadd.s32 $0xFFFFFFFF  }
0xbc: {  	_ =	strace $0x90000048  }
0xbd: {  	_ =	sfence  }
0xbe: {  	s30 =	sld [smem:$0x0];
	_ =	sdelay $0x2  }
0xbf: {  	s31 =	sshll.u32 s1, $0xD;
	s1 =	sshrl.u32 s1, $0x2  }
0xc0: {  	s3 =	sand.u32 $0x4000, s31;
	s1 =	sadd.s32 s1, s30  }
0xc1: {  	s0 =	sor.u32 s3, s0;
	s1 =	sshll.u32 s1, $0x11  }
0xc2: {  	s0 =	sor.u32 s1, s0  }
0xc3: {  	s0 =	sadd.s32 $0x8F2B, s0  }
0xc4: {  	[sflag:s0] =	ssyncadd.remote.s32 $0x1  }
0xc5: {  	_ =	sfence.sel $0xFFFF  }
0xc6: {  	[dreg:$0x0] =	wrdreg $0xFFFFFFFF;
	(pc) =	sbr.abs _section_cstart, $3  }
0xc7: {  	[dreg:$0x1] =	wrdreg $0xFFFFFFFF  }
0xc8: {  	_ =	task.clear_ibuf [dreg:s8], $0x2FFFF;
	_ =	strace $0x9FFFFFFF  }
0xc9: {  	(tm) =	ssettm $0x7FFFFFFF  }
tec
execute0_lowered:
.L_overlay_start_1:
0x0: {  	(tag) =	ssettag $0x1  }
0x1: {  	s0 =	rddreg [dreg:$0x0]  }
0x2: {  	s2 =	rddreg [dreg:$0x1];
	s1 =	simm.s32 $0x0  }
0x3: {  	[smem:$0x7FF] =	sst s1  }
0x4: {  	s6 =	rddreg [dreg:$0x2];
	v0 =	vimm.f32 $-Inf;
	_ =	strace $0x80000047  }
0x5: {  	(xrf0) =	vmax.scan.msk.f32 $0xffff, v0;
	v0 =	vimm.s32 $0xFFFFFFFF  }
0x6: {  	(xrf0) =	vmin.scan.msk.u32 $0xffff, v0;
	_ =	sdelay $0x4  }
0x7: {  	v0, _, _ =	vpop (xrf0)  }
0x8: {  	v1, _, _ =	vpop (xrf0)  }
0x9: {  	(v2sf) =	vpush v1, $0xF;
	_ =	sdelay $0x6  }
0xa: {  	s3 =	srdreg.scid  }
0xb: {  	s4 =	stileid.u32;
	s18 =	simm.s32 $0x1;
	s19 =	simm.s32 $0x19380  }
0xc: {  	s20 =	simm.s32 $0x2;
	s21 =	simm.s32 $0x19400;
	s22 =	simm.s32 $0x18A80  }
0xd: {  	s23 =	simm.s32 $0x18F00;
	s3 =	sand.u32 $0x1, s3;
	s4 =	sshll.u32 s4, $0x1  }
0xe: {  	s24 =	simm.s32 $0x0;
	s4 =	sor.u32 s3, s4;
	s5 =	ssub.s32 $0x2, s3  }
0xf: {  	s3 =	sadd.s32 $0x187800, s0;
	s7 =	smul.u32 $0x61A80, s4;
	s30 =	sshrl.u32 s5, $0x1  }
.Ltmp0:
0x10: {  	s8 =	sshll.u32 s4, $0x2;
	s0 =	ssub.s32 s5, s30;
	(pc) =	sbr.rel .LBB2_1-.Ltmp0, $4  }
0x11: {  	vm0 =	vcmask $0x1B20;
	vm1 =	vcmask $0x704;
	v3 =	vlaneseq.u32;
	s4 =	sor.u32 $0x1, s8;
	s5 =	sadd.s32 s2, s8;
	s7 =	sshrl.u32 s7, $0x3  }
0x12: {  	vm2 =	vcmask $0xB08;
	vm3 =	vcmask $0xF0C;
	vm4 =	vcmask $0x1310;
	s6 =	sadd.s32 s6, s8;
	s7 =	sadd.s32 s3, s7;
	s31 =	spop (v2sf)  }
0x13: {  	vm5 =	vcmask $0x1714;
	vm6 =	vcmask $0x1B18;
	vm7 =	vcmask $0x1F1C;
	s8 =	smax.u32 s0, $0x1;
	s9 =	sadd.s32 $0x9C4, s7;
	s12 =	sxor.u32 $0x80000000, s31  }
0x14: {  	v4 =	vimm.s32 $0x0;
	s10 =	sadd.s32 $0x1388, s7;
	s11 =	sadd.s32 $0x1D4C, s7;
	s13 =	sadd.s32 $0x2710, s7;
	v1 =	vbroadcast v0, $0xF;
	v2 =	vmov s12  }
.LBB2_65:
0x15: {  	[hbm4b:s5+s1] =	stream.linear.scatter [tilespmem:s19], [sflag:$0x2], $0x20, $0x38;
	[tilespmem:$0x19480] =	vst v63  }
0x16: {  	s24 =	sadd.s32 $0x1, s24;
	_ =	swait.ge [sflag:s20], $0x20  }
0x17: {  	p0 =	sne.s32 s24, s8;
	[sflag:s20] =	ssyncset.done $0x0  }
.Ltmp1:
0x18: {  	[sflag:s20] =	ssyncadd.s32 $0xFFFFFFE0;
	(pc) =	sbr.rel @!p0 .LBB2_66-.Ltmp1, $4  }
0x19: {  	[hbm4b:s6+s1] =	stream.linear.scatter [tilespmem:s21], [sflag:$0x2], $0x20, $0x38;
	[tilespmem:$0x19480] =	vst v63  }
0x1a: {  	_ =	swait.ge [sflag:s20], $0x20  }
0x1b: {  	[sflag:s20] =	ssyncset.done $0x0  }
0x1c: {  	[sflag:s20] =	ssyncadd.s32 $0xFFFFFFE0  }
.LBB2_1:
0x1d: {  	[tilespmem:s1], [sflag:$0x1] =	stream.linear.gather [hbm4b:s7+s1], $0x4E20, $0x38;
	[tilespmem:$0x19480] =	vst v63  }
0x1e: {  	s0 =	simm.s32 $0x4E20  }
0x1f: {  	[tilespmem:s0], [sflag:$0x1] =	stream.linear.gather [hbm4b:s9+s1], $0x4E20, $0x38;
	[tilespmem:$0x19480] =	vst v63  }
0x20: {  	s29 =	simm.s32 $0x9C40  }
0x21: {  	[tilespmem:s29], [sflag:$0x1] =	stream.linear.gather [hbm4b:s10+s1], $0x4E20, $0x38;
	[tilespmem:$0x19480] =	vst v63  }
.Ltmp2:
0x22: {  	_ = 	snop;
	(pc) =	sbr.rel .LBB2_2-.Ltmp2, $4  }
0x23: {  	s30 =	simm.s32 $0xEA60  }
0x24: {  	[tilespmem:s30], [sflag:$0x1] =	stream.linear.gather [hbm4b:s11+s1], $0x4E20, $0x38;
	[tilespmem:$0x19480] =	vst v63  }
0x25: {  	s31 =	simm.s32 $0x13880;
	s25 =	simm.s32 $0x0  }
0x26: {  	[tilespmem:s31], [sflag:$0x1] =	stream.linear.gather [hbm4b:s13+s1], $0x4E20, $0x38;
	[tilespmem:$0x19480] =	vst v63  }
.LBB2_63:
0x27: {  	v10 =	vld [tilespmem:s0+$0x0];
	_ =	sdelay $0x3  }
0x28: {  	vm8 =	veq.s32 v9, v8  }
0x29: {  	v8 =	vsel vm8, $0xFF800000, v10  }
0x2a: {  	[tilespmem:s0+$0x0] =	vst v8  }
.LBB2_64:
0x2b: {  	s0 =	sshll.u32 s25, $0x3;
	s25 =	sadd.s32 $0x1, s25  }
0x2c: {  	p0 =	sne.s32 s25, $0x4  }
.Ltmp3:
0x2d: {  	_ = 	snop;
	(pc) =	sbr.rel @!p0 .LBB2_65-.Ltmp3, $4  }
0x2e: {  	v7 =	vbroadcast v7, $0xF;
	vm8 =	veq.s32 v3, $0x7  }
0x2f: {  	v5 =	vsel vm8, s14, v5  }
0x30: {  	v6 =	vsel vm7, v7, v6;
	[tilespmem:s0+$0x19400] =	vst.msk $0xff, v5  }
0x31: {  	[tilespmem:s0+$0x19380] =	vst.msk $0xff, v6  }
.LBB2_2:
0x32: {  	s0 =	simm.s32 $0x0;
	s2 =	simm.s32 $0x0  }
.LBB2_3:
0x33: {  	p0 =	sne.s32 s2, $0x1000  }
.Ltmp4:
0x34: {  	_ = 	snop;
	(pc) =	sbr.rel @p0 .LBB2_3-.Ltmp4, $3  }
0x35: {  	_ =	sdelay $0x1  }
0x36: {  	s14 =	sshra.s32 s2, $0x2;
	v5 =	vimm.f32 $-Inf  }
0x37: {  	s2 =	sadd.s32 $0x40, s2;
	[tilespmem:s14+$0x18A80] =	vst v5  }
0x38: {  	s2 =	simm.s32 $0xC0;
	s26 =	simm.s32 $0x0  }
.LBB2_5:
0x39: {  	_ =	swait.ge [sflag:s18], $0x4E20  }
0x3a: {  	[sflag:s18] =	ssyncset.done $0x0  }
0x3b: {  	p0 =	sne.s32 s26, $0x0;
	[sflag:s18] =	ssyncadd.s32 $0xFFFFB1E0  }
0x3c: {  	v6 =	vld @!p0 [tilespmem:$0x0]  }
0x3d: {  	v7 =	vimm.f32 @!p0 $0.0e+00;
	vm8 =	vcmask @!p0 $0x704  }
0x3e: {  	v7 =	vsel @!p0 vm8, $0xCE6E6B28, v7;
	vm8 =	vcmask @!p0 $0xB08  }
0x3f: {  	v7 =	vsel @!p0 vm8, $0xBF000000, v7;
	vm8 =	vcmask @!p0 $0xF0C  }
0x40: {  	v7 =	vsel @!p0 vm8, $0xBF800000, v7  }
0x41: {  	v6 =	vadd.f32 @!p0 v7, v6  }
0x42: {  	s14 =	smul.u32 $0xA, s26  }
0x43: {  	s28 =	simm.s32 $0x0;
	s29 =	smov.u32 s2;
	s30 =	smov.u32 s0;
	[tilespmem:$0x0] =	vst @!p0 v6  }
.LBB2_6:
0x44: {  	v6 =	vld [tilespmem:s29+$0xFFFFFF40]  }
0x45: {  	v7 =	vld [tilespmem:s29+$0xFFFFFF50]  }
0x46: {  	v8 =	vld [tilespmem:s29+$0xFFFFFF60]  }
0x47: {  	v9 =	vld [tilespmem:s29+$0xFFFFFF70]  }
0x48: {  	v10 =	vimm.f32 $-Inf;
	v11 =	vld [tilespmem:s29+$0xFFFFFF80]  }
0x49: {  	v6 =	vmax.f32 v10, v6;
	v10 =	vld [tilespmem:s29+$0xFFFFFF90]  }
0x4a: {  	s15 =	sadd.s32 $0x0, s30;
	v6 =	vmax.f32 v6, v7;
	v7 =	vld [tilespmem:s29+$0xFFFFFFA0]  }
0x4b: {  	s15 =	sand.u32 $0xFFFF0, s15;
	v6 =	vmax.f32 v6, v8;
	v8 =	vld [tilespmem:s29+$0xFFFFFFB0]  }
0x4c: {  	v6 =	vmax.f32 v6, v9;
	v9 =	vld [tilespmem:s15+$0x80]  }
0x4d: {  	v6 =	vmax.f32 v6, v11;
	v11 =	vld [tilespmem:s29+$0xFFFFFFD0]  }
0x4e: {  	v6 =	vmax.f32 v6, v10;
	v10 =	vld [tilespmem:s29+$0xFFFFFFE0]  }
0x4f: {  	v6 =	vmax.f32 v6, v7;
	v7 =	vld [tilespmem:s29+$0xFFFFFFF0]  }
0x50: {  	v6 =	vmax.f32 v6, v8;
	v8 =	vld [tilespmem:s29+$0x0]  }
0x51: {  	v6 =	vmax.f32 v6, v9;
	v9 =	vld [tilespmem:s29+$0x10]  }
0x52: {  	v6 =	vmax.f32 v6, v11;
	v11 =	vld [tilespmem:s29+$0x20]  }
0x53: {  	v6 =	vmax.f32 v6, v10;
	v10 =	vld [tilespmem:s29+$0x30]  }
0x54: {  	v6 =	vmax.f32 v6, v7;
	v7 =	vld [tilespmem:s15+$0x100]  }
0x55: {  	v6 =	vmax.f32 v6, v8;
	v8 =	vld [tilespmem:s29+$0x50]  }
0x56: {  	v6 =	vmax.f32 v6, v9;
	v9 =	vld [tilespmem:s29+$0x60]  }
0x57: {  	v6 =	vmax.f32 v6, v11;
	v11 =	vld [tilespmem:s29+$0x70]  }
0x58: {  	v12 =	vld [tilespmem:s29+$0x80];
	v6 =	vmax.f32 v6, v10  }
0x59: {  	v7 =	vmax.f32 v6, v7;
	v6 =	vld [tilespmem:s29+$0x90]  }
0x5a: {  	v8 =	vmax.f32 v7, v8;
	v7 =	vld [tilespmem:s29+$0xA0]  }
0x5b: {  	v9 =	vmax.f32 v8, v9;
	v8 =	vld [tilespmem:s29+$0xB0]  }
0x5c: {  	s31 =	sadd.s32 $0x190, s29;
	v11 =	vmax.f32 v9, v11;
	v9 =	vld [tilespmem:s15+$0x180]  }
0x5d: {  	s16 =	simm.s32 $0x320;
	v10 =	vld [tilespmem:s31+$0xFFFFFF40];
	s15 =	simm.s32 $0x190;
	v11 =	vmax.f32 v11, v12  }
.LBB2_7:
0x5e: {  	p0 =	sne.s32 s16, $0x640;
	v12 =	vld [tilespmem:s31+$0xFFFFFF50];
	v6 =	vmax.f32 v11, v6  }
0x5f: {  	v11 =	vld [tilespmem:s31+$0xFFFFFF60];
	v6 =	vmax.f32 v6, v7  }
0x60: {  	v7 =	vld [tilespmem:s31+$0xFFFFFF70];
	v6 =	vmax.f32 v6, v8  }
0x61: {  	v8 =	vld [tilespmem:s31+$0xFFFFFF80];
	v6 =	vmax.f32 v6, v9  }
0x62: {  	v6 =	vmax.f32 v6, v10;
	v9 =	vld [tilespmem:s31+$0xFFFFFF90]  }
0x63: {  	s17 =	sadd.s32 s15, s30;
	s15 =	smov.u32 s16;
	v6 =	vmax.f32 v6, v12;
	v10 =	vld [tilespmem:s31+$0xFFFFFFA0]  }
0x64: {  	s17 =	sand.u32 $0xFFFF0, s17;
	v6 =	vmax.f32 v6, v11;
	v11 =	vld [tilespmem:s31+$0xFFFFFFB0]  }
0x65: {  	v6 =	vmax.f32 v6, v7;
	v7 =	vld [tilespmem:s17+$0x80]  }
0x66: {  	v6 =	vmax.f32 v6, v8;
	v8 =	vld [tilespmem:s31+$0xFFFFFFD0]  }
0x67: {  	v6 =	vmax.f32 v6, v9;
	v9 =	vld [tilespmem:s31+$0xFFFFFFE0]  }
0x68: {  	v6 =	vmax.f32 v6, v10;
	v10 =	vld [tilespmem:s31+$0xFFFFFFF0]  }
0x69: {  	v6 =	vmax.f32 v6, v11;
	v11 =	vld [tilespmem:s31+$0x0]  }
0x6a: {  	v6 =	vmax.f32 v6, v7;
	v7 =	vld [tilespmem:s31+$0x10]  }
0x6b: {  	v6 =	vmax.f32 v6, v8;
	v8 =	vld [tilespmem:s31+$0x20]  }
0x6c: {  	v6 =	vmax.f32 v6, v9;
	v9 =	vld [tilespmem:s31+$0x30]  }
0x6d: {  	v6 =	vmax.f32 v6, v10;
	v10 =	vld [tilespmem:s17+$0x100]  }
0x6e: {  	v6 =	vmax.f32 v6, v11;
	v11 =	vld [tilespmem:s31+$0x50]  }
0x6f: {  	v6 =	vmax.f32 v6, v7;
	v12 =	vld [tilespmem:s31+$0x60]  }
0x70: {  	v6 =	vmax.f32 v6, v8;
	v13 =	vld [tilespmem:s31+$0x70]  }
0x71: {  	v6 =	vmax.f32 v6, v9;
	v14 =	vld [tilespmem:s31+$0x80]  }
.Ltmp5:
0x72: {  	v7 =	vmax.f32 v6, v10;
	v6 =	vld [tilespmem:s31+$0x90];
	(pc) =	sbr.rel @p0 .LBB2_7-.Ltmp5, $4  }
0x73: {  	v8 =	vmax.f32 v7, v11;
	v7 =	vld [tilespmem:s31+$0xA0]  }
0x74: {  	v9 =	vmax.f32 v8, v12;
	v8 =	vld [tilespmem:s31+$0xB0]  }
0x75: {  	s31 =	sadd.s32 $0x190, s31;
	v11 =	vmax.f32 v9, v13;
	v9 =	vld [tilespmem:s17+$0x180]  }
0x76: {  	s16 =	sadd.s32 $0x190, s16;
	v10 =	vld [tilespmem:s31+$0xFFFFFF40];
	v11 =	vmax.f32 v11, v14  }
0x77: {  	v12 =	vld [tilespmem:s31+$0xFFFFFF50];
	v6 =	vmax.f32 v11, v6  }
0x78: {  	v46 =	vld [tilespmem:s31+$0xFFFFFF60];
	v6 =	vmax.f32 v6, v7  }
0x79: {  	v7 =	vld [tilespmem:s31+$0xFFFFFF70];
	v6 =	vmax.f32 v6, v8  }
0x7a: {  	v47 =	vld [tilespmem:s31+$0xFFFFFF80];
	v6 =	vmax.f32 v6, v9  }
0x7b: {  	v48 =	vld [tilespmem:s31+$0xFFFFFF90];
	v6 =	vmax.f32 v6, v10  }
0x7c: {  	s15 =	sadd.s32 s15, s30;
	v49 =	vld [tilespmem:s31+$0xFFFFFFA0];
	v6 =	vmax.f32 v6, v12  }
0x7d: {  	v50 =	vld [tilespmem:s31+$0xFFFFFFB0];
	s15 =	sand.u32 $0xFFFF0, s15;
	v6 =	vmax.f32 v6, v46  }
0x7e: {  	v6 =	vmax.f32 v6, v7;
	v7 =	vld [tilespmem:s15+$0x80]  }
0x7f: {  	v51 =	vld [tilespmem:s31+$0xFFFFFFD0];
	v6 =	vmax.f32 v6, v47  }
0x80: {  	v52 =	vld [tilespmem:s31+$0xFFFFFFE0];
	v6 =	vmax.f32 v6, v48  }
0x81: {  	v53 =	vld [tilespmem:s31+$0xFFFFFFF0];
	v6 =	vmax.f32 v6, v49  }
0x82: {  	v54 =	vld [tilespmem:s31+$0x0];
	v6 =	vmax.f32 v6, v50  }
0x83: {  	v6 =	vmax.f32 v6, v7;
	v7 =	vld [tilespmem:s31+$0x10]  }
0x84: {  	v55 =	vld [tilespmem:s31+$0x20];
	v6 =	vmax.f32 v6, v51  }
0x85: {  	v56 =	vld [tilespmem:s31+$0x30];
	v6 =	vmax.f32 v6, v52  }
0x86: {  	v57 =	vld [tilespmem:s15+$0x100];
	v6 =	vmax.f32 v6, v53  }
0x87: {  	v58 =	vld [tilespmem:s31+$0x50];
	v6 =	vmax.f32 v6, v54  }
0x88: {  	v6 =	vmax.f32 v6, v7;
	v7 =	vld [tilespmem:s31+$0x60]  }
0x89: {  	v59 =	vld [tilespmem:s31+$0x70];
	v6 =	vmax.f32 v6, v55  }
0x8a: {  	v60 =	vld [tilespmem:s31+$0x80];
	v6 =	vmax.f32 v6, v56  }
0x8b: {  	v61 =	vld [tilespmem:s31+$0x90];
	v6 =	vmax.f32 v6, v57  }
0x8c: {  	v62 =	vld [tilespmem:s31+$0xA0];
	v6 =	vmax.f32 v6, v58  }
0x8d: {  	v6 =	vmax.f32 v6, v7;
	v7 =	vld [tilespmem:s31+$0xB0]  }
0x8e: {  	v63 =	vld [tilespmem:s15+$0x180];
	s31 =	sadd.s32 s14, s28;
	s28 =	sadd.s32 $0x1, s28;
	v6 =	vmax.f32 v6, v59  }
0x8f: {  	p0 =	sne.s32 s28, $0xA;
	v6 =	vmax.f32 v6, v60  }
.Ltmp6:
0x90: {  	v6 =	vmax.f32 v6, v61;
	(pc) =	sbr.rel @p0 .LBB2_6-.Ltmp6, $4  }
0x91: {  	v6 =	vmax.f32 v6, v62  }
0x92: {  	s15 =	sshll.u32 s31, $0x4;
	v6 =	vmax.f32 v6, v7  }
0x93: {  	s15 =	sand.u32 $0x3FFFFFF0, s15;
	v6 =	vmax.f32 v6, v63  }
0x94: {  	s30 =	sadd.s32 $0x7D0, s30;
	s29 =	sadd.s32 $0x7D0, s29;
	[tilespmem:s15+$0x18700] =	vst v6;
	v5 =	vmax.f32 v5, v6  }
0x95: {  	s26 =	sadd.s32 $0x1, s26  }
0x96: {  	p0 =	sne.s32 s26, $0x5  }
.Ltmp7:
0x97: {  	_ = 	snop;
	(pc) =	sbr.rel @p0 .LBB2_5-.Ltmp7, $2  }
0x98: {  	_ =	sdelay $0x2  }
0x99: {  	s0 =	sadd.s32 $0x4E20, s0;
	s2 =	sadd.s32 $0x4E20, s2  }
0x9a: {  	(xrf1) =	vsort.dscd.msk.f32 $0xffff, v5, v5;
	_ =	sdelay $0xd  }
0x9b: {  	v5, _, _ =	vpop (xrf1)  }
0x9c: {  	v5 =	vsel vm0, $0xFF800000, v5  }
0x9d: {  	(xrf0) =	vmax.scan.msk.f32 $0xffff, v5;
	_ =	sdelay $0x5  }
0x9e: {  	v5, _, _ =	vpop (xrf0)  }
0x9f: {  	(v2sf) =	vpush v5, $0xF;
	_ =	sdelay $0xa  }
.Ltmp8:
0xa0: {  	_ = 	snop;
	(pc) =	sbr.rel .LBB2_11-.Ltmp8, $3  }
0xa1: {  	_ =	sdelay $0x1  }
0xa2: {  	s28 =	simm.s32 $0x0  }
0xa3: {  	v6 =	vimm.s32 $0x0;
	s29 =	simm.s32 $0xC0;
	s30 =	simm.s32 $0x0;
	v5 =	vbroadcast v5, $0xF;
	s26 =	spop (v2sf)  }
.LBB2_13:
0xa4: {  	s30 =	sadd.s32 $0x1, s30  }
0xa5: {  	p0 =	sne.s32 s30, $0x32  }
.Ltmp9:
0xa6: {  	_ = 	snop;
	(pc) =	sbr.rel @!p0 .LBB2_14-.Ltmp9, $2  }
0xa7: {  	_ =	sdelay $0x2  }
0xa8: {  	s28 =	sadd.s32 $0x7D0, s28;
	s29 =	sadd.s32 $0x7D0, s29  }
.LBB2_11:
0xa9: {  	s0 =	sshll.u32 s30, $0x4  }
0xaa: {  	s0 =	sand.u32 $0x3FFFFFF0, s0  }
0xab: {  	v7 =	vld [tilespmem:s0+$0x18700];
	_ =	sdelay $0x4  }
0xac: {  	(xrf0) =	vmax.scan.msk.f32 $0xffff, v7;
	_ =	sdelay $0x5  }
0xad: {  	v7, _, _ =	vpop (xrf0)  }
0xae: {  	(v2sf) =	vpush v7, $0xF;
	_ =	sdelay $0xe  }
0xaf: {  	s17 =	spop (v2sf)  }
0xb0: {  	p0 =	sge.f32 s17, s26  }
.Ltmp10:
0xb1: {  	_ = 	snop;
	(pc) =	sbr.rel @!p0 .LBB2_13-.Ltmp10, $2  }
0xb2: {  	_ =	sdelay $0x2  }
0xb3: {  	s31 =	smov.u32 s29;
	s0 =	simm.s32 $0x0  }
.LBB2_12:
0xb4: {  	v7 =	vld [tilespmem:s31+$0xFFFFFF40];
	_ =	sdelay $0x4  }
0xb5: {  	vm8 =	vge.f32 v7, v5  }
0xb6: {  	v8 =	vmpcnt.ones.xlane vm8;
	_ =	sdelay $0x1  }
0xb7: {  	vm9 =	vlt.s32 v6, $0x400;
	vm8 =	vgt.s32 v8, $0x0  }
0xb8: {  	vm8 =	vmand vm9, vm8  }
0xb9: {  	v8 =	vadd.s32 v3, v6;
	_ =	sdelay $0x3  }
0xba: {  	s2 =	sadd.s32 s0, s28  }
0xbb: {  	v9 =	vor.u32 s2, v3;
	[tilespmem:v8+s22+$0x0] =	vst.idx.msk vm8, v7  }
0xbc: {  	[tilespmem:v8+s23+$0x0] =	vst.idx.msk vm8, v9  }
0xbd: {  	v7 =	vld [tilespmem:s31+$0xFFFFFF50];
	_ =	sdelay $0x4  }
0xbe: {  	vm12 =	vge.f32 v7, v5  }
0xbf: {  	v8 =	vsel vm8, $0x10, v4;
	v16 =	vmpcnt.ones.xlane vm12  }
0xc0: {  	v6 =	vadd.s32 v6, v8  }
0xc1: {  	vm13 =	vlt.s32 v6, $0x400;
	vm8 =	vgt.s32 v16, $0x0  }
0xc2: {  	vm8 =	vmand vm8, vm13  }
0xc3: {  	v8 =	vadd.s32 v3, v6;
	_ =	sdelay $0x3  }
0xc4: {  	s14 =	sadd.s32 $0x10, s2  }
0xc5: {  	v17 =	vor.u32 s14, v3;
	[tilespmem:v8+s22+$0x0] =	vst.idx.msk vm8, v7  }
0xc6: {  	[tilespmem:v8+s23+$0x0] =	vst.idx.msk vm8, v17  }
0xc7: {  	v7 =	vld [tilespmem:s31+$0xFFFFFF60];
	_ =	sdelay $0x4  }
0xc8: {  	vm14 =	vge.f32 v7, v5  }
0xc9: {  	v8 =	vsel vm8, $0x10, v4;
	v18 =	vmpcnt.ones.xlane vm14  }
0xca: {  	v6 =	vadd.s32 v6, v8  }
0xcb: {  	vm15 =	vlt.s32 v6, $0x400;
	vm8 =	vgt.s32 v18, $0x0  }
0xcc: {  	vm8 =	vmand vm8, vm15  }
0xcd: {  	v8 =	vadd.s32 v3, v6;
	_ =	sdelay $0x3  }
0xce: {  	s17 =	sadd.s32 $0x20, s2  }
0xcf: {  	v19 =	vor.u32 s17, v3;
	[tilespmem:v8+s22+$0x0] =	vst.idx.msk vm8, v7  }
0xd0: {  	[tilespmem:v8+s23+$0x0] =	vst.idx.msk vm8, v19  }
0xd1: {  	v7 =	vld [tilespmem:s31+$0xFFFFFF70];
	_ =	sdelay $0x4  }
0xd2: {  	vm12 =	vge.f32 v7, v5  }
0xd3: {  	v8 =	vsel vm8, $0x10, v4;
	v20 =	vmpcnt.ones.xlane vm12  }
0xd4: {  	v6 =	vadd.s32 v6, v8  }
0xd5: {  	vm13 =	vlt.s32 v6, $0x400;
	vm8 =	vgt.s32 v20, $0x0  }
0xd6: {  	vm8 =	vmand vm8, vm13  }
0xd7: {  	v8 =	vadd.s32 v3, v6;
	_ =	sdelay $0x3  }
0xd8: {  	s15 =	sadd.s32 $0x30, s2  }
0xd9: {  	v21 =	vor.u32 s15, v3;
	[tilespmem:v8+s22+$0x0] =	vst.idx.msk vm8, v7  }
0xda: {  	[tilespmem:v8+s23+$0x0] =	vst.idx.msk vm8, v21  }
0xdb: {  	v7 =	vld [tilespmem:s31+$0xFFFFFF80];
	_ =	sdelay $0x4  }
0xdc: {  	vm14 =	vge.f32 v7, v5  }
0xdd: {  	v8 =	vsel vm8, $0x10, v4;
	v22 =	vmpcnt.ones.xlane vm14  }
0xde: {  	v6 =	vadd.s32 v6, v8  }
0xdf: {  	vm15 =	vlt.s32 v6, $0x400;
	vm8 =	vgt.s32 v22, $0x0  }
0xe0: {  	vm8 =	vmand vm8, vm15  }
0xe1: {  	v8 =	vadd.s32 v3, v6;
	_ =	sdelay $0x3  }
0xe2: {  	s16 =	sadd.s32 $0x40, s2  }
0xe3: {  	v23 =	vor.u32 s16, v3;
	[tilespmem:v8+s22+$0x0] =	vst.idx.msk vm8, v7  }
0xe4: {  	[tilespmem:v8+s23+$0x0] =	vst.idx.msk vm8, v23  }
0xe5: {  	v7 =	vld [tilespmem:s31+$0xFFFFFF90];
	_ =	sdelay $0x4  }
0xe6: {  	vm12 =	vge.f32 v7, v5  }
0xe7: {  	v8 =	vsel vm8, $0x10, v4;
	v24 =	vmpcnt.ones.xlane vm12  }
0xe8: {  	v6 =	vadd.s32 v6, v8  }
0xe9: {  	vm13 =	vlt.s32 v6, $0x400;
	vm8 =	vgt.s32 v24, $0x0  }
0xea: {  	vm8 =	vmand vm8, vm13  }
0xeb: {  	v8 =	vadd.s32 v3, v6;
	_ =	sdelay $0x3  }
0xec: {  	s17 =	sadd.s32 $0x50, s2  }
0xed: {  	v25 =	vor.u32 s17, v3;
	[tilespmem:v8+s22+$0x0] =	vst.idx.msk vm8, v7  }
0xee: {  	[tilespmem:v8+s23+$0x0] =	vst.idx.msk vm8, v25  }
0xef: {  	v7 =	vld [tilespmem:s31+$0xFFFFFFA0];
	_ =	sdelay $0x4  }
0xf0: {  	vm14 =	vge.f32 v7, v5  }
0xf1: {  	v8 =	vsel vm8, $0x10, v4;
	v26 =	vmpcnt.ones.xlane vm14  }
0xf2: {  	v6 =	vadd.s32 v6, v8  }
0xf3: {  	vm15 =	vlt.s32 v6, $0x400;
	vm8 =	vgt.s32 v26, $0x0  }
0xf4: {  	vm8 =	vmand vm8, vm15  }
0xf5: {  	v8 =	vadd.s32 v3, v6;
	_ =	sdelay $0x3  }
0xf6: {  	s15 =	sadd.s32 $0x60, s2  }
0xf7: {  	v27 =	vor.u32 s15, v3;
	[tilespmem:v8+s22+$0x0] =	vst.idx.msk vm8, v7  }
0xf8: {  	[tilespmem:v8+s23+$0x0] =	vst.idx.msk vm8, v27  }
0xf9: {  	v7 =	vld [tilespmem:s31+$0xFFFFFFB0];
	_ =	sdelay $0x4  }
0xfa: {  	vm12 =	vge.f32 v7, v5  }
0xfb: {  	v8 =	vsel vm8, $0x10, v4;
	v28 =	vmpcnt.ones.xlane vm12  }
0xfc: {  	v6 =	vadd.s32 v6, v8  }
0xfd: {  	vm13 =	vlt.s32 v6, $0x400;
	vm8 =	vgt.s32 v28, $0x0  }
0xfe: {  	vm8 =	vmand vm8, vm13  }
0xff: {  	v8 =	vadd.s32 v3, v6;
	_ =	sdelay $0x3  }
0x100: {  	s16 =	sadd.s32 $0x70, s2;
	s15 =	sadd.s32 $0x80, s2  }
0x101: {  	s14 =	sand.u32 $0x70, s2;
	v29 =	vor.u32 s16, v3;
	s16 =	sand.u32 $0x7FF80, s15;
	[tilespmem:v8+s22+$0x0] =	vst.idx.msk vm8, v7  }
0x102: {  	s16 =	sor.u32 s14, s16;
	[tilespmem:v8+s23+$0x0] =	vst.idx.msk vm8, v29  }
0x103: {  	v7 =	vld [tilespmem:s16+$0x0];
	_ =	sdelay $0x4  }
0x104: {  	vm14 =	vge.f32 v7, v5  }
0x105: {  	v8 =	vsel vm8, $0x10, v4;
	v30 =	vmpcnt.ones.xlane vm14  }
0x106: {  	v6 =	vadd.s32 v6, v8  }
0x107: {  	vm15 =	vlt.s32 v6, $0x400;
	vm8 =	vgt.s32 v30, $0x0  }
0x108: {  	vm8 =	vmand vm8, vm15  }
0x109: {  	v8 =	vadd.s32 v3, v6;
	_ =	sdelay $0x4  }
0x10a: {  	v31 =	vor.u32 s15, v3;
	[tilespmem:v8+s22+$0x0] =	vst.idx.msk vm8, v7  }
0x10b: {  	[tilespmem:v8+s23+$0x0] =	vst.idx.msk vm8, v31  }
0x10c: {  	v7 =	vld [tilespmem:s31+$0xFFFFFFD0];
	_ =	sdelay $0x4  }
0x10d: {  	vm12 =	vge.f32 v7, v5  }
0x10e: {  	v8 =	vsel vm8, $0x10, v4;
	v32 =	vmpcnt.ones.xlane vm12  }
0x10f: {  	v6 =	vadd.s32 v6, v8  }
0x110: {  	vm13 =	vlt.s32 v6, $0x400;
	vm8 =	vgt.s32 v32, $0x0  }
0x111: {  	vm8 =	vmand vm8, vm13  }
0x112: {  	v8 =	vadd.s32 v3, v6;
	_ =	sdelay $0x3  }
0x113: {  	s17 =	sadd.s32 $0x90, s2  }
0x114: {  	v33 =	vor.u32 s17, v3;
	[tilespmem:v8+s22+$0x0] =	vst.idx.msk vm8, v7  }
0x115: {  	[tilespmem:v8+s23+$0x0] =	vst.idx.msk vm8, v33  }
0x116: {  	v7 =	vld [tilespmem:s31+$0xFFFFFFE0];
	_ =	sdelay $0x4  }
0x117: {  	vm14 =	vge.f32 v7, v5  }
0x118: {  	v8 =	vsel vm8, $0x10, v4;
	v34 =	vmpcnt.ones.xlane vm14  }
0x119: {  	v6 =	vadd.s32 v6, v8  }
0x11a: {  	vm15 =	vlt.s32 v6, $0x400;
	vm8 =	vgt.s32 v34, $0x0  }
0x11b: {  	vm8 =	vmand vm8, vm15  }
0x11c: {  	v8 =	vadd.s32 v3, v6;
	_ =	sdelay $0x3  }
0x11d: {  	s16 =	sadd.s32 $0xA0, s2  }
0x11e: {  	v35 =	vor.u32 s16, v3;
	[tilespmem:v8+s22+$0x0] =	vst.idx.msk vm8, v7  }
0x11f: {  	[tilespmem:v8+s23+$0x0] =	vst.idx.msk vm8, v35  }
0x120: {  	v7 =	vld [tilespmem:s31+$0xFFFFFFF0];
	_ =	sdelay $0x4  }
0x121: {  	vm12 =	vge.f32 v7, v5  }
0x122: {  	v8 =	vsel vm8, $0x10, v4;
	v36 =	vmpcnt.ones.xlane vm12  }
0x123: {  	v6 =	vadd.s32 v6, v8  }
0x124: {  	vm13 =	vlt.s32 v6, $0x400;
	vm8 =	vgt.s32 v36, $0x0  }
0x125: {  	vm8 =	vmand vm8, vm13  }
0x126: {  	v8 =	vadd.s32 v3, v6;
	_ =	sdelay $0x3  }
0x127: {  	s17 =	sadd.s32 $0xB0, s2  }
0x128: {  	v37 =	vor.u32 s17, v3;
	[tilespmem:v8+s22+$0x0] =	vst.idx.msk vm8, v7  }
0x129: {  	[tilespmem:v8+s23+$0x0] =	vst.idx.msk vm8, v37  }
0x12a: {  	v7 =	vld [tilespmem:s31+$0x0];
	_ =	sdelay $0x4  }
0x12b: {  	vm14 =	vge.f32 v7, v5  }
0x12c: {  	v8 =	vsel vm8, $0x10, v4;
	v38 =	vmpcnt.ones.xlane vm14  }
0x12d: {  	v6 =	vadd.s32 v6, v8  }
0x12e: {  	vm15 =	vlt.s32 v6, $0x400;
	vm8 =	vgt.s32 v38, $0x0  }
0x12f: {  	vm8 =	vmand vm8, vm15  }
0x130: {  	v8 =	vadd.s32 v3, v6;
	_ =	sdelay $0x3  }
0x131: {  	s16 =	sadd.s32 $0xC0, s2  }
0x132: {  	v39 =	vor.u32 s16, v3;
	[tilespmem:v8+s22+$0x0] =	vst.idx.msk vm8, v7  }
0x133: {  	[tilespmem:v8+s23+$0x0] =	vst.idx.msk vm8, v39  }
0x134: {  	v7 =	vld [tilespmem:s31+$0x10];
	_ =	sdelay $0x4  }
0x135: {  	vm12 =	vge.f32 v7, v5  }
0x136: {  	v8 =	vsel vm8, $0x10, v4;
	v40 =	vmpcnt.ones.xlane vm12  }
0x137: {  	v6 =	vadd.s32 v6, v8  }
0x138: {  	vm13 =	vlt.s32 v6, $0x400;
	vm8 =	vgt.s32 v40, $0x0  }
0x139: {  	vm8 =	vmand vm8, vm13  }
0x13a: {  	v8 =	vadd.s32 v3, v6;
	_ =	sdelay $0x3  }
0x13b: {  	s17 =	sadd.s32 $0xD0, s2  }
0x13c: {  	v41 =	vor.u32 s17, v3;
	[tilespmem:v8+s22+$0x0] =	vst.idx.msk vm8, v7  }
0x13d: {  	[tilespmem:v8+s23+$0x0] =	vst.idx.msk vm8, v41  }
0x13e: {  	v7 =	vld [tilespmem:s31+$0x20];
	_ =	sdelay $0x4  }
0x13f: {  	vm14 =	vge.f32 v7, v5  }
0x140: {  	v8 =	vsel vm8, $0x10, v4;
	v42 =	vmpcnt.ones.xlane vm14  }
0x141: {  	v6 =	vadd.s32 v6, v8  }
0x142: {  	vm15 =	vlt.s32 v6, $0x400;
	vm8 =	vgt.s32 v42, $0x0  }
0x143: {  	vm8 =	vmand vm8, vm15  }
0x144: {  	v8 =	vadd.s32 v3, v6;
	_ =	sdelay $0x3  }
0x145: {  	s16 =	sadd.s32 $0xE0, s2  }
0x146: {  	v43 =	vor.u32 s16, v3;
	[tilespmem:v8+s22+$0x0] =	vst.idx.msk vm8, v7  }
0x147: {  	[tilespmem:v8+s23+$0x0] =	vst.idx.msk vm8, v43  }
0x148: {  	v7 =	vld [tilespmem:s31+$0x30];
	_ =	sdelay $0x4  }
0x149: {  	vm12 =	vge.f32 v7, v5  }
0x14a: {  	v8 =	vsel vm8, $0x10, v4;
	v44 =	vmpcnt.ones.xlane vm12  }
0x14b: {  	v6 =	vadd.s32 v6, v8  }
0x14c: {  	vm13 =	vlt.s32 v6, $0x400;
	vm8 =	vgt.s32 v44, $0x0  }
0x14d: {  	vm8 =	vmand vm8, vm13  }
0x14e: {  	v8 =	vadd.s32 v3, v6;
	_ =	sdelay $0x3  }
0x14f: {  	s17 =	sadd.s32 $0xF0, s2;
	s16 =	sadd.s32 $0x100, s2  }
0x150: {  	v45 =	vor.u32 s17, v3;
	s17 =	sand.u32 $0x7FF80, s16;
	[tilespmem:v8+s22+$0x0] =	vst.idx.msk vm8, v7  }
0x151: {  	s15 =	sor.u32 s14, s17;
	[tilespmem:v8+s23+$0x0] =	vst.idx.msk vm8, v45  }
0x152: {  	v7 =	vld [tilespmem:s15+$0x0];
	_ =	sdelay $0x4  }
0x153: {  	vm14 =	vge.f32 v7, v5  }
0x154: {  	v8 =	vsel vm8, $0x10, v4;
	v46 =	vmpcnt.ones.xlane vm14  }
0x155: {  	v6 =	vadd.s32 v6, v8  }
0x156: {  	vm15 =	vlt.s32 v6, $0x400;
	vm8 =	vgt.s32 v46, $0x0  }
0x157: {  	vm8 =	vmand vm8, vm15  }
0x158: {  	v8 =	vadd.s32 v3, v6;
	_ =	sdelay $0x4  }
0x159: {  	v47 =	vor.u32 s16, v3;
	[tilespmem:v8+s22+$0x0] =	vst.idx.msk vm8, v7  }
0x15a: {  	[tilespmem:v8+s23+$0x0] =	vst.idx.msk vm8, v47  }
0x15b: {  	v7 =	vld [tilespmem:s31+$0x50];
	_ =	sdelay $0x4  }
0x15c: {  	vm12 =	vge.f32 v7, v5  }
0x15d: {  	v8 =	vsel vm8, $0x10, v4;
	v48 =	vmpcnt.ones.xlane vm12  }
0x15e: {  	v6 =	vadd.s32 v6, v8  }
0x15f: {  	vm13 =	vlt.s32 v6, $0x400;
	vm8 =	vgt.s32 v48, $0x0  }
0x160: {  	vm8 =	vmand vm8, vm13  }
0x161: {  	v8 =	vadd.s32 v3, v6;
	_ =	sdelay $0x3  }
0x162: {  	s16 =	sadd.s32 $0x110, s2  }
0x163: {  	v49 =	vor.u32 s16, v3;
	[tilespmem:v8+s22+$0x0] =	vst.idx.msk vm8, v7  }
0x164: {  	[tilespmem:v8+s23+$0x0] =	vst.idx.msk vm8, v49  }
0x165: {  	v7 =	vld [tilespmem:s31+$0x60];
	_ =	sdelay $0x4  }
0x166: {  	vm14 =	vge.f32 v7, v5  }
0x167: {  	v8 =	vsel vm8, $0x10, v4;
	v50 =	vmpcnt.ones.xlane vm14  }
0x168: {  	v6 =	vadd.s32 v6, v8  }
0x169: {  	vm15 =	vlt.s32 v6, $0x400;
	vm8 =	vgt.s32 v50, $0x0  }
0x16a: {  	vm8 =	vmand vm8, vm15  }
0x16b: {  	v8 =	vadd.s32 v3, v6;
	_ =	sdelay $0x3  }
0x16c: {  	s17 =	sadd.s32 $0x120, s2  }
0x16d: {  	v51 =	vor.u32 s17, v3;
	[tilespmem:v8+s22+$0x0] =	vst.idx.msk vm8, v7  }
0x16e: {  	[tilespmem:v8+s23+$0x0] =	vst.idx.msk vm8, v51  }
0x16f: {  	v7 =	vld [tilespmem:s31+$0x70];
	_ =	sdelay $0x4  }
0x170: {  	vm12 =	vge.f32 v7, v5  }
0x171: {  	v8 =	vsel vm8, $0x10, v4;
	v52 =	vmpcnt.ones.xlane vm12  }
0x172: {  	v6 =	vadd.s32 v6, v8  }
0x173: {  	vm13 =	vlt.s32 v6, $0x400;
	vm8 =	vgt.s32 v52, $0x0  }
0x174: {  	vm8 =	vmand vm8, vm13  }
0x175: {  	v8 =	vadd.s32 v3, v6;
	_ =	sdelay $0x3  }
0x176: {  	s16 =	sadd.s32 $0x130, s2  }
0x177: {  	v53 =	vor.u32 s16, v3;
	[tilespmem:v8+s22+$0x0] =	vst.idx.msk vm8, v7  }
0x178: {  	[tilespmem:v8+s23+$0x0] =	vst.idx.msk vm8, v53  }
0x179: {  	v7 =	vld [tilespmem:s31+$0x80];
	_ =	sdelay $0x4  }
0x17a: {  	vm14 =	vge.f32 v7, v5  }
0x17b: {  	v8 =	vsel vm8, $0x10, v4;
	v54 =	vmpcnt.ones.xlane vm14  }
0x17c: {  	v6 =	vadd.s32 v6, v8  }
0x17d: {  	vm15 =	vlt.s32 v6, $0x400;
	vm8 =	vgt.s32 v54, $0x0  }
0x17e: {  	vm8 =	vmand vm8, vm15  }
0x17f: {  	v8 =	vadd.s32 v3, v6;
	_ =	sdelay $0x3  }
0x180: {  	s17 =	sadd.s32 $0x140, s2  }
0x181: {  	v55 =	vor.u32 s17, v3;
	[tilespmem:v8+s22+$0x0] =	vst.idx.msk vm8, v7  }
0x182: {  	[tilespmem:v8+s23+$0x0] =	vst.idx.msk vm8, v55  }
0x183: {  	v7 =	vld [tilespmem:s31+$0x90];
	_ =	sdelay $0x4  }
0x184: {  	vm12 =	vge.f32 v7, v5  }
0x185: {  	v8 =	vsel vm8, $0x10, v4;
	v56 =	vmpcnt.ones.xlane vm12  }
0x186: {  	v6 =	vadd.s32 v6, v8  }
0x187: {  	vm13 =	vlt.s32 v6, $0x400;
	vm8 =	vgt.s32 v56, $0x0  }
0x188: {  	vm8 =	vmand vm8, vm13  }
0x189: {  	v8 =	vadd.s32 v3, v6;
	_ =	sdelay $0x3  }
0x18a: {  	s16 =	sadd.s32 $0x150, s2  }
0x18b: {  	v57 =	vor.u32 s16, v3;
	[tilespmem:v8+s22+$0x0] =	vst.idx.msk vm8, v7  }
0x18c: {  	[tilespmem:v8+s23+$0x0] =	vst.idx.msk vm8, v57  }
0x18d: {  	v7 =	vld [tilespmem:s31+$0xA0];
	_ =	sdelay $0x4  }
0x18e: {  	vm14 =	vge.f32 v7, v5  }
0x18f: {  	v8 =	vsel vm8, $0x10, v4;
	v58 =	vmpcnt.ones.xlane vm14  }
0x190: {  	v6 =	vadd.s32 v6, v8  }
0x191: {  	vm15 =	vlt.s32 v6, $0x400;
	vm8 =	vgt.s32 v58, $0x0  }
0x192: {  	vm8 =	vmand vm8, vm15  }
0x193: {  	v8 =	vadd.s32 v3, v6;
	_ =	sdelay $0x3  }
0x194: {  	s17 =	sadd.s32 $0x160, s2  }
0x195: {  	v59 =	vor.u32 s17, v3;
	[tilespmem:v8+s22+$0x0] =	vst.idx.msk vm8, v7  }
0x196: {  	[tilespmem:v8+s23+$0x0] =	vst.idx.msk vm8, v59  }
0x197: {  	v7 =	vld [tilespmem:s31+$0xB0];
	_ =	sdelay $0x4  }
0x198: {  	vm12 =	vge.f32 v7, v5  }
0x199: {  	v8 =	vsel vm8, $0x10, v4;
	v60 =	vmpcnt.ones.xlane vm12  }
0x19a: {  	v6 =	vadd.s32 v6, v8  }
0x19b: {  	vm13 =	vlt.s32 v6, $0x400;
	vm8 =	vgt.s32 v60, $0x0  }
0x19c: {  	vm8 =	vmand vm8, vm13  }
0x19d: {  	v8 =	vadd.s32 v3, v6;
	_ =	sdelay $0x3  }
0x19e: {  	s16 =	sadd.s32 $0x170, s2;
	s2 =	sadd.s32 $0x180, s2  }
0x19f: {  	v61 =	vor.u32 s16, v3;
	s17 =	sand.u32 $0x7FF80, s2;
	[tilespmem:v8+s22+$0x0] =	vst.idx.msk vm8, v7  }
0x1a0: {  	s14 =	sor.u32 s14, s17;
	[tilespmem:v8+s23+$0x0] =	vst.idx.msk vm8, v61  }
0x1a1: {  	v7 =	vld [tilespmem:s14+$0x0];
	_ =	sdelay $0x4  }
0x1a2: {  	vm14 =	vge.f32 v7, v5  }
0x1a3: {  	v8 =	vsel vm8, $0x10, v4;
	v62 =	vmpcnt.ones.xlane vm14  }
0x1a4: {  	v6 =	vadd.s32 v6, v8  }
0x1a5: {  	vm15 =	vlt.s32 v6, $0x400;
	vm8 =	vgt.s32 v62, $0x0  }
0x1a6: {  	vm8 =	vmand vm8, vm15  }
0x1a7: {  	v8 =	vadd.s32 v3, v6  }
0x1a8: {  	p0 =	sne.s32 s0, $0x640  }
.Ltmp11:
0x1a9: {  	_ = 	snop;
	(pc) =	sbr.rel @p0 .LBB2_12-.Ltmp11, $3  }
0x1aa: {  	_ =	sdelay $0x1  }
0x1ab: {  	v63 =	vor.u32 s2, v3;
	[tilespmem:v8+s22+$0x0] =	vst.idx.msk vm8, v7;
	v7 =	vsel vm8, $0x10, v4  }
0x1ac: {  	s0 =	sadd.s32 $0x190, s0;
	s31 =	sadd.s32 $0x190, s31;
	[tilespmem:v8+s23+$0x0] =	vst.idx.msk vm8, v63;
	v6 =	vadd.s32 v6, v7  }
.Ltmp12:
0x1ad: {  	_ = 	snop;
	(pc) =	sbr.rel .LBB2_13-.Ltmp12, $1  }
0x1ae: {  	_ =	sdelay $0x3  }
.LBB2_14:
0x1af: {  	v5 =	vxor.u32 $0x80000000, v6  }
0x1b0: {  	(xrf0) =	vmax.scan.msk.u32 $0xffff, v5;
	_ =	sdelay $0x5  }
0x1b1: {  	v5, _, _ =	vpop (xrf0)  }
0x1b2: {  	p0 =	seq.s32 s25, $0x3;
	(v2sf) =	vpush v5, $0xF  }
0x1b3: {  	s0 =	sadd.s32 @!p0 s25, s4  }
0x1b4: {  	s0 =	smul.u32 @!p0 $0x186A0, s0;
	_ =	sdelay $0x1  }
0x1b5: {  	s0 =	sshrl.u32 @!p0 s0, $0x3  }
0x1b6: {  	s2 =	simm.s32 @!p0 $0x0;
	s0 =	sadd.s32 @!p0 s3, s0  }
0x1b7: {  	[tilespmem:s2], [sflag:$0x1] =	stream.linear.gather @!p0 [hbm4b:s0+s2], $0x4E20, $0x38;
	[tilespmem:$0x19480] =	vst v63  }
0x1b8: {  	s15 =	simm.s32 @!p0 $0x4E20;
	s14 =	sadd.s32 @!p0 $0x9C4, s0  }
0x1b9: {  	[tilespmem:s15], [sflag:$0x1] =	stream.linear.gather @!p0 [hbm4b:s14+s2], $0x4E20, $0x38;
	[tilespmem:$0x19480] =	vst v63  }
0x1ba: {  	s14 =	sadd.s32 @!p0 $0x1388, s0;
	s15 =	simm.s32 @!p0 $0x9C40  }
0x1bb: {  	[tilespmem:s15], [sflag:$0x1] =	stream.linear.gather @!p0 [hbm4b:s14+s2], $0x4E20, $0x38;
	[tilespmem:$0x19480] =	vst v63  }
0x1bc: {  	s14 =	sadd.s32 @!p0 $0x1D4C, s0;
	s15 =	simm.s32 @!p0 $0xEA60  }
0x1bd: {  	[tilespmem:s15], [sflag:$0x1] =	stream.linear.gather @!p0 [hbm4b:s14+s2], $0x4E20, $0x38;
	[tilespmem:$0x19480] =	vst v63  }
0x1be: {  	s0 =	sadd.s32 @!p0 $0x2710, s0;
	s14 =	simm.s32 @!p0 $0x13880  }
0x1bf: {  	[tilespmem:s14], [sflag:$0x1] =	stream.linear.gather @!p0 [hbm4b:s0+s2], $0x4E20, $0x38;
	[tilespmem:$0x19480] =	vst v63  }
0x1c0: {  	s28 =	spop (v2sf)  }
0x1c1: {  	s0 =	sxor.u32 $0x80000000, s28  }
0x1c2: {  	p0 =	slt.s32 s0, $0x400  }
0x1c3: {  	p1 =	slt.s32 s0, $0xFFFFFFF2;
	s0 =	simm.s32 @!p0 $0x400  }
0x1c4: {  	s0 =	sadd.s32 $0xF, s0  }
0x1c5: {  	s29 =	sand.u32 $0xF, s0  }
0x1c6: {  	s30 =	sshra.s32 s0, $0x1F;
	p6 =	sne.s32 s29, $0x0  }
0x1c7: {  	s31 =	sshrl.u32 s30, $0x1C;
	p0 =	por !p1, !p6  }
0x1c8: {  	s2 =	simm.s32 $0x1;
	s0 =	sadd.s32 s31, s0;
	p0 =	por !p0, !p0  }
0x1c9: {  	s0 =	sshra.s32 s0, $0x4;
	s2 =	simm.s32 @!p0 $0x0  }
0x1ca: {  	s26 =	ssub.s32 s0, s2  }
0x1cb: {  	p0 =	slt.s32 s26, $0x1  }
.Ltmp13:
0x1cc: {  	_ = 	snop;
	(pc) =	sbr.rel @p0 .LBB2_64-.Ltmp13, $2  }
0x1cd: {  	_ =	sdelay $0x2  }
0x1ce: {  	v6 =	vmov v1;
	v7 =	vmov v0;
	v5 =	vmov v2;
	s14 =	smov.u32 s12  }
0x1cf: {  	p0 =	sne.s32 s26, $0x1  }
.Ltmp14:
0x1d0: {  	_ = 	snop;
	(pc) =	sbr.rel @!p0 .LBB2_17-.Ltmp14, $3  }
0x1d1: {  	_ =	sdelay $0x1  }
0x1d2: {  	s0 =	simm.s32 $0x18A80  }
0x1d3: {  	v5 =	vimm.f32 $-Inf;
	s2 =	sadd.s32 $0xFFFFFFFF, s26;
	s14 =	simm.s32 $0x18A80;
	v6 =	vld [tilespmem:s0+$0x0]  }
.LBB2_16:
0x1d4: {  	p1 =	sne.s32 s2, $0x1  }
.Ltmp15:
0x1d5: {  	_ = 	snop;
	(pc) =	sbr.rel @p1 .LBB2_16-.Ltmp15, $3  }
0x1d6: {  	_ =	sdelay $0x1  }
0x1d7: {  	s2 =	sadd.s32 $0xFFFFFFFF, s2;
	s14 =	sadd.s32 $0x10, s14;
	v5 =	vmax.f32 v5, v6  }
0x1d8: {  	v6 =	vld [tilespmem:s14+$0x0]  }
.LBB2_17:
0x1d9: {  	_ =	sdelay $0x3  }
0x1da: {  	v5 =	vmax.f32 v5, v6  }
0x1db: {  	(xrf0) =	vmax.scan.msk.f32 $0xffff, v5;
	_ =	sdelay $0x3  }
0x1dc: {  	v8 =	vld [tilespmem:s0+$0x0];
	s0 =	simm.s32 $0x18F00  }
.Ltmp16:
0x1dd: {  	v7 =	vld [tilespmem:s0+$0x0];
	(pc) =	sbr.rel @!p0 .LBB2_19-.Ltmp16, $3  }
0x1de: {  	v5, _, _ =	vpop (xrf0)  }
0x1df: {  	v5 =	vbroadcast v5, $0xF;
	_ =	sdelay $0x1  }
0x1e0: {  	s2 =	sadd.s32 $0xFFFFFFFF, s26;
	s14 =	simm.s32 $0x18A90;
	s15 =	simm.s32 $0x18F00;
	v6 =	vimm.s32 $0x7FFFFFFF;
	vm8 =	veq.f32 v8, v5  }
.LBB2_18:
0x1e1: {  	v8 =	vld [tilespmem:s14+$0x0];
	p1 =	sne.s32 s2, $0x1;
	s2 =	sadd.s32 $0xFFFFFFFF, s2;
	v9 =	vnsel vm8, $0x7FFFFFFF, v7;
	s15 =	sadd.s32 $0x10, s15  }
.Ltmp17:
0x1e2: {  	v7 =	vld [tilespmem:s15+$0x0];
	vm8 =	vlt.s32 v6, v9;
	(pc) =	sbr.rel @p1 .LBB2_18-.Ltmp17, $2  }
0x1e3: {  	v6 =	vsel vm8, v6, v9;
	_ =	sdelay $0x2  }
0x1e4: {  	s14 =	sadd.s32 $0x10, s14;
	vm8 =	veq.f32 v8, v5  }
.LBB2_19:
0x1e5: {  	v7 =	vnsel vm8, $0x7FFFFFFF, v7  }
0x1e6: {  	vm8 =	vlt.s32 v6, v7  }
0x1e7: {  	v6 =	vsel vm8, v6, v7  }
0x1e8: {  	v6 =	vxor.u32 $0x80000000, v6  }
0x1e9: {  	(xrf0) =	vmin.scan.msk.u32 $0xffff, v6;
	_ =	sdelay $0x5  }
0x1ea: {  	v6, _, _ =	vpop (xrf0)  }
0x1eb: {  	(v2sf) =	vpush v6, $0xF;
	_ =	sdelay $0xc  }
.Ltmp18:
0x1ec: {  	_ = 	snop;
	(pc) =	sbr.rel @!p0 .LBB2_21-.Ltmp18, $4  }
0x1ed: {  	_ = 	snop  }
0x1ee: {  	s2 =	spop (v2sf)  }
0x1ef: {  	s2 =	sxor.u32 $0x80000000, s2  }
0x1f0: {  	s15 =	sadd.s32 $0xFFFFFFFF, s26;
	s14 =	simm.s32 $0x18A80;
	v7 =	vld [tilespmem:s0+$0x0];
	v6 =	vmov s2;
	s2 =	simm.s32 $0x18A80  }
.LBB2_20:
0x1f1: {  	p1 =	sne.s32 s15, $0x1;
	v8 =	vld [tilespmem:s14+$0x0];
	_ =	sdelay $0x2  }
.Ltmp19:
0x1f2: {  	(pc) =	sbr.rel @p1 .LBB2_20-.Ltmp19, $4  }
0x1f3: {  	vm8 =	veq.s32 v7, v6  }
0x1f4: {  	v7 =	vsel vm8, $0xFF800000, v8  }
0x1f5: {  	s0 =	sadd.s32 $0x10, s0;
	[tilespmem:s14+$0x0] =	vst v7  }
0x1f6: {  	s15 =	sadd.s32 $0xFFFFFFFF, s15;
	s14 =	sadd.s32 $0x10, s14;
	v7 =	vld [tilespmem:s0+$0x0]  }
.LBB2_21:
0x1f7: {  	v8 =	vld [tilespmem:s14+$0x0];
	_ =	sdelay $0x2  }
.Ltmp20:
0x1f8: {  	_ = 	snop;
	(pc) =	sbr.rel @!p0 .LBB2_23-.Ltmp20, $4  }
0x1f9: {  	vm8 =	veq.s32 v7, v6  }
0x1fa: {  	v7 =	vsel vm8, $0xFF800000, v8  }
0x1fb: {  	[tilespmem:s14+$0x0] =	vst v7  }
0x1fc: {  	s0 =	sadd.s32 $0xFFFFFFFF, s26;
	v7 =	vimm.f32 $-Inf;
	v8 =	vld [tilespmem:s2+$0x0]  }
.LBB2_22:
0x1fd: {  	p1 =	sne.s32 s0, $0x1  }
.Ltmp21:
0x1fe: {  	_ = 	snop;
	(pc) =	sbr.rel @p1 .LBB2_22-.Ltmp21, $3  }
0x1ff: {  	_ =	sdelay $0x1  }
0x200: {  	s0 =	sadd.s32 $0xFFFFFFFF, s0;
	s2 =	sadd.s32 $0x10, s2;
	v7 =	vmax.f32 v7, v8  }
0x201: {  	v8 =	vld [tilespmem:s2+$0x0]  }
.LBB2_23:
0x202: {  	_ =	sdelay $0x3  }
0x203: {  	v7 =	vmax.f32 v7, v8  }
0x204: {  	(xrf0) =	vmax.scan.msk.f32 $0xffff, v7;
	_ =	sdelay $0x2  }
0x205: {  	s0 =	simm.s32 $0x18A80  }
0x206: {  	s2 =	simm.s32 $0x18F00;
	v10 =	vld [tilespmem:s0+$0x0]  }
.Ltmp22:
0x207: {  	v9 =	vld [tilespmem:s2+$0x0];
	(pc) =	sbr.rel @!p0 .LBB2_25-.Ltmp22, $3  }
0x208: {  	v7, _, _ =	vpop (xrf0)  }
0x209: {  	v7 =	vbroadcast v7, $0xF;
	_ =	sdelay $0x1  }
0x20a: {  	s14 =	sadd.s32 $0xFFFFFFFF, s26;
	s15 =	simm.s32 $0x18A90;
	s16 =	simm.s32 $0x18F00;
	v8 =	vimm.s32 $0x7FFFFFFF;
	vm8 =	veq.f32 v10, v7  }
.LBB2_24:
0x20b: {  	v10 =	vld [tilespmem:s15+$0x0];
	p1 =	sne.s32 s14, $0x1;
	s14 =	sadd.s32 $0xFFFFFFFF, s14;
	v11 =	vnsel vm8, $0x7FFFFFFF, v9;
	s16 =	sadd.s32 $0x10, s16  }
.Ltmp23:
0x20c: {  	v9 =	vld [tilespmem:s16+$0x0];
	vm8 =	vlt.s32 v8, v11;
	(pc) =	sbr.rel @p1 .LBB2_24-.Ltmp23, $2  }
0x20d: {  	v8 =	vsel vm8, v8, v11;
	_ =	sdelay $0x2  }
0x20e: {  	s15 =	sadd.s32 $0x10, s15;
	vm8 =	veq.f32 v10, v7  }
.LBB2_25:
0x20f: {  	v9 =	vnsel vm8, $0x7FFFFFFF, v9  }
0x210: {  	vm8 =	vlt.s32 v8, v9  }
0x211: {  	v8 =	vsel vm8, v8, v9  }
0x212: {  	v8 =	vxor.u32 $0x80000000, v8  }
0x213: {  	(xrf0) =	vmin.scan.msk.u32 $0xffff, v8;
	_ =	sdelay $0x5  }
0x214: {  	v8, _, _ =	vpop (xrf0)  }
0x215: {  	(v2sf) =	vpush v8, $0xF;
	_ =	sdelay $0xc  }
.Ltmp24:
0x216: {  	_ = 	snop;
	(pc) =	sbr.rel @!p0 .LBB2_27-.Ltmp24, $4  }
0x217: {  	_ = 	snop  }
0x218: {  	s14 =	spop (v2sf)  }
0x219: {  	s14 =	sxor.u32 $0x80000000, s14  }
0x21a: {  	s15 =	sadd.s32 $0xFFFFFFFF, s26;
	v9 =	vld [tilespmem:s2+$0x0];
	v8 =	vmov s14  }
.LBB2_26:
0x21b: {  	p1 =	sne.s32 s15, $0x1;
	v10 =	vld [tilespmem:s0+$0x0];
	_ =	sdelay $0x2  }
.Ltmp25:
0x21c: {  	(pc) =	sbr.rel @p1 .LBB2_26-.Ltmp25, $4  }
0x21d: {  	vm8 =	veq.s32 v9, v8  }
0x21e: {  	v9 =	vsel vm8, $0xFF800000, v10  }
0x21f: {  	s2 =	sadd.s32 $0x10, s2;
	[tilespmem:s0+$0x0] =	vst v9  }
0x220: {  	s15 =	sadd.s32 $0xFFFFFFFF, s15;
	s0 =	sadd.s32 $0x10, s0;
	v9 =	vld [tilespmem:s2+$0x0]  }
.LBB2_27:
0x221: {  	v10 =	vld [tilespmem:s0+$0x0];
	_ =	sdelay $0x2  }
.Ltmp26:
0x222: {  	_ = 	snop;
	(pc) =	sbr.rel @!p0 .LBB2_29-.Ltmp26, $4  }
0x223: {  	vm8 =	veq.s32 v9, v8  }
0x224: {  	v8 =	vsel vm8, $0xFF800000, v10  }
0x225: {  	vm8 =	veq.s32 v3, $0x1;
	[tilespmem:s0+$0x0] =	vst v8;
	s0 =	simm.s32 $0x18A80  }
0x226: {  	v5 =	vsel vm1, v7, v5;
	v7 =	vimm.f32 $-Inf;
	s2 =	sadd.s32 $0xFFFFFFFF, s26;
	v6 =	vsel vm8, s14, v6;
	s14 =	simm.s32 $0x18A80;
	v8 =	vld [tilespmem:s0+$0x0]  }
.LBB2_28:
0x227: {  	p1 =	sne.s32 s2, $0x1  }
.Ltmp27:
0x228: {  	_ = 	snop;
	(pc) =	sbr.rel @p1 .LBB2_28-.Ltmp27, $3  }
0x229: {  	_ =	sdelay $0x1  }
0x22a: {  	s2 =	sadd.s32 $0xFFFFFFFF, s2;
	s14 =	sadd.s32 $0x10, s14;
	v7 =	vmax.f32 v7, v8  }
0x22b: {  	v8 =	vld [tilespmem:s14+$0x0]  }
.LBB2_29:
0x22c: {  	_ =	sdelay $0x3  }
0x22d: {  	v7 =	vmax.f32 v7, v8  }
0x22e: {  	(xrf0) =	vmax.scan.msk.f32 $0xffff, v7;
	_ =	sdelay $0x3  }
0x22f: {  	v10 =	vld [tilespmem:s0+$0x0];
	s0 =	simm.s32 $0x18F00  }
.Ltmp28:
0x230: {  	v9 =	vld [tilespmem:s0+$0x0];
	(pc) =	sbr.rel @!p0 .LBB2_31-.Ltmp28, $3  }
0x231: {  	v7, _, _ =	vpop (xrf0)  }
0x232: {  	v7 =	vbroadcast v7, $0xF;
	_ =	sdelay $0x1  }
0x233: {  	s2 =	sadd.s32 $0xFFFFFFFF, s26;
	s14 =	simm.s32 $0x18A90;
	s15 =	simm.s32 $0x18F00;
	v8 =	vimm.s32 $0x7FFFFFFF;
	vm8 =	veq.f32 v10, v7  }
.LBB2_30:
0x234: {  	v10 =	vld [tilespmem:s14+$0x0];
	p1 =	sne.s32 s2, $0x1;
	s2 =	sadd.s32 $0xFFFFFFFF, s2;
	v11 =	vnsel vm8, $0x7FFFFFFF, v9;
	s15 =	sadd.s32 $0x10, s15  }
.Ltmp29:
0x235: {  	v9 =	vld [tilespmem:s15+$0x0];
	vm8 =	vlt.s32 v8, v11;
	(pc) =	sbr.rel @p1 .LBB2_30-.Ltmp29, $2  }
0x236: {  	v8 =	vsel vm8, v8, v11;
	_ =	sdelay $0x2  }
0x237: {  	s14 =	sadd.s32 $0x10, s14;
	vm8 =	veq.f32 v10, v7  }
.LBB2_31:
0x238: {  	v9 =	vnsel vm8, $0x7FFFFFFF, v9  }
0x239: {  	vm8 =	vlt.s32 v8, v9  }
0x23a: {  	v8 =	vsel vm8, v8, v9  }
0x23b: {  	v8 =	vxor.u32 $0x80000000, v8  }
0x23c: {  	(xrf0) =	vmin.scan.msk.u32 $0xffff, v8;
	_ =	sdelay $0x5  }
0x23d: {  	v8, _, _ =	vpop (xrf0)  }
0x23e: {  	(v2sf) =	vpush v8, $0xF;
	_ =	sdelay $0xc  }
.Ltmp30:
0x23f: {  	_ = 	snop;
	(pc) =	sbr.rel @!p0 .LBB2_33-.Ltmp30, $4  }
0x240: {  	_ = 	snop  }
0x241: {  	s2 =	spop (v2sf)  }
0x242: {  	s14 =	sxor.u32 $0x80000000, s2  }
0x243: {  	s16 =	sadd.s32 $0xFFFFFFFF, s26;
	s15 =	simm.s32 $0x18A80;
	v9 =	vld [tilespmem:s0+$0x0];
	s2 =	simm.s32 $0x18A80;
	v8 =	vmov s14  }
.LBB2_32:
0x244: {  	p1 =	sne.s32 s16, $0x1;
	v10 =	vld [tilespmem:s15+$0x0];
	_ =	sdelay $0x2  }
.Ltmp31:
0x245: {  	(pc) =	sbr.rel @p1 .LBB2_32-.Ltmp31, $4  }
0x246: {  	vm8 =	veq.s32 v9, v8  }
0x247: {  	v9 =	vsel vm8, $0xFF800000, v10  }
0x248: {  	s0 =	sadd.s32 $0x10, s0;
	[tilespmem:s15+$0x0] =	vst v9  }
0x249: {  	s16 =	sadd.s32 $0xFFFFFFFF, s16;
	s15 =	sadd.s32 $0x10, s15;
	v9 =	vld [tilespmem:s0+$0x0]  }
.LBB2_33:
0x24a: {  	v10 =	vld [tilespmem:s15+$0x0];
	_ =	sdelay $0x2  }
.Ltmp32:
0x24b: {  	_ = 	snop;
	(pc) =	sbr.rel @!p0 .LBB2_35-.Ltmp32, $4  }
0x24c: {  	vm8 =	veq.s32 v9, v8  }
0x24d: {  	v8 =	vsel vm8, $0xFF800000, v10  }
0x24e: {  	vm8 =	veq.s32 v3, $0x2;
	[tilespmem:s15+$0x0] =	vst v8  }
0x24f: {  	v5 =	vsel vm2, v7, v5;
	v7 =	vimm.f32 $-Inf;
	s0 =	sadd.s32 $0xFFFFFFFF, s26;
	v6 =	vsel vm8, s14, v6;
	v8 =	vld [tilespmem:s2+$0x0]  }
.LBB2_34:
0x250: {  	p1 =	sne.s32 s0, $0x1  }
.Ltmp33:
0x251: {  	_ = 	snop;
	(pc) =	sbr.rel @p1 .LBB2_34-.Ltmp33, $3  }
0x252: {  	_ =	sdelay $0x1  }
0x253: {  	s0 =	sadd.s32 $0xFFFFFFFF, s0;
	s2 =	sadd.s32 $0x10, s2;
	v7 =	vmax.f32 v7, v8  }
0x254: {  	v8 =	vld [tilespmem:s2+$0x0]  }
.LBB2_35:
0x255: {  	_ =	sdelay $0x3  }
0x256: {  	v7 =	vmax.f32 v7, v8  }
0x257: {  	(xrf0) =	vmax.scan.msk.f32 $0xffff, v7;
	_ =	sdelay $0x2  }
0x258: {  	s0 =	simm.s32 $0x18A80  }
0x259: {  	s2 =	simm.s32 $0x18F00;
	v10 =	vld [tilespmem:s0+$0x0]  }
.Ltmp34:
0x25a: {  	v9 =	vld [tilespmem:s2+$0x0];
	(pc) =	sbr.rel @!p0 .LBB2_37-.Ltmp34, $3  }
0x25b: {  	v7, _, _ =	vpop (xrf0)  }
0x25c: {  	v7 =	vbroadcast v7, $0xF;
	_ =	sdelay $0x1  }
0x25d: {  	s14 =	sadd.s32 $0xFFFFFFFF, s26;
	s15 =	simm.s32 $0x18A90;
	s16 =	simm.s32 $0x18F00;
	v8 =	vimm.s32 $0x7FFFFFFF;
	vm8 =	veq.f32 v10, v7  }
.LBB2_36:
0x25e: {  	v10 =	vld [tilespmem:s15+$0x0];
	p1 =	sne.s32 s14, $0x1;
	s14 =	sadd.s32 $0xFFFFFFFF, s14;
	v11 =	vnsel vm8, $0x7FFFFFFF, v9;
	s16 =	sadd.s32 $0x10, s16  }
.Ltmp35:
0x25f: {  	v9 =	vld [tilespmem:s16+$0x0];
	vm8 =	vlt.s32 v8, v11;
	(pc) =	sbr.rel @p1 .LBB2_36-.Ltmp35, $2  }
0x260: {  	v8 =	vsel vm8, v8, v11;
	_ =	sdelay $0x2  }
0x261: {  	s15 =	sadd.s32 $0x10, s15;
	vm8 =	veq.f32 v10, v7  }
.LBB2_37:
0x262: {  	v9 =	vnsel vm8, $0x7FFFFFFF, v9  }
0x263: {  	vm8 =	vlt.s32 v8, v9  }
0x264: {  	v8 =	vsel vm8, v8, v9  }
0x265: {  	v8 =	vxor.u32 $0x80000000, v8  }
0x266: {  	(xrf0) =	vmin.scan.msk.u32 $0xffff, v8;
	_ =	sdelay $0x5  }
0x267: {  	v8, _, _ =	vpop (xrf0)  }
0x268: {  	(v2sf) =	vpush v8, $0xF;
	_ =	sdelay $0xc  }
.Ltmp36:
0x269: {  	_ = 	snop;
	(pc) =	sbr.rel @!p0 .LBB2_39-.Ltmp36, $4  }
0x26a: {  	_ = 	snop  }
0x26b: {  	s14 =	spop (v2sf)  }
0x26c: {  	s14 =	sxor.u32 $0x80000000, s14  }
0x26d: {  	s15 =	sadd.s32 $0xFFFFFFFF, s26;
	v9 =	vld [tilespmem:s2+$0x0];
	v8 =	vmov s14  }
.LBB2_38:
0x26e: {  	p1 =	sne.s32 s15, $0x1;
	v10 =	vld [tilespmem:s0+$0x0];
	_ =	sdelay $0x2  }
.Ltmp37:
0x26f: {  	(pc) =	sbr.rel @p1 .LBB2_38-.Ltmp37, $4  }
0x270: {  	vm8 =	veq.s32 v9, v8  }
0x271: {  	v9 =	vsel vm8, $0xFF800000, v10  }
0x272: {  	s2 =	sadd.s32 $0x10, s2;
	[tilespmem:s0+$0x0] =	vst v9  }
0x273: {  	s15 =	sadd.s32 $0xFFFFFFFF, s15;
	s0 =	sadd.s32 $0x10, s0;
	v9 =	vld [tilespmem:s2+$0x0]  }
.LBB2_39:
0x274: {  	v10 =	vld [tilespmem:s0+$0x0];
	_ =	sdelay $0x2  }
.Ltmp38:
0x275: {  	_ = 	snop;
	(pc) =	sbr.rel @!p0 .LBB2_41-.Ltmp38, $4  }
0x276: {  	vm8 =	veq.s32 v9, v8  }
0x277: {  	v8 =	vsel vm8, $0xFF800000, v10  }
0x278: {  	vm8 =	veq.s32 v3, $0x3;
	[tilespmem:s0+$0x0] =	vst v8;
	s0 =	simm.s32 $0x18A80  }
0x279: {  	v5 =	vsel vm3, v7, v5;
	v7 =	vimm.f32 $-Inf;
	s2 =	sadd.s32 $0xFFFFFFFF, s26;
	v6 =	vsel vm8, s14, v6;
	s14 =	simm.s32 $0x18A80;
	v8 =	vld [tilespmem:s0+$0x0]  }
.LBB2_40:
0x27a: {  	p1 =	sne.s32 s2, $0x1  }
.Ltmp39:
0x27b: {  	_ = 	snop;
	(pc) =	sbr.rel @p1 .LBB2_40-.Ltmp39, $3  }
0x27c: {  	_ =	sdelay $0x1  }
0x27d: {  	s2 =	sadd.s32 $0xFFFFFFFF, s2;
	s14 =	sadd.s32 $0x10, s14;
	v7 =	vmax.f32 v7, v8  }
0x27e: {  	v8 =	vld [tilespmem:s14+$0x0]  }
.LBB2_41:
0x27f: {  	_ =	sdelay $0x3  }
0x280: {  	v7 =	vmax.f32 v7, v8  }
0x281: {  	(xrf0) =	vmax.scan.msk.f32 $0xffff, v7;
	_ =	sdelay $0x3  }
0x282: {  	v10 =	vld [tilespmem:s0+$0x0];
	s0 =	simm.s32 $0x18F00  }
.Ltmp40:
0x283: {  	v9 =	vld [tilespmem:s0+$0x0];
	(pc) =	sbr.rel @!p0 .LBB2_43-.Ltmp40, $3  }
0x284: {  	v7, _, _ =	vpop (xrf0)  }
0x285: {  	v7 =	vbroadcast v7, $0xF;
	_ =	sdelay $0x1  }
0x286: {  	s2 =	sadd.s32 $0xFFFFFFFF, s26;
	s14 =	simm.s32 $0x18A90;
	s15 =	simm.s32 $0x18F00;
	v8 =	vimm.s32 $0x7FFFFFFF;
	vm8 =	veq.f32 v10, v7  }
.LBB2_42:
0x287: {  	v10 =	vld [tilespmem:s14+$0x0];
	p1 =	sne.s32 s2, $0x1;
	s2 =	sadd.s32 $0xFFFFFFFF, s2;
	v11 =	vnsel vm8, $0x7FFFFFFF, v9;
	s15 =	sadd.s32 $0x10, s15  }
.Ltmp41:
0x288: {  	v9 =	vld [tilespmem:s15+$0x0];
	vm8 =	vlt.s32 v8, v11;
	(pc) =	sbr.rel @p1 .LBB2_42-.Ltmp41, $2  }
0x289: {  	v8 =	vsel vm8, v8, v11;
	_ =	sdelay $0x2  }
0x28a: {  	s14 =	sadd.s32 $0x10, s14;
	vm8 =	veq.f32 v10, v7  }
.LBB2_43:
0x28b: {  	v9 =	vnsel vm8, $0x7FFFFFFF, v9  }
0x28c: {  	vm8 =	vlt.s32 v8, v9  }
0x28d: {  	v8 =	vsel vm8, v8, v9  }
0x28e: {  	v8 =	vxor.u32 $0x80000000, v8  }
0x28f: {  	(xrf0) =	vmin.scan.msk.u32 $0xffff, v8;
	_ =	sdelay $0x5  }
0x290: {  	v8, _, _ =	vpop (xrf0)  }
0x291: {  	(v2sf) =	vpush v8, $0xF;
	_ =	sdelay $0xc  }
.Ltmp42:
0x292: {  	_ = 	snop;
	(pc) =	sbr.rel @!p0 .LBB2_45-.Ltmp42, $4  }
0x293: {  	_ = 	snop  }
0x294: {  	s2 =	spop (v2sf)  }
0x295: {  	s14 =	sxor.u32 $0x80000000, s2  }
0x296: {  	s16 =	sadd.s32 $0xFFFFFFFF, s26;
	s15 =	simm.s32 $0x18A80;
	v9 =	vld [tilespmem:s0+$0x0];
	s2 =	simm.s32 $0x18A80;
	v8 =	vmov s14  }
.LBB2_44:
0x297: {  	p1 =	sne.s32 s16, $0x1;
	v10 =	vld [tilespmem:s15+$0x0];
	_ =	sdelay $0x2  }
.Ltmp43:
0x298: {  	(pc) =	sbr.rel @p1 .LBB2_44-.Ltmp43, $4  }
0x299: {  	vm8 =	veq.s32 v9, v8  }
0x29a: {  	v9 =	vsel vm8, $0xFF800000, v10  }
0x29b: {  	s0 =	sadd.s32 $0x10, s0;
	[tilespmem:s15+$0x0] =	vst v9  }
0x29c: {  	s16 =	sadd.s32 $0xFFFFFFFF, s16;
	s15 =	sadd.s32 $0x10, s15;
	v9 =	vld [tilespmem:s0+$0x0]  }
.LBB2_45:
0x29d: {  	v10 =	vld [tilespmem:s15+$0x0];
	_ =	sdelay $0x2  }
.Ltmp44:
0x29e: {  	_ = 	snop;
	(pc) =	sbr.rel @!p0 .LBB2_47-.Ltmp44, $4  }
0x29f: {  	vm8 =	veq.s32 v9, v8  }
0x2a0: {  	v8 =	vsel vm8, $0xFF800000, v10  }
0x2a1: {  	vm8 =	veq.s32 v3, $0x4;
	[tilespmem:s15+$0x0] =	vst v8  }
0x2a2: {  	v5 =	vsel vm4, v7, v5;
	v7 =	vimm.f32 $-Inf;
	s0 =	sadd.s32 $0xFFFFFFFF, s26;
	v6 =	vsel vm8, s14, v6;
	v8 =	vld [tilespmem:s2+$0x0]  }
.LBB2_46:
0x2a3: {  	p1 =	sne.s32 s0, $0x1  }
.Ltmp45:
0x2a4: {  	_ = 	snop;
	(pc) =	sbr.rel @p1 .LBB2_46-.Ltmp45, $3  }
0x2a5: {  	_ =	sdelay $0x1  }
0x2a6: {  	s0 =	sadd.s32 $0xFFFFFFFF, s0;
	s2 =	sadd.s32 $0x10, s2;
	v7 =	vmax.f32 v7, v8  }
0x2a7: {  	v8 =	vld [tilespmem:s2+$0x0]  }
.LBB2_47:
0x2a8: {  	_ =	sdelay $0x3  }
0x2a9: {  	v7 =	vmax.f32 v7, v8  }
0x2aa: {  	(xrf0) =	vmax.scan.msk.f32 $0xffff, v7;
	_ =	sdelay $0x2  }
0x2ab: {  	s0 =	simm.s32 $0x18A80  }
0x2ac: {  	s2 =	simm.s32 $0x18F00;
	v10 =	vld [tilespmem:s0+$0x0]  }
.Ltmp46:
0x2ad: {  	v9 =	vld [tilespmem:s2+$0x0];
	(pc) =	sbr.rel @!p0 .LBB2_49-.Ltmp46, $3  }
0x2ae: {  	v7, _, _ =	vpop (xrf0)  }
0x2af: {  	v7 =	vbroadcast v7, $0xF;
	_ =	sdelay $0x1  }
0x2b0: {  	s14 =	sadd.s32 $0xFFFFFFFF, s26;
	s15 =	simm.s32 $0x18A90;
	s16 =	simm.s32 $0x18F00;
	v8 =	vimm.s32 $0x7FFFFFFF;
	vm8 =	veq.f32 v10, v7  }
.LBB2_48:
0x2b1: {  	v10 =	vld [tilespmem:s15+$0x0];
	p1 =	sne.s32 s14, $0x1;
	s14 =	sadd.s32 $0xFFFFFFFF, s14;
	v11 =	vnsel vm8, $0x7FFFFFFF, v9;
	s16 =	sadd.s32 $0x10, s16  }
.Ltmp47:
0x2b2: {  	v9 =	vld [tilespmem:s16+$0x0];
	vm8 =	vlt.s32 v8, v11;
	(pc) =	sbr.rel @p1 .LBB2_48-.Ltmp47, $2  }
0x2b3: {  	v8 =	vsel vm8, v8, v11;
	_ =	sdelay $0x2  }
0x2b4: {  	s15 =	sadd.s32 $0x10, s15;
	vm8 =	veq.f32 v10, v7  }
.LBB2_49:
0x2b5: {  	v9 =	vnsel vm8, $0x7FFFFFFF, v9  }
0x2b6: {  	vm8 =	vlt.s32 v8, v9  }
0x2b7: {  	v8 =	vsel vm8, v8, v9  }
0x2b8: {  	v8 =	vxor.u32 $0x80000000, v8  }
0x2b9: {  	(xrf0) =	vmin.scan.msk.u32 $0xffff, v8;
	_ =	sdelay $0x5  }
0x2ba: {  	v8, _, _ =	vpop (xrf0)  }
0x2bb: {  	(v2sf) =	vpush v8, $0xF;
	_ =	sdelay $0xc  }
.Ltmp48:
0x2bc: {  	_ = 	snop;
	(pc) =	sbr.rel @!p0 .LBB2_51-.Ltmp48, $4  }
0x2bd: {  	_ = 	snop  }
0x2be: {  	s14 =	spop (v2sf)  }
0x2bf: {  	s14 =	sxor.u32 $0x80000000, s14  }
0x2c0: {  	s15 =	sadd.s32 $0xFFFFFFFF, s26;
	v9 =	vld [tilespmem:s2+$0x0];
	v8 =	vmov s14  }
.LBB2_50:
0x2c1: {  	p1 =	sne.s32 s15, $0x1;
	v10 =	vld [tilespmem:s0+$0x0];
	_ =	sdelay $0x2  }
.Ltmp49:
0x2c2: {  	(pc) =	sbr.rel @p1 .LBB2_50-.Ltmp49, $4  }
0x2c3: {  	vm8 =	veq.s32 v9, v8  }
0x2c4: {  	v9 =	vsel vm8, $0xFF800000, v10  }
0x2c5: {  	s2 =	sadd.s32 $0x10, s2;
	[tilespmem:s0+$0x0] =	vst v9  }
0x2c6: {  	s15 =	sadd.s32 $0xFFFFFFFF, s15;
	s0 =	sadd.s32 $0x10, s0;
	v9 =	vld [tilespmem:s2+$0x0]  }
.LBB2_51:
0x2c7: {  	v10 =	vld [tilespmem:s0+$0x0];
	_ =	sdelay $0x2  }
.Ltmp50:
0x2c8: {  	_ = 	snop;
	(pc) =	sbr.rel @!p0 .LBB2_53-.Ltmp50, $4  }
0x2c9: {  	vm8 =	veq.s32 v9, v8  }
0x2ca: {  	v8 =	vsel vm8, $0xFF800000, v10  }
0x2cb: {  	vm8 =	veq.s32 v3, $0x5;
	[tilespmem:s0+$0x0] =	vst v8;
	s0 =	simm.s32 $0x18A80  }
0x2cc: {  	v5 =	vsel vm5, v7, v5;
	s2 =	sadd.s32 $0xFFFFFFFF, s26;
	v7 =	vsel vm8, s14, v6;
	v6 =	vimm.f32 $-Inf;
	s14 =	simm.s32 $0x18A80;
	v8 =	vld [tilespmem:s0+$0x0]  }
.LBB2_52:
0x2cd: {  	p1 =	sne.s32 s2, $0x1  }
.Ltmp51:
0x2ce: {  	_ = 	snop;
	(pc) =	sbr.rel @p1 .LBB2_52-.Ltmp51, $3  }
0x2cf: {  	_ =	sdelay $0x1  }
0x2d0: {  	s2 =	sadd.s32 $0xFFFFFFFF, s2;
	s14 =	sadd.s32 $0x10, s14;
	v6 =	vmax.f32 v6, v8  }
0x2d1: {  	v8 =	vld [tilespmem:s14+$0x0]  }
.LBB2_53:
0x2d2: {  	_ =	sdelay $0x3  }
0x2d3: {  	v6 =	vmax.f32 v6, v8  }
0x2d4: {  	(xrf0) =	vmax.scan.msk.f32 $0xffff, v6;
	_ =	sdelay $0x3  }
0x2d5: {  	v10 =	vld [tilespmem:s0+$0x0];
	s0 =	simm.s32 $0x18F00  }
.Ltmp52:
0x2d6: {  	v9 =	vld [tilespmem:s0+$0x0];
	(pc) =	sbr.rel @!p0 .LBB2_55-.Ltmp52, $3  }
0x2d7: {  	v6, _, _ =	vpop (xrf0)  }
0x2d8: {  	v6 =	vbroadcast v6, $0xF;
	_ =	sdelay $0x1  }
0x2d9: {  	s2 =	sadd.s32 $0xFFFFFFFF, s26;
	s14 =	simm.s32 $0x18A90;
	s15 =	simm.s32 $0x18F00;
	v8 =	vimm.s32 $0x7FFFFFFF;
	vm8 =	veq.f32 v10, v6  }
.LBB2_54:
0x2da: {  	v10 =	vld [tilespmem:s14+$0x0];
	p1 =	sne.s32 s2, $0x1;
	s2 =	sadd.s32 $0xFFFFFFFF, s2;
	v11 =	vnsel vm8, $0x7FFFFFFF, v9;
	s15 =	sadd.s32 $0x10, s15  }
.Ltmp53:
0x2db: {  	v9 =	vld [tilespmem:s15+$0x0];
	vm8 =	vlt.s32 v8, v11;
	(pc) =	sbr.rel @p1 .LBB2_54-.Ltmp53, $2  }
0x2dc: {  	v8 =	vsel vm8, v8, v11;
	_ =	sdelay $0x2  }
0x2dd: {  	s14 =	sadd.s32 $0x10, s14;
	vm8 =	veq.f32 v10, v6  }
.LBB2_55:
0x2de: {  	v9 =	vnsel vm8, $0x7FFFFFFF, v9  }
0x2df: {  	vm8 =	vlt.s32 v8, v9  }
0x2e0: {  	v8 =	vsel vm8, v8, v9  }
0x2e1: {  	v8 =	vxor.u32 $0x80000000, v8  }
0x2e2: {  	(xrf0) =	vmin.scan.msk.u32 $0xffff, v8;
	_ =	sdelay $0x5  }
0x2e3: {  	v8, _, _ =	vpop (xrf0)  }
0x2e4: {  	(v2sf) =	vpush v8, $0xF;
	_ =	sdelay $0xc  }
.Ltmp54:
0x2e5: {  	_ = 	snop;
	(pc) =	sbr.rel @!p0 .LBB2_57-.Ltmp54, $4  }
0x2e6: {  	_ = 	snop  }
0x2e7: {  	s2 =	spop (v2sf)  }
0x2e8: {  	s14 =	sxor.u32 $0x80000000, s2  }
0x2e9: {  	s16 =	sadd.s32 $0xFFFFFFFF, s26;
	s15 =	simm.s32 $0x18A80;
	v9 =	vld [tilespmem:s0+$0x0];
	s2 =	simm.s32 $0x18A80;
	v8 =	vmov s14  }
.LBB2_56:
0x2ea: {  	p1 =	sne.s32 s16, $0x1;
	v10 =	vld [tilespmem:s15+$0x0];
	_ =	sdelay $0x2  }
.Ltmp55:
0x2eb: {  	(pc) =	sbr.rel @p1 .LBB2_56-.Ltmp55, $4  }
0x2ec: {  	vm8 =	veq.s32 v9, v8  }
0x2ed: {  	v9 =	vsel vm8, $0xFF800000, v10  }
0x2ee: {  	s0 =	sadd.s32 $0x10, s0;
	[tilespmem:s15+$0x0] =	vst v9  }
0x2ef: {  	s16 =	sadd.s32 $0xFFFFFFFF, s16;
	s15 =	sadd.s32 $0x10, s15;
	v9 =	vld [tilespmem:s0+$0x0]  }
.LBB2_57:
0x2f0: {  	v10 =	vld [tilespmem:s15+$0x0];
	_ =	sdelay $0x2  }
.Ltmp56:
0x2f1: {  	_ = 	snop;
	(pc) =	sbr.rel @!p0 .LBB2_59-.Ltmp56, $4  }
0x2f2: {  	vm8 =	veq.s32 v9, v8  }
0x2f3: {  	v8 =	vsel vm8, $0xFF800000, v10  }
0x2f4: {  	vm8 =	veq.s32 v3, $0x6;
	[tilespmem:s15+$0x0] =	vst v8  }
0x2f5: {  	v6 =	vsel vm6, v6, v5;
	s0 =	sadd.s32 $0xFFFFFFFF, s26;
	v5 =	vsel vm8, s14, v7;
	v7 =	vimm.f32 $-Inf;
	v8 =	vld [tilespmem:s2+$0x0]  }
.LBB2_58:
0x2f6: {  	p1 =	sne.s32 s0, $0x1  }
.Ltmp57:
0x2f7: {  	_ = 	snop;
	(pc) =	sbr.rel @p1 .LBB2_58-.Ltmp57, $3  }
0x2f8: {  	_ =	sdelay $0x1  }
0x2f9: {  	s0 =	sadd.s32 $0xFFFFFFFF, s0;
	s2 =	sadd.s32 $0x10, s2;
	v7 =	vmax.f32 v7, v8  }
0x2fa: {  	v8 =	vld [tilespmem:s2+$0x0]  }
.LBB2_59:
0x2fb: {  	_ =	sdelay $0x3  }
0x2fc: {  	v7 =	vmax.f32 v7, v8  }
0x2fd: {  	(xrf0) =	vmax.scan.msk.f32 $0xffff, v7;
	_ =	sdelay $0x2  }
0x2fe: {  	s0 =	simm.s32 $0x18A80  }
0x2ff: {  	s2 =	simm.s32 $0x18F00;
	v11 =	vld [tilespmem:s0+$0x0]  }
.Ltmp58:
0x300: {  	v10 =	vld [tilespmem:s2+$0x0];
	(pc) =	sbr.rel @!p0 .LBB2_61-.Ltmp58, $3  }
0x301: {  	v7, _, _ =	vpop (xrf0)  }
0x302: {  	v9 =	vbroadcast v7, $0xF;
	_ =	sdelay $0x1  }
0x303: {  	s14 =	sadd.s32 $0xFFFFFFFF, s26;
	s15 =	simm.s32 $0x18A90;
	s16 =	simm.s32 $0x18F00;
	v8 =	vimm.s32 $0x7FFFFFFF;
	vm8 =	veq.f32 v11, v9  }
.LBB2_60:
0x304: {  	v11 =	vld [tilespmem:s15+$0x0];
	p1 =	sne.s32 s14, $0x1;
	s14 =	sadd.s32 $0xFFFFFFFF, s14;
	v12 =	vnsel vm8, $0x7FFFFFFF, v10;
	s16 =	sadd.s32 $0x10, s16  }
.Ltmp59:
0x305: {  	v10 =	vld [tilespmem:s16+$0x0];
	vm8 =	vlt.s32 v8, v12;
	(pc) =	sbr.rel @p1 .LBB2_60-.Ltmp59, $2  }
0x306: {  	v8 =	vsel vm8, v8, v12;
	_ =	sdelay $0x2  }
0x307: {  	s15 =	sadd.s32 $0x10, s15;
	vm8 =	veq.f32 v11, v9  }
.LBB2_61:
0x308: {  	v9 =	vnsel vm8, $0x7FFFFFFF, v10  }
0x309: {  	vm8 =	vlt.s32 v8, v9  }
0x30a: {  	v8 =	vsel vm8, v8, v9  }
0x30b: {  	v8 =	vxor.u32 $0x80000000, v8  }
0x30c: {  	(xrf0) =	vmin.scan.msk.u32 $0xffff, v8;
	_ =	sdelay $0x5  }
0x30d: {  	v8, _, _ =	vpop (xrf0)  }
0x30e: {  	(v2sf) =	vpush v8, $0xF;
	_ =	sdelay $0xc  }
.Ltmp60:
0x30f: {  	_ = 	snop;
	(pc) =	sbr.rel @!p0 .LBB2_63-.Ltmp60, $4  }
0x310: {  	_ = 	snop  }
0x311: {  	s14 =	spop (v2sf)  }
0x312: {  	s14 =	sxor.u32 $0x80000000, s14  }
0x313: {  	s15 =	sadd.s32 $0xFFFFFFFF, s26;
	v9 =	vld [tilespmem:s2+$0x0];
	v8 =	vmov s14  }
.LBB2_62:
0x314: {  	p0 =	sne.s32 s15, $0x1;
	v10 =	vld [tilespmem:s0+$0x0];
	_ =	sdelay $0x2  }
.Ltmp61:
0x315: {  	(pc) =	sbr.rel @p0 .LBB2_62-.Ltmp61, $4  }
0x316: {  	vm8 =	veq.s32 v9, v8  }
0x317: {  	v9 =	vsel vm8, $0xFF800000, v10  }
0x318: {  	s2 =	sadd.s32 $0x10, s2;
	[tilespmem:s0+$0x0] =	vst v9  }
0x319: {  	s15 =	sadd.s32 $0xFFFFFFFF, s15;
	s0 =	sadd.s32 $0x10, s0;
	v9 =	vld [tilespmem:s2+$0x0]  }
.Ltmp62:
0x31a: {  	_ = 	snop;
	(pc) =	sbr.rel .LBB2_63-.Ltmp62, $1  }
0x31b: {  	_ =	sdelay $0x3  }
.LBB2_66:
0x31c: {  	_ =	sfence.sel $0x180000  }
0x31d: {  	[bflag:$0x0] =	sbarrier.arrive $0xFFFF  }
0x31e: {  	_ =	strace $0x90000047  }
0x31f: {  	s0 =	stileid.u32;
	[bflag:$0x2] =	sbarrier.arrive $0xFFFF  }
0x320: {  	p0 =	sne.s32 s0, $0x0;
	s0 =	rddreg [dreg:$0x3]  }
0x321: {  	s0 =	sadd.s32 @!p0 $0x100000, s0  }
0x322: {  	[sflag:s0] =	ssyncadd.tile.s32 @!p0 $0x1;
	_ =	shalt  }
.Lfunc_end2:
_tile_overlayer_lowered:
.L_overlay_start_2:
0x323: {  	(tag) =	ssettag $0x2  }
0x324: {  	s0 =	rddreg [dreg:$0x0];
	s2 =	stileid.u32  }
0x325: {  	s1 =	rddreg [dreg:$0x1];
	p0 =	sne.s32 s2, $0x0  }
0x326: {  	s3 =	rddreg [dreg:$0x2];
	[bflag:$0x3] =	sbarrier.arrive $0xFFFF;
	s2 =	simm.s32 @!p0 $0x1C02  }
0x327: {  	[timem:s3], [sflag:s2] =	dma.local @!p0 [hbm:s0], s1  }
0x328: {  	s0 =	simm.s32 @!p0 $0x2  }
0x329: {  	_ =	swait.ge @!p0 [sflag:s0], s1  }
0x32a: {  	s1 =	ssub.s32 @!p0 $0x0, s1;
	[sflag:s0] =	ssyncset.done @!p0 $0x0  }
0x32b: {  	[sflag:s0] =	ssyncadd.s32 @!p0 s1  }
0x32c: {  	[bflag:$0x3] =	sbarrier.arrive $0xFFFF  }
0x32d: {  	_ =	shalt  }

</sc_bundles>
